<compile_context>
chip_gen: v7x
topology: tpu7x:2x2x1
jax: 0.10.2.dev20260603
libtpu: 0.0.44.dev20260713+nightly
codegen_flags: <defaults>
</compile_context>

<pallas_src>
import functools

import jax
import jax.numpy as jnp
from jax import lax
from jax.experimental import pallas as pl
from jax.experimental.pallas import tpu as pltpu
from jax.experimental.pallas import tpu_sc as plsc

N = 10000
NP = 10240
E = 320000
NUM_GRAPHS = 64
GP = 128
K = 10
ALPHA = 0.1
EPS = 1e-5

NSUB = 16
L = 16
SEG = NP // NSUB
EPT = E // NSUB


def _mlp_body(x_ref, w1_ref, b1_ref, g1_ref, be1_ref,
              w2_ref, b2_ref, g2_ref, be2_ref,
              w3_ref, b3_ref, g3_ref, be3_ref,
              wf_ref, out_ref):
    dn = (((1,), (1,)), ((), ()))

    def bn_relu(h, g, be):
        m = jnp.mean(h, axis=0, keepdims=True)
        d = h - m
        v = jnp.mean(d * d, axis=0, keepdims=True)
        return jnp.maximum(d * lax.rsqrt(v + EPS) * g + be, 0.0)

    h = lax.dot_general(x_ref[...], w1_ref[...], dn,
                        preferred_element_type=jnp.float32) + b1_ref[...]
    h = bn_relu(h, g1_ref[...], be1_ref[...])
    h = lax.dot_general(h, w2_ref[...], dn,
                        preferred_element_type=jnp.float32) + b2_ref[...]
    h = bn_relu(h, g2_ref[...], be2_ref[...])
    h = lax.dot_general(h, w3_ref[...], dn,
                        preferred_element_type=jnp.float32) + b3_ref[...]
    h = bn_relu(h, g3_ref[...], be3_ref[...])
    z0t = lax.dot_general(wf_ref[...], h, dn,
                          preferred_element_type=jnp.float32)
    out_ref[...] = jnp.pad(z0t, ((0, 0), (0, NP - N)))


_sc_mesh = plsc.VectorSubcoreMesh(core_axis_name="c", subcore_axis_name="s")


@functools.partial(
    pl.kernel,
    out_type=jax.ShapeDtypeStruct((2 * NUM_GRAPHS,), jnp.float32),
    mesh=_sc_mesh,
    compiler_params=pltpu.CompilerParams(needs_layout_passes=False),
    scratch_types=[
        pltpu.VMEM((EPT,), jnp.int32),
        pltpu.VMEM((EPT,), jnp.int32),
        pltpu.VMEM((NP,), jnp.float32),
        pltpu.VMEM((NP,), jnp.float32),
        pltpu.VMEM((NSUB, SEG), jnp.float32),
        pltpu.VMEM((SEG,), jnp.float32),
        pltpu.VMEM((SEG,), jnp.float32),
        pltpu.VMEM((SEG,), jnp.float32),
        pltpu.VMEM((SEG,), jnp.float32),
        pltpu.VMEM((SEG,), jnp.int32),
        pltpu.VMEM((GP,), jnp.float32),
        pltpu.VMEM((GP,), jnp.float32),
        pltpu.VMEM((NSUB, GP), jnp.float32),
        pltpu.VMEM((NSUB, GP), jnp.float32),
        pltpu.VMEM((GP,), jnp.float32),
        pltpu.SemaphoreType.DMA,
        pltpu.VMEM_SHARED((NSUB, NP), jnp.float32),
        pltpu.VMEM_SHARED((NP,), jnp.float32),
        pltpu.VMEM_SHARED((NSUB, GP), jnp.float32),
        pltpu.VMEM_SHARED((NSUB, GP), jnp.float32),
    ],
)
def _appnp_sc(row_hbm, col_hbm, batch_hbm, z0_hbm, out_hbm,
              r_v, c_v, u_full, s_full, part,
              z_seg, z0_seg, dinv_seg, u_seg, batch_seg,
              pooled, counts, pool_all, cnt_all, outbuf, u_sem,
              sh_part, sh_u, sh_pool, sh_cnt):
    col = lax.axis_index("c")
    sid = lax.axis_index("s")
    seg_base = sid * SEG
    e_base = sid * EPT

    zero16f = jnp.zeros((L,), jnp.float32)
    one16f = jnp.ones((L,), jnp.float32)

    pltpu.sync_copy(row_hbm.at[pl.ds(e_base, EPT)], r_v)
    pltpu.sync_copy(col_hbm.at[pl.ds(e_base, EPT)], c_v)
    TAIL = N - (NSUB - 1) * SEG

    @pl.when(sid < NSUB - 1)
    def _load_batch_full():
        pltpu.sync_copy(batch_hbm.at[pl.ds(seg_base, SEG)], batch_seg)

    @pl.when(sid == NSUB - 1)
    def _load_batch_tail():
        pltpu.sync_copy(batch_hbm.at[pl.ds((NSUB - 1) * SEG, TAIL)],
                        batch_seg.at[pl.ds(0, TAIL)])
        pad16i = jnp.full((L,), NUM_GRAPHS, jnp.int32)

        def _fill(i, carry):
            batch_seg[pl.ds(TAIL + i * L, L)] = pad16i
            return carry

        lax.fori_loop(0, (SEG - TAIL) // L, _fill, None)

    pltpu.sync_copy(z0_hbm.at[pl.ds(col * NP + seg_base, SEG)], z0_seg)

    def _zero_s_loop():
        def _zs(i, carry):
            s_full[pl.ds(i * L, L)] = zero16f
            return carry

        lax.fori_loop(0, NP // L, _zs, None, unroll=8)

    _zero_s_loop()

    def _deg_edges(i, carry):
        base = i * 10
        idxs = [c_v[pl.ds((base + g) * L, L)] for g in range(10)]
        for g in range(10):
            plsc.addupdate_scatter(s_full, [idxs[g]], one16f)
        return carry

    lax.fori_loop(0, EPT // L // 10, _deg_edges, None)

    pltpu.sync_copy(s_full, sh_part.at[sid])
    plsc.subcore_barrier()
    pltpu.sync_copy(sh_part.at[:, pl.ds(seg_base, SEG)], part)

    def _dinv_chunk(w, carry):
        sl = pl.ds(w * L, L)
        acc = part[0, sl]
        for j in range(1, NSUB):
            acc = acc + part[j, sl]
        deg = acc + 1.0
        y = plsc.bitcast(jnp.int32(0x5F3759DF) - (plsc.bitcast(deg, jnp.int32) >> 1),
                         jnp.float32)
        hx = 0.5 * deg
        for _ in range(3):
            y = y * (1.5 - hx * y * y)
        dinv_seg[sl] = y
        z_seg[sl] = z0_seg[sl]
        u_seg[sl] = y * z0_seg[sl]
        return carry

    lax.fori_loop(0, SEG // L, _dinv_chunk, None)

    pltpu.sync_copy(u_seg, sh_u.at[pl.ds(seg_base, SEG)])
    plsc.subcore_barrier()

    def _round(k, carry):
        udma = pltpu.async_copy(sh_u, u_full, u_sem)
        _zero_s_loop()
        udma.wait()

        def _edges(i, c2):
            base = i * 10
            idxs = []
            vals = []
            for g in range(10):
                sl = pl.ds((base + g) * L, L)
                idxs.append(c_v[sl])
                vals.append(plsc.load_gather(u_full, [r_v[sl]]))
            for g in range(10):
                plsc.addupdate_scatter(s_full, [idxs[g]], vals[g])
            return c2

        lax.fori_loop(0, EPT // L // 10, _edges, None)

        pltpu.sync_copy(s_full, sh_part.at[sid])
        plsc.subcore_barrier()
        pltpu.sync_copy(sh_part.at[:, pl.ds(seg_base, SEG)], part)

        def _update(w, c2):
            sl = pl.ds(w * L, L)
            acc = part[0, sl]
            for j in range(1, NSUB):
                acc = acc + part[j, sl]
            s_tot = acc + u_seg[sl]
            z_new = ((1.0 - ALPHA) * (dinv_seg[sl] * s_tot)
                     + ALPHA * z0_seg[sl])
            z_seg[sl] = z_new
            u_seg[sl] = dinv_seg[sl] * z_new
            return c2

        lax.fori_loop(0, SEG // L, _update, None, unroll=4)
        pltpu.sync_copy(u_seg, sh_u.at[pl.ds(seg_base, SEG)])
        plsc.subcore_barrier()
        return carry

    lax.fori_loop(0, K, _round, None)

    def _zero_g(w, carry):
        sl = pl.ds(w * L, L)
        pooled[sl] = zero16f
        counts[sl] = zero16f
        return carry

    lax.fori_loop(0, GP // L, _zero_g, None)

    def _pool(w, carry):
        sl = pl.ds(w * L, L)
        b = batch_seg[sl]
        plsc.addupdate_scatter(pooled, [b], z_seg[sl])
        plsc.addupdate_scatter(counts, [b], one16f)
        return carry

    lax.fori_loop(0, SEG // L, _pool, None)

    pltpu.sync_copy(pooled, sh_pool.at[sid])
    pltpu.sync_copy(counts, sh_cnt.at[sid])
    plsc.subcore_barrier()

    @pl.when(sid == 0)
    def _final():
        pltpu.sync_copy(sh_pool, pool_all)
        pltpu.sync_copy(sh_cnt, cnt_all)

        def _fin(w, carry):
            sl = pl.ds(w * L, L)
            pa = pool_all[0, sl]
            ca = cnt_all[0, sl]
            for j in range(1, NSUB):
                pa = pa + pool_all[j, sl]
                ca = ca + cnt_all[j, sl]
            outbuf[sl] = pa / jnp.maximum(ca, 1.0)
            return carry

        lax.fori_loop(0, GP // L, _fin, None)
        pltpu.sync_copy(outbuf.at[pl.ds(0, NUM_GRAPHS)],
                        out_hbm.at[pl.ds(col * NUM_GRAPHS, NUM_GRAPHS)])


def kernel(x, edge_index, batch, W1, b1, g1, be1, W2, b2, g2, be2,
           W3, b3, g3, be3, Wf, bf):
    z0p = pl.pallas_call(
        _mlp_body,
        out_shape=jax.ShapeDtypeStruct((2, NP), jnp.float32),
    )(x, W1, b1.reshape(1, -1), g1.reshape(1, -1), be1.reshape(1, -1),
      W2, b2.reshape(1, -1), g2.reshape(1, -1), be2.reshape(1, -1),
      W3, b3.reshape(1, -1), g3.reshape(1, -1), be3.reshape(1, -1),
      Wf)
    out_flat = _appnp_sc(edge_index[0], edge_index[1], batch,
                         z0p.reshape(-1))
    return out_flat.reshape(2, NUM_GRAPHS).T + bf

# --- scband reference (transcript-rebuilt; emitter-appended) ---
"""Pipeline reference for scband-appnpgraph-classifier-45466523795734 (READ-ONLY COPY).

The authoritative reference and input builder live on the scoring server;
editing this copy changes nothing except your own understanding.
"""

import jax, jax.numpy as jnp
import numpy as np

N = 10000
E = 320000
NUM_GRAPHS = 64
K = 10
ALPHA = 0.1
EPS = 1e-5


def setup_inputs(seed: int = 0):
    key = jax.random.key(seed)
    ks = jax.random.split(key, 20)
    x = jax.random.normal(ks[0], (N, 512), dtype=jnp.float32)
    edge_index = jax.random.randint(ks[1], (2, E), 0, N, dtype=jnp.int32)
    batch = jnp.sort(jax.random.randint(ks[2], (N,), 0, NUM_GRAPHS, dtype=jnp.int32))
    s = 0.05
    W1 = jax.random.normal(ks[3], (256, 512), dtype=jnp.float32) * s
    b1 = jnp.zeros((256,), jnp.float32)
    g1 = jnp.ones((256,), jnp.float32)
    be1 = jnp.zeros((256,), jnp.float32)
    W2 = jax.random.normal(ks[4], (256, 256), dtype=jnp.float32) * s
    b2 = jnp.zeros((256,), jnp.float32)
    g2 = jnp.ones((256,), jnp.float32)
    be2 = jnp.zeros((256,), jnp.float32)
    W3 = jax.random.normal(ks[5], (128, 256), dtype=jnp.float32) * s
    b3 = jnp.zeros((128,), jnp.float32)
    g3 = jnp.ones((128,), jnp.float32)
    be3 = jnp.zeros((128,), jnp.float32)
    Wf = jax.random.normal(ks[6], (2, 128), dtype=jnp.float32) * s
    bf = jnp.zeros((2,), jnp.float32)
    return {"x": x, "edge_index": edge_index, "batch": batch,
            "W1": W1, "b1": b1, "g1": g1, "be1": be1,
            "W2": W2, "b2": b2, "g2": g2, "be2": be2,
            "W3": W3, "b3": b3, "g3": g3, "be3": be3,
            "Wf": Wf, "bf": bf}


def _bn(h, gamma, beta):
    mean = jnp.mean(h, axis=0)
    var = jnp.var(h, axis=0)
    return (h - mean) / jnp.sqrt(var + EPS) * gamma + beta


def reference(x, edge_index, batch, W1, b1, g1, be1, W2, b2, g2, be2, W3, b3, g3, be3, Wf, bf):
    h = jnp.maximum(_bn(x @ W1.T + b1, g1, be1), 0.0)
    h = jnp.maximum(_bn(h @ W2.T + b2, g2, be2), 0.0)
    h = jnp.maximum(_bn(h @ W3.T + b3, g3, be3), 0.0)
    # APPNP propagation with GCN normalization + self loops
    row = edge_index[0]
    col = edge_index[1]
    sl = jnp.arange(N, dtype=row.dtype)
    row = jnp.concatenate([row, sl])
    col = jnp.concatenate([col, sl])
    deg = jax.ops.segment_sum(jnp.ones(row.shape[0], jnp.float32), col, num_segments=N)
    dinv = jnp.where(deg > 0, jax.lax.rsqrt(jnp.maximum(deg, 1e-12)), 0.0)
    norm = dinv[row] * dinv[col]
    h0 = h
    for _ in range(K):
        m = h[row] * norm[:, None]
        agg = jax.ops.segment_sum(m, col, num_segments=N)
        h = (1.0 - ALPHA) * agg + ALPHA * h0
    # global mean pool over graphs
    sums = jax.ops.segment_sum(h, batch, num_segments=NUM_GRAPHS)
    counts = jax.ops.segment_sum(jnp.ones((N,), jnp.float32), batch, num_segments=NUM_GRAPHS)
    pooled = sums / jnp.maximum(counts, 1.0)[:, None]
    return pooled @ Wf.T + bf

if __name__ == "__main__":
    import jax
    _d = setup_inputs()
    print(jax.jit(kernel)(*tuple(_d.values())))

</pallas_src>

<mosaic_0001>
#map = affine_map<(d0, d1) -> (0)>
module attributes {stable_mosaic.version = 14 : i64} {
  func.func @_appnp_sc(%arg0: i32, %arg1: i32, %arg2: memref<320000xi32, #tpu.memory_space<hbm>>, %arg3: memref<320000xi32, #tpu.memory_space<hbm>>, %arg4: memref<10000xi32, #tpu.memory_space<hbm>>, %arg5: memref<20480xf32, #tpu.memory_space<hbm>>, %arg6: memref<128xf32, #tpu.memory_space<hbm>>, %arg7: memref<20000xi32, #tpu.memory_space<vmem>>, %arg8: memref<20000xi32, #tpu.memory_space<vmem>>, %arg9: memref<10240xf32, #tpu.memory_space<vmem>>, %arg10: memref<10240xf32, #tpu.memory_space<vmem>>, %arg11: memref<16x640xf32, #tpu.memory_space<vmem>>, %arg12: memref<640xf32, #tpu.memory_space<vmem>>, %arg13: memref<640xf32, #tpu.memory_space<vmem>>, %arg14: memref<640xf32, #tpu.memory_space<vmem>>, %arg15: memref<640xf32, #tpu.memory_space<vmem>>, %arg16: memref<640xi32, #tpu.memory_space<vmem>>, %arg17: memref<128xf32, #tpu.memory_space<vmem>>, %arg18: memref<128xf32, #tpu.memory_space<vmem>>, %arg19: memref<16x128xf32, #tpu.memory_space<vmem>>, %arg20: memref<16x128xf32, #tpu.memory_space<vmem>>, %arg21: memref<128xf32, #tpu.memory_space<vmem>>, %arg22: memref<!tpu.dma_semaphore, #tpu.memory_space<semaphore_mem>>, %arg23: memref<16x10240xf32, #tpu.memory_space<vmem_shared>>, %arg24: memref<10240xf32, #tpu.memory_space<vmem_shared>>, %arg25: memref<16x128xf32, #tpu.memory_space<vmem_shared>>, %arg26: memref<16x128xf32, #tpu.memory_space<vmem_shared>>) attributes {dimension_semantics = [#tpu.dimension_semantics<core_parallel>, #tpu.dimension_semantics<subcore_parallel>], iteration_bounds = array<i64: 2, 16>, scalar_prefetch = 0 : i64, scratch_operands = 20 : i64, tpu.core_type = #tpu.core_type<sc_vector_subcore>, window_params = [{transform_indices = #map}, {transform_indices = #map}, {transform_indices = #map}, {transform_indices = #map}, {transform_indices = #map}]} {
    %mul3A = arith.constant 640 : i32
    %mul3A_0 = arith.muli %arg1, %mul3A : i32
    %mul3A_1 = arith.constant 20000 : i32
    %mul3A_2 = arith.muli %arg1, %mul3A_1 : i32
    %broadcast_in_dim3A = arith.constant 0.000000e+00 : f32
    %broadcast_in_dim3A_3 = vector.broadcast %broadcast_in_dim3A : f32 to vector<16xf32>
    %broadcast_in_dim3A_4 = arith.constant 1.000000e+00 : f32
    %broadcast_in_dim3A_5 = vector.broadcast %broadcast_in_dim3A_4 : f32 to vector<16xf32>
    "tpu.region"() ({
      %run_scoped3A = tpu.sem_alloc : memref<!tpu.dma_semaphore, #tpu.memory_space<semaphore_mem>>
      %dma_start3A = tpu.memref_slice %arg2[%mul3A_2] : memref<320000xi32, #tpu.memory_space<hbm>> -> memref<20000xi32, #tpu.memory_space<hbm>>
      %dma_start3A_50 = tpu.memref_slice %arg2[%mul3A_2] : memref<320000xi32, #tpu.memory_space<hbm>> -> memref<20000xi32, #tpu.memory_space<hbm>>
      tpu.enqueue_dma source(%dma_start3A_50 : memref<20000xi32, #tpu.memory_space<hbm>>) target(%arg7 : memref<20000xi32, #tpu.memory_space<vmem>>) target_semaphore(%run_scoped3A : memref<!tpu.dma_semaphore, #tpu.memory_space<semaphore_mem>>)
      %dma_wait3A = tpu.memref_slice %arg2[%mul3A_2] : memref<320000xi32, #tpu.memory_space<hbm>> -> memref<20000xi32, #tpu.memory_space<hbm>>
      %dma_wait3A_51 = tpu.memref_slice %arg2[%mul3A_2] : memref<320000xi32, #tpu.memory_space<hbm>> -> memref<20000xi32, #tpu.memory_space<hbm>>
      tpu.wait_dma2 semaphore(%run_scoped3A : memref<!tpu.dma_semaphore, #tpu.memory_space<semaphore_mem>>) src(%dma_wait3A_51 : memref<20000xi32, #tpu.memory_space<hbm>>) dst(%arg7 : memref<20000xi32, #tpu.memory_space<vmem>>)
      tpu.yield
    }) : () -> ()
    "tpu.region"() ({
      %run_scoped3A = tpu.sem_alloc : memref<!tpu.dma_semaphore, #tpu.memory_space<semaphore_mem>>
      %dma_start3A = tpu.memref_slice %arg3[%mul3A_2] : memref<320000xi32, #tpu.memory_space<hbm>> -> memref<20000xi32, #tpu.memory_space<hbm>>
      %dma_start3A_50 = tpu.memref_slice %arg3[%mul3A_2] : memref<320000xi32, #tpu.memory_space<hbm>> -> memref<20000xi32, #tpu.memory_space<hbm>>
      tpu.enqueue_dma source(%dma_start3A_50 : memref<20000xi32, #tpu.memory_space<hbm>>) target(%arg8 : memref<20000xi32, #tpu.memory_space<vmem>>) target_semaphore(%run_scoped3A : memref<!tpu.dma_semaphore, #tpu.memory_space<semaphore_mem>>)
      %dma_wait3A = tpu.memref_slice %arg3[%mul3A_2] : memref<320000xi32, #tpu.memory_space<hbm>> -> memref<20000xi32, #tpu.memory_space<hbm>>
      %dma_wait3A_51 = tpu.memref_slice %arg3[%mul3A_2] : memref<320000xi32, #tpu.memory_space<hbm>> -> memref<20000xi32, #tpu.memory_space<hbm>>
      tpu.wait_dma2 semaphore(%run_scoped3A : memref<!tpu.dma_semaphore, #tpu.memory_space<semaphore_mem>>) src(%dma_wait3A_51 : memref<20000xi32, #tpu.memory_space<hbm>>) dst(%arg8 : memref<20000xi32, #tpu.memory_space<vmem>>)
      tpu.yield
    }) : () -> ()
    %lt3A = arith.constant 15 : i32
    %lt3A_6 = arith.cmpi slt, %arg1, %lt3A : i32
    %convert_element_type3A = arith.extui %lt3A_6 : i1 to i32
    %cond3A = arith.constant 0 : i32
    %cond3A_7 = arith.cmpi ne, %convert_element_type3A, %cond3A : i32
    scf.if %cond3A_7 {
      "tpu.region"() ({
        %run_scoped3A = tpu.sem_alloc : memref<!tpu.dma_semaphore, #tpu.memory_space<semaphore_mem>>
        %dma_start3A = tpu.memref_slice %arg4[%mul3A_0] : memref<10000xi32, #tpu.memory_space<hbm>> -> memref<640xi32, #tpu.memory_space<hbm>>
        %dma_start3A_50 = tpu.memref_slice %arg4[%mul3A_0] : memref<10000xi32, #tpu.memory_space<hbm>> -> memref<640xi32, #tpu.memory_space<hbm>>
        tpu.enqueue_dma source(%dma_start3A_50 : memref<640xi32, #tpu.memory_space<hbm>>) target(%arg16 : memref<640xi32, #tpu.memory_space<vmem>>) target_semaphore(%run_scoped3A : memref<!tpu.dma_semaphore, #tpu.memory_space<semaphore_mem>>)
        %dma_wait3A = tpu.memref_slice %arg4[%mul3A_0] : memref<10000xi32, #tpu.memory_space<hbm>> -> memref<640xi32, #tpu.memory_space<hbm>>
        %dma_wait3A_51 = tpu.memref_slice %arg4[%mul3A_0] : memref<10000xi32, #tpu.memory_space<hbm>> -> memref<640xi32, #tpu.memory_space<hbm>>
        tpu.wait_dma2 semaphore(%run_scoped3A : memref<!tpu.dma_semaphore, #tpu.memory_space<semaphore_mem>>) src(%dma_wait3A_51 : memref<640xi32, #tpu.memory_space<hbm>>) dst(%arg16 : memref<640xi32, #tpu.memory_space<vmem>>)
        tpu.yield
      }) : () -> ()
    } else {
    }
    %eq3A = arith.constant 15 : i32
    %eq3A_8 = arith.cmpi eq, %arg1, %eq3A : i32
    %convert_element_type3A_9 = arith.extui %eq3A_8 : i1 to i32
    %cond3A_10 = arith.constant 0 : i32
    %cond3A_11 = arith.cmpi ne, %convert_element_type3A_9, %cond3A_10 : i32
    scf.if %cond3A_11 {
      "tpu.region"() ({
        %run_scoped3A = tpu.sem_alloc : memref<!tpu.dma_semaphore, #tpu.memory_space<semaphore_mem>>
        %dma_start3A = arith.constant 0 : i32
        %dma_start3A_57 = tpu.memref_slice %arg16[%dma_start3A] : memref<640xi32, #tpu.memory_space<vmem>> -> memref<400xi32, #tpu.memory_space<vmem>>
        %dma_start3A_58 = arith.constant 9600 : i32
        %dma_start3A_59 = tpu.memref_slice %arg4[%dma_start3A_58] : memref<10000xi32, #tpu.memory_space<hbm>> -> memref<400xi32, #tpu.memory_space<hbm>>
        %dma_start3A_60 = arith.constant 0 : i32
        %dma_start3A_61 = tpu.memref_slice %arg16[%dma_start3A_60] : memref<640xi32, #tpu.memory_space<vmem>> -> memref<400xi32, #tpu.memory_space<vmem>>
        %dma_start3A_62 = arith.constant 9600 : i32
        %dma_start3A_63 = tpu.memref_slice %arg4[%dma_start3A_62] : memref<10000xi32, #tpu.memory_space<hbm>> -> memref<400xi32, #tpu.memory_space<hbm>>
        tpu.enqueue_dma source(%dma_start3A_63 : memref<400xi32, #tpu.memory_space<hbm>>) target(%dma_start3A_61 : memref<400xi32, #tpu.memory_space<vmem>>) target_semaphore(%run_scoped3A : memref<!tpu.dma_semaphore, #tpu.memory_space<semaphore_mem>>)
        %dma_wait3A = arith.constant 0 : i32
        %dma_wait3A_64 = tpu.memref_slice %arg16[%dma_wait3A] : memref<640xi32, #tpu.memory_space<vmem>> -> memref<400xi32, #tpu.memory_space<vmem>>
        %dma_wait3A_65 = arith.constant 9600 : i32
        %dma_wait3A_66 = tpu.memref_slice %arg4[%dma_wait3A_65] : memref<10000xi32, #tpu.memory_space<hbm>> -> memref<400xi32, #tpu.memory_space<hbm>>
        %dma_wait3A_67 = arith.constant 0 : i32
        %dma_wait3A_68 = tpu.memref_slice %arg16[%dma_wait3A_67] : memref<640xi32, #tpu.memory_space<vmem>> -> memref<400xi32, #tpu.memory_space<vmem>>
        %dma_wait3A_69 = arith.constant 9600 : i32
        %dma_wait3A_70 = tpu.memref_slice %arg4[%dma_wait3A_69] : memref<10000xi32, #tpu.memory_space<hbm>> -> memref<400xi32, #tpu.memory_space<hbm>>
        tpu.wait_dma2 semaphore(%run_scoped3A : memref<!tpu.dma_semaphore, #tpu.memory_space<semaphore_mem>>) src(%dma_wait3A_70 : memref<400xi32, #tpu.memory_space<hbm>>) dst(%dma_wait3A_68 : memref<400xi32, #tpu.memory_space<vmem>>)
        tpu.yield
      }) : () -> ()
      %broadcast_in_dim3A_50 = arith.constant 64 : i32
      %broadcast_in_dim3A_51 = vector.broadcast %broadcast_in_dim3A_50 : i32 to vector<16xi32>
      %scan3A_52 = arith.constant 0 : i32
      %scan3A_53 = arith.constant 15 : i32
      %scan3A_54 = arith.addi %scan3A_52, %scan3A_53 : i32
      %scan3A_55 = arith.constant 1 : i32
      scf.for %scan3A_57 = %scan3A_52 to %scan3A_54 step %scan3A_55  : i32 {
        %mul3A_58 = arith.constant 16 : i32
        %mul3A_59 = arith.muli %scan3A_57, %mul3A_58 : i32
        %add3A_60 = arith.constant 400 : i32
        %add3A_61 = arith.addi %add3A_60, %mul3A_59 : i32
        %swap3A = arith.index_cast %add3A_61 : i32 to index
        %swap3A_62 = tpu.vector_load %arg16[%swap3A] {strides = array<i32>} : memref<640xi32, #tpu.memory_space<vmem>>, vector<16xi32>,
        tpu.vector_store %arg16[%swap3A], %broadcast_in_dim3A_51 {strides = array<i32>} : memref<640xi32, #tpu.memory_space<vmem>>, vector<16xi32>,
      }
      %scan3A_56 = arith.constant 15 : i32
    } else {
    }
    %mul3A_12 = arith.constant 10240 : i32
    %mul3A_13 = arith.muli %arg0, %mul3A_12 : i32
    %add3A = arith.addi %mul3A_13, %mul3A_0 : i32
    "tpu.region"() ({
      %run_scoped3A = tpu.sem_alloc : memref<!tpu.dma_semaphore, #tpu.memory_space<semaphore_mem>>
      %dma_start3A = tpu.memref_slice %arg5[%add3A] : memref<20480xf32, #tpu.memory_space<hbm>> -> memref<640xf32, #tpu.memory_space<hbm>>
      %dma_start3A_50 = tpu.memref_slice %arg5[%add3A] : memref<20480xf32, #tpu.memory_space<hbm>> -> memref<640xf32, #tpu.memory_space<hbm>>
      tpu.enqueue_dma source(%dma_start3A_50 : memref<640xf32, #tpu.memory_space<hbm>>) target(%arg13 : memref<640xf32, #tpu.memory_space<vmem>>) target_semaphore(%run_scoped3A : memref<!tpu.dma_semaphore, #tpu.memory_space<semaphore_mem>>)
      %dma_wait3A = tpu.memref_slice %arg5[%add3A] : memref<20480xf32, #tpu.memory_space<hbm>> -> memref<640xf32, #tpu.memory_space<hbm>>
      %dma_wait3A_51 = tpu.memref_slice %arg5[%add3A] : memref<20480xf32, #tpu.memory_space<hbm>> -> memref<640xf32, #tpu.memory_space<hbm>>
      tpu.wait_dma2 semaphore(%run_scoped3A : memref<!tpu.dma_semaphore, #tpu.memory_space<semaphore_mem>>) src(%dma_wait3A_51 : memref<640xf32, #tpu.memory_space<hbm>>) dst(%arg13 : memref<640xf32, #tpu.memory_space<vmem>>)
      tpu.yield
    }) : () -> ()
    %scan3A = arith.constant 0 : i32
    %scan3A_14 = arith.constant 640 : i32
    %scan3A_15 = arith.addi %scan3A, %scan3A_14 : i32
    %scan3A_16 = arith.constant 8 : i32
    scf.for %scan3A_50 = %scan3A to %scan3A_15 step %scan3A_16  : i32 {
      %mul3A_51 = arith.constant 16 : i32
      %mul3A_52 = arith.muli %scan3A_50, %mul3A_51 : i32
      %swap3A = arith.index_cast %mul3A_52 : i32 to index
      %swap3A_53 = tpu.vector_load %arg10[%swap3A] {strides = array<i32>} : memref<10240xf32, #tpu.memory_space<vmem>>, vector<16xf32>,
      tpu.vector_store %arg10[%swap3A], %broadcast_in_dim3A_3 {strides = array<i32>} : memref<10240xf32, #tpu.memory_space<vmem>>, vector<16xf32>,
      %scan3A_54 = arith.constant 1 : i32
      %scan3A_55 = arith.addi %scan3A_50, %scan3A_54 : i32
      %mul3A_56 = arith.constant 16 : i32
      %mul3A_57 = arith.muli %scan3A_55, %mul3A_56 : i32
      %swap3A_58 = arith.index_cast %mul3A_57 : i32 to index
      %swap3A_59 = tpu.vector_load %arg10[%swap3A_58] {strides = array<i32>} : memref<10240xf32, #tpu.memory_space<vmem>>, vector<16xf32>,
      tpu.vector_store %arg10[%swap3A_58], %broadcast_in_dim3A_3 {strides = array<i32>} : memref<10240xf32, #tpu.memory_space<vmem>>, vector<16xf32>,
      %scan3A_60 = arith.constant 2 : i32
      %scan3A_61 = arith.addi %scan3A_50, %scan3A_60 : i32
      %mul3A_62 = arith.constant 16 : i32
      %mul3A_63 = arith.muli %scan3A_61, %mul3A_62 : i32
      %swap3A_64 = arith.index_cast %mul3A_63 : i32 to index
      %swap3A_65 = tpu.vector_load %arg10[%swap3A_64] {strides = array<i32>} : memref<10240xf32, #tpu.memory_space<vmem>>, vector<16xf32>,
      tpu.vector_store %arg10[%swap3A_64], %broadcast_in_dim3A_3 {strides = array<i32>} : memref<10240xf32, #tpu.memory_space<vmem>>, vector<16xf32>,
      %scan3A_66 = arith.constant 3 : i32
      %scan3A_67 = arith.addi %scan3A_50, %scan3A_66 : i32
      %mul3A_68 = arith.constant 16 : i32
      %mul3A_69 = arith.muli %scan3A_67, %mul3A_68 : i32
      %swap3A_70 = arith.index_cast %mul3A_69 : i32 to index
      %swap3A_71 = tpu.vector_load %arg10[%swap3A_70] {strides = array<i32>} : memref<10240xf32, #tpu.memory_space<vmem>>, vector<16xf32>,
      tpu.vector_store %arg10[%swap3A_70], %broadcast_in_dim3A_3 {strides = array<i32>} : memref<10240xf32, #tpu.memory_space<vmem>>, vector<16xf32>,
      %scan3A_72 = arith.constant 4 : i32
      %scan3A_73 = arith.addi %scan3A_50, %scan3A_72 : i32
      %mul3A_74 = arith.constant 16 : i32
      %mul3A_75 = arith.muli %scan3A_73, %mul3A_74 : i32
      %swap3A_76 = arith.index_cast %mul3A_75 : i32 to index
      %swap3A_77 = tpu.vector_load %arg10[%swap3A_76] {strides = array<i32>} : memref<10240xf32, #tpu.memory_space<vmem>>, vector<16xf32>,
      tpu.vector_store %arg10[%swap3A_76], %broadcast_in_dim3A_3 {strides = array<i32>} : memref<10240xf32, #tpu.memory_space<vmem>>, vector<16xf32>,
      %scan3A_78 = arith.constant 5 : i32
      %scan3A_79 = arith.addi %scan3A_50, %scan3A_78 : i32
      %mul3A_80 = arith.constant 16 : i32
      %mul3A_81 = arith.muli %scan3A_79, %mul3A_80 : i32
      %swap3A_82 = arith.index_cast %mul3A_81 : i32 to index
      %swap3A_83 = tpu.vector_load %arg10[%swap3A_82] {strides = array<i32>} : memref<10240xf32, #tpu.memory_space<vmem>>, vector<16xf32>,
      tpu.vector_store %arg10[%swap3A_82], %broadcast_in_dim3A_3 {strides = array<i32>} : memref<10240xf32, #tpu.memory_space<vmem>>, vector<16xf32>,
      %scan3A_84 = arith.constant 6 : i32
      %scan3A_85 = arith.addi %scan3A_50, %scan3A_84 : i32
      %mul3A_86 = arith.constant 16 : i32
      %mul3A_87 = arith.muli %scan3A_85, %mul3A_86 : i32
      %swap3A_88 = arith.index_cast %mul3A_87 : i32 to index
      %swap3A_89 = tpu.vector_load %arg10[%swap3A_88] {strides = array<i32>} : memref<10240xf32, #tpu.memory_space<vmem>>, vector<16xf32>,
      tpu.vector_store %arg10[%swap3A_88], %broadcast_in_dim3A_3 {strides = array<i32>} : memref<10240xf32, #tpu.memory_space<vmem>>, vector<16xf32>,
      %scan3A_90 = arith.constant 7 : i32
      %scan3A_91 = arith.addi %scan3A_50, %scan3A_90 : i32
      %mul3A_92 = arith.constant 16 : i32
      %mul3A_93 = arith.muli %scan3A_91, %mul3A_92 : i32
      %swap3A_94 = arith.index_cast %mul3A_93 : i32 to index
      %swap3A_95 = tpu.vector_load %arg10[%swap3A_94] {strides = array<i32>} : memref<10240xf32, #tpu.memory_space<vmem>>, vector<16xf32>,
      tpu.vector_store %arg10[%swap3A_94], %broadcast_in_dim3A_3 {strides = array<i32>} : memref<10240xf32, #tpu.memory_space<vmem>>, vector<16xf32>,
    }
    %scan3A_17 = arith.constant 640 : i32
    %scan3A_18 = arith.constant 0 : i32
    %scan3A_19 = arith.constant 125 : i32
    %scan3A_20 = arith.addi %scan3A_18, %scan3A_19 : i32
    %scan3A_21 = arith.constant 1 : i32
    scf.for %scan3A_50 = %scan3A_18 to %scan3A_20 step %scan3A_21  : i32 {
      %mul3A_51 = arith.constant 10 : i32
      %mul3A_52 = arith.muli %scan3A_50, %mul3A_51 : i32
      %add3A_53 = arith.constant 0 : i32
      %add3A_54 = arith.addi %mul3A_52, %add3A_53 : i32
      %mul3A_55 = arith.constant 16 : i32
      %mul3A_56 = arith.muli %add3A_54, %mul3A_55 : i32
      %get3A = arith.index_cast %mul3A_56 : i32 to index
      %get3A_57 = tpu.vector_load %arg8[%get3A] {strides = array<i32>} : memref<20000xi32, #tpu.memory_space<vmem>>, vector<16xi32>,
      %add3A_58 = arith.constant 1 : i32
      %add3A_59 = arith.addi %mul3A_52, %add3A_58 : i32
      %mul3A_60 = arith.constant 16 : i32
      %mul3A_61 = arith.muli %add3A_59, %mul3A_60 : i32
      %get3A_62 = arith.index_cast %mul3A_61 : i32 to index
      %get3A_63 = tpu.vector_load %arg8[%get3A_62] {strides = array<i32>} : memref<20000xi32, #tpu.memory_space<vmem>>, vector<16xi32>,
      %add3A_64 = arith.constant 2 : i32
      %add3A_65 = arith.addi %mul3A_52, %add3A_64 : i32
      %mul3A_66 = arith.constant 16 : i32
      %mul3A_67 = arith.muli %add3A_65, %mul3A_66 : i32
      %get3A_68 = arith.index_cast %mul3A_67 : i32 to index
      %get3A_69 = tpu.vector_load %arg8[%get3A_68] {strides = array<i32>} : memref<20000xi32, #tpu.memory_space<vmem>>, vector<16xi32>,
      %add3A_70 = arith.constant 3 : i32
      %add3A_71 = arith.addi %mul3A_52, %add3A_70 : i32
      %mul3A_72 = arith.constant 16 : i32
      %mul3A_73 = arith.muli %add3A_71, %mul3A_72 : i32
      %get3A_74 = arith.index_cast %mul3A_73 : i32 to index
      %get3A_75 = tpu.vector_load %arg8[%get3A_74] {strides = array<i32>} : memref<20000xi32, #tpu.memory_space<vmem>>, vector<16xi32>,
      %add3A_76 = arith.constant 4 : i32
      %add3A_77 = arith.addi %mul3A_52, %add3A_76 : i32
      %mul3A_78 = arith.constant 16 : i32
      %mul3A_79 = arith.muli %add3A_77, %mul3A_78 : i32
      %get3A_80 = arith.index_cast %mul3A_79 : i32 to index
      %get3A_81 = tpu.vector_load %arg8[%get3A_80] {strides = array<i32>} : memref<20000xi32, #tpu.memory_space<vmem>>, vector<16xi32>,
      %add3A_82 = arith.constant 5 : i32
      %add3A_83 = arith.addi %mul3A_52, %add3A_82 : i32
      %mul3A_84 = arith.constant 16 : i32
      %mul3A_85 = arith.muli %add3A_83, %mul3A_84 : i32
      %get3A_86 = arith.index_cast %mul3A_85 : i32 to index
      %get3A_87 = tpu.vector_load %arg8[%get3A_86] {strides = array<i32>} : memref<20000xi32, #tpu.memory_space<vmem>>, vector<16xi32>,
      %add3A_88 = arith.constant 6 : i32
      %add3A_89 = arith.addi %mul3A_52, %add3A_88 : i32
      %mul3A_90 = arith.constant 16 : i32
      %mul3A_91 = arith.muli %add3A_89, %mul3A_90 : i32
      %get3A_92 = arith.index_cast %mul3A_91 : i32 to index
      %get3A_93 = tpu.vector_load %arg8[%get3A_92] {strides = array<i32>} : memref<20000xi32, #tpu.memory_space<vmem>>, vector<16xi32>,
      %add3A_94 = arith.constant 7 : i32
      %add3A_95 = arith.addi %mul3A_52, %add3A_94 : i32
      %mul3A_96 = arith.constant 16 : i32
      %mul3A_97 = arith.muli %add3A_95, %mul3A_96 : i32
      %get3A_98 = arith.index_cast %mul3A_97 : i32 to index
      %get3A_99 = tpu.vector_load %arg8[%get3A_98] {strides = array<i32>} : memref<20000xi32, #tpu.memory_space<vmem>>, vector<16xi32>,
      %add3A_100 = arith.constant 8 : i32
      %add3A_101 = arith.addi %mul3A_52, %add3A_100 : i32
      %mul3A_102 = arith.constant 16 : i32
      %mul3A_103 = arith.muli %add3A_101, %mul3A_102 : i32
      %get3A_104 = arith.index_cast %mul3A_103 : i32 to index
      %get3A_105 = tpu.vector_load %arg8[%get3A_104] {strides = array<i32>} : memref<20000xi32, #tpu.memory_space<vmem>>, vector<16xi32>,
      %add3A_106 = arith.constant 9 : i32
      %add3A_107 = arith.addi %mul3A_52, %add3A_106 : i32
      %mul3A_108 = arith.constant 16 : i32
      %mul3A_109 = arith.muli %add3A_107, %mul3A_108 : i32
      %get3A_110 = arith.index_cast %mul3A_109 : i32 to index
      %get3A_111 = tpu.vector_load %arg8[%get3A_110] {strides = array<i32>} : memref<20000xi32, #tpu.memory_space<vmem>>, vector<16xi32>,
      tpu.vector_store_idx %arg10[%get3A_57], %broadcast_in_dim3A_5 {add = true} : memref<10240xf32, #tpu.memory_space<vmem>>[vector<16xi32>], vector<16xf32>,
      tpu.vector_store_idx %arg10[%get3A_63], %broadcast_in_dim3A_5 {add = true} : memref<10240xf32, #tpu.memory_space<vmem>>[vector<16xi32>], vector<16xf32>,
      tpu.vector_store_idx %arg10[%get3A_69], %broadcast_in_dim3A_5 {add = true} : memref<10240xf32, #tpu.memory_space<vmem>>[vector<16xi32>], vector<16xf32>,
      tpu.vector_store_idx %arg10[%get3A_75], %broadcast_in_dim3A_5 {add = true} : memref<10240xf32, #tpu.memory_space<vmem>>[vector<16xi32>], vector<16xf32>,
      tpu.vector_store_idx %arg10[%get3A_81], %broadcast_in_dim3A_5 {add = true} : memref<10240xf32, #tpu.memory_space<vmem>>[vector<16xi32>], vector<16xf32>,
      tpu.vector_store_idx %arg10[%get3A_87], %broadcast_in_dim3A_5 {add = true} : memref<10240xf32, #tpu.memory_space<vmem>>[vector<16xi32>], vector<16xf32>,
      tpu.vector_store_idx %arg10[%get3A_93], %broadcast_in_dim3A_5 {add = true} : memref<10240xf32, #tpu.memory_space<vmem>>[vector<16xi32>], vector<16xf32>,
      tpu.vector_store_idx %arg10[%get3A_99], %broadcast_in_dim3A_5 {add = true} : memref<10240xf32, #tpu.memory_space<vmem>>[vector<16xi32>], vector<16xf32>,
      tpu.vector_store_idx %arg10[%get3A_105], %broadcast_in_dim3A_5 {add = true} : memref<10240xf32, #tpu.memory_space<vmem>>[vector<16xi32>], vector<16xf32>,
      tpu.vector_store_idx %arg10[%get3A_111], %broadcast_in_dim3A_5 {add = true} : memref<10240xf32, #tpu.memory_space<vmem>>[vector<16xi32>], vector<16xf32>,
    }
    %scan3A_22 = arith.constant 125 : i32
    "tpu.region"() ({
      %run_scoped3A = tpu.sem_alloc : memref<!tpu.dma_semaphore, #tpu.memory_space<semaphore_mem>>
      %dma_start3A = arith.constant 0 : i32
      %dma_start3A_50 = tpu.memref_slice %arg23[%arg1, %dma_start3A] : memref<16x10240xf32, #tpu.memory_space<vmem_shared>> -> memref<1x10240xf32, #tpu.memory_space<vmem_shared>>
      %dma_start3A_51 = tpu.memref_squeeze %dma_start3A_50 : memref<1x10240xf32, #tpu.memory_space<vmem_shared>> -> memref<10240xf32, #tpu.memory_space<vmem_shared>>
      %dma_start3A_52 = arith.constant 0 : i32
      %dma_start3A_53 = tpu.memref_slice %arg23[%arg1, %dma_start3A_52] : memref<16x10240xf32, #tpu.memory_space<vmem_shared>> -> memref<1x10240xf32, #tpu.memory_space<vmem_shared>>
      %dma_start3A_54 = tpu.memref_squeeze %dma_start3A_53 : memref<1x10240xf32, #tpu.memory_space<vmem_shared>> -> memref<10240xf32, #tpu.memory_space<vmem_shared>>
      tpu.enqueue_dma source(%arg10 : memref<10240xf32, #tpu.memory_space<vmem>>) target(%dma_start3A_54 : memref<10240xf32, #tpu.memory_space<vmem_shared>>) target_semaphore(%run_scoped3A : memref<!tpu.dma_semaphore, #tpu.memory_space<semaphore_mem>>)
      %dma_wait3A = arith.constant 0 : i32
      %dma_wait3A_55 = tpu.memref_slice %arg23[%arg1, %dma_wait3A] : memref<16x10240xf32, #tpu.memory_space<vmem_shared>> -> memref<1x10240xf32, #tpu.memory_space<vmem_shared>>
      %dma_wait3A_56 = tpu.memref_squeeze %dma_wait3A_55 : memref<1x10240xf32, #tpu.memory_space<vmem_shared>> -> memref<10240xf32, #tpu.memory_space<vmem_shared>>
      %dma_wait3A_57 = arith.constant 0 : i32
      %dma_wait3A_58 = tpu.memref_slice %arg23[%arg1, %dma_wait3A_57] : memref<16x10240xf32, #tpu.memory_space<vmem_shared>> -> memref<1x10240xf32, #tpu.memory_space<vmem_shared>>
      %dma_wait3A_59 = tpu.memref_squeeze %dma_wait3A_58 : memref<1x10240xf32, #tpu.memory_space<vmem_shared>> -> memref<10240xf32, #tpu.memory_space<vmem_shared>>
      tpu.wait_dma2 semaphore(%run_scoped3A : memref<!tpu.dma_semaphore, #tpu.memory_space<semaphore_mem>>) src(%arg10 : memref<10240xf32, #tpu.memory_space<vmem>>) dst(%dma_wait3A_59 : memref<10240xf32, #tpu.memory_space<vmem_shared>>)
      tpu.yield
    }) : () -> ()
    %barrier3A = arith.constant 0 : index
    tpu.barrier barrier_id(%barrier3A)
    "tpu.region"() ({
      %run_scoped3A = tpu.sem_alloc : memref<!tpu.dma_semaphore, #tpu.memory_space<semaphore_mem>>
      %dma_start3A = arith.constant 0 : i32
      %dma_start3A_50 = tpu.memref_slice %arg23[%dma_start3A, %mul3A_0] : memref<16x10240xf32, #tpu.memory_space<vmem_shared>> -> memref<16x640xf32, #tpu.memory_space<vmem_shared>>
      %dma_start3A_51 = arith.constant 0 : i32
      %dma_start3A_52 = tpu.memref_slice %arg23[%dma_start3A_51, %mul3A_0] : memref<16x10240xf32, #tpu.memory_space<vmem_shared>> -> memref<16x640xf32, #tpu.memory_space<vmem_shared>>
      tpu.enqueue_dma source(%dma_start3A_52 : memref<16x640xf32, #tpu.memory_space<vmem_shared>>) target(%arg11 : memref<16x640xf32, #tpu.memory_space<vmem>>) target_semaphore(%run_scoped3A : memref<!tpu.dma_semaphore, #tpu.memory_space<semaphore_mem>>)
      %dma_wait3A = arith.constant 0 : i32
      %dma_wait3A_53 = tpu.memref_slice %arg23[%dma_wait3A, %mul3A_0] : memref<16x10240xf32, #tpu.memory_space<vmem_shared>> -> memref<16x640xf32, #tpu.memory_space<vmem_shared>>
      %dma_wait3A_54 = arith.constant 0 : i32
      %dma_wait3A_55 = tpu.memref_slice %arg23[%dma_wait3A_54, %mul3A_0] : memref<16x10240xf32, #tpu.memory_space<vmem_shared>> -> memref<16x640xf32, #tpu.memory_space<vmem_shared>>
      tpu.wait_dma2 semaphore(%run_scoped3A : memref<!tpu.dma_semaphore, #tpu.memory_space<semaphore_mem>>) src(%dma_wait3A_55 : memref<16x640xf32, #tpu.memory_space<vmem_shared>>) dst(%arg11 : memref<16x640xf32, #tpu.memory_space<vmem>>)
      tpu.yield
    }) : () -> ()
    %scan3A_23 = arith.constant 0 : i32
    %scan3A_24 = arith.constant 40 : i32
    %scan3A_25 = arith.addi %scan3A_23, %scan3A_24 : i32
    %scan3A_26 = arith.constant 1 : i32
    scf.for %scan3A_50 = %scan3A_23 to %scan3A_25 step %scan3A_26  : i32 {
      %mul3A_51 = arith.constant 16 : i32
      %mul3A_52 = arith.muli %scan3A_50, %mul3A_51 : i32
      %get3A = arith.constant 0 : i32
      %get3A_53 = arith.index_cast %get3A : i32 to index
      %get3A_54 = arith.index_cast %mul3A_52 : i32 to index
      %get3A_55 = tpu.vector_load %arg11[%get3A_53, %get3A_54] {strides = array<i32>} : memref<16x640xf32, #tpu.memory_space<vmem>>, vector<16xf32>,
      %get3A_56 = arith.constant 1 : i32
      %get3A_57 = arith.index_cast %get3A_56 : i32 to index
      %get3A_58 = arith.index_cast %mul3A_52 : i32 to index
      %get3A_59 = tpu.vector_load %arg11[%get3A_57, %get3A_58] {strides = array<i32>} : memref<16x640xf32, #tpu.memory_space<vmem>>, vector<16xf32>,
      %add3A_60 = arith.addf %get3A_55, %get3A_59 : vector<16xf32>
      %get3A_61 = arith.constant 2 : i32
      %get3A_62 = arith.index_cast %get3A_61 : i32 to index
      %get3A_63 = arith.index_cast %mul3A_52 : i32 to index
      %get3A_64 = tpu.vector_load %arg11[%get3A_62, %get3A_63] {strides = array<i32>} : memref<16x640xf32, #tpu.memory_space<vmem>>, vector<16xf32>,
      %add3A_65 = arith.addf %add3A_60, %get3A_64 : vector<16xf32>
      %get3A_66 = arith.constant 3 : i32
      %get3A_67 = arith.index_cast %get3A_66 : i32 to index
      %get3A_68 = arith.index_cast %mul3A_52 : i32 to index
      %get3A_69 = tpu.vector_load %arg11[%get3A_67, %get3A_68] {strides = array<i32>} : memref<16x640xf32, #tpu.memory_space<vmem>>, vector<16xf32>,
      %add3A_70 = arith.addf %add3A_65, %get3A_69 : vector<16xf32>
      %get3A_71 = arith.constant 4 : i32
      %get3A_72 = arith.index_cast %get3A_71 : i32 to index
      %get3A_73 = arith.index_cast %mul3A_52 : i32 to index
      %get3A_74 = tpu.vector_load %arg11[%get3A_72, %get3A_73] {strides = array<i32>} : memref<16x640xf32, #tpu.memory_space<vmem>>, vector<16xf32>,
      %add3A_75 = arith.addf %add3A_70, %get3A_74 : vector<16xf32>
      %get3A_76 = arith.constant 5 : i32
      %get3A_77 = arith.index_cast %get3A_76 : i32 to index
      %get3A_78 = arith.index_cast %mul3A_52 : i32 to index
      %get3A_79 = tpu.vector_load %arg11[%get3A_77, %get3A_78] {strides = array<i32>} : memref<16x640xf32, #tpu.memory_space<vmem>>, vector<16xf32>,
      %add3A_80 = arith.addf %add3A_75, %get3A_79 : vector<16xf32>
      %get3A_81 = arith.constant 6 : i32
      %get3A_82 = arith.index_cast %get3A_81 : i32 to index
      %get3A_83 = arith.index_cast %mul3A_52 : i32 to index
      %get3A_84 = tpu.vector_load %arg11[%get3A_82, %get3A_83] {strides = array<i32>} : memref<16x640xf32, #tpu.memory_space<vmem>>, vector<16xf32>,
      %add3A_85 = arith.addf %add3A_80, %get3A_84 : vector<16xf32>
      %get3A_86 = arith.constant 7 : i32
      %get3A_87 = arith.index_cast %get3A_86 : i32 to index
      %get3A_88 = arith.index_cast %mul3A_52 : i32 to index
      %get3A_89 = tpu.vector_load %arg11[%get3A_87, %get3A_88] {strides = array<i32>} : memref<16x640xf32, #tpu.memory_space<vmem>>, vector<16xf32>,
      %add3A_90 = arith.addf %add3A_85, %get3A_89 : vector<16xf32>
      %get3A_91 = arith.constant 8 : i32
      %get3A_92 = arith.index_cast %get3A_91 : i32 to index
      %get3A_93 = arith.index_cast %mul3A_52 : i32 to index
      %get3A_94 = tpu.vector_load %arg11[%get3A_92, %get3A_93] {strides = array<i32>} : memref<16x640xf32, #tpu.memory_space<vmem>>, vector<16xf32>,
      %add3A_95 = arith.addf %add3A_90, %get3A_94 : vector<16xf32>
      %get3A_96 = arith.constant 9 : i32
      %get3A_97 = arith.index_cast %get3A_96 : i32 to index
      %get3A_98 = arith.index_cast %mul3A_52 : i32 to index
      %get3A_99 = tpu.vector_load %arg11[%get3A_97, %get3A_98] {strides = array<i32>} : memref<16x640xf32, #tpu.memory_space<vmem>>, vector<16xf32>,
      %add3A_100 = arith.addf %add3A_95, %get3A_99 : vector<16xf32>
      %get3A_101 = arith.constant 10 : i32
      %get3A_102 = arith.index_cast %get3A_101 : i32 to index
      %get3A_103 = arith.index_cast %mul3A_52 : i32 to index
      %get3A_104 = tpu.vector_load %arg11[%get3A_102, %get3A_103] {strides = array<i32>} : memref<16x640xf32, #tpu.memory_space<vmem>>, vector<16xf32>,
      %add3A_105 = arith.addf %add3A_100, %get3A_104 : vector<16xf32>
      %get3A_106 = arith.constant 11 : i32
      %get3A_107 = arith.index_cast %get3A_106 : i32 to index
      %get3A_108 = arith.index_cast %mul3A_52 : i32 to index
      %get3A_109 = tpu.vector_load %arg11[%get3A_107, %get3A_108] {strides = array<i32>} : memref<16x640xf32, #tpu.memory_space<vmem>>, vector<16xf32>,
      %add3A_110 = arith.addf %add3A_105, %get3A_109 : vector<16xf32>
      %get3A_111 = arith.constant 12 : i32
      %get3A_112 = arith.index_cast %get3A_111 : i32 to index
      %get3A_113 = arith.index_cast %mul3A_52 : i32 to index
      %get3A_114 = tpu.vector_load %arg11[%get3A_112, %get3A_113] {strides = array<i32>} : memref<16x640xf32, #tpu.memory_space<vmem>>, vector<16xf32>,
      %add3A_115 = arith.addf %add3A_110, %get3A_114 : vector<16xf32>
      %get3A_116 = arith.constant 13 : i32
      %get3A_117 = arith.index_cast %get3A_116 : i32 to index
      %get3A_118 = arith.index_cast %mul3A_52 : i32 to index
      %get3A_119 = tpu.vector_load %arg11[%get3A_117, %get3A_118] {strides = array<i32>} : memref<16x640xf32, #tpu.memory_space<vmem>>, vector<16xf32>,
      %add3A_120 = arith.addf %add3A_115, %get3A_119 : vector<16xf32>
      %get3A_121 = arith.constant 14 : i32
      %get3A_122 = arith.index_cast %get3A_121 : i32 to index
      %get3A_123 = arith.index_cast %mul3A_52 : i32 to index
      %get3A_124 = tpu.vector_load %arg11[%get3A_122, %get3A_123] {strides = array<i32>} : memref<16x640xf32, #tpu.memory_space<vmem>>, vector<16xf32>,
      %add3A_125 = arith.addf %add3A_120, %get3A_124 : vector<16xf32>
      %get3A_126 = arith.constant 15 : i32
      %get3A_127 = arith.index_cast %get3A_126 : i32 to index
      %get3A_128 = arith.index_cast %mul3A_52 : i32 to index
      %get3A_129 = tpu.vector_load %arg11[%get3A_127, %get3A_128] {strides = array<i32>} : memref<16x640xf32, #tpu.memory_space<vmem>>, vector<16xf32>,
      %add3A_130 = arith.addf %add3A_125, %get3A_129 : vector<16xf32>
      %add3A_131 = arith.constant 1.000000e+00 : f32
      %add3A_132 = vector.broadcast %add3A_131 : f32 to vector<16xf32>
      %add3A_133 = arith.addf %add3A_130, %add3A_132 : vector<16xf32>
      %bitcast3A = vector.bitcast %add3A_133 : vector<16xf32> to vector<16xi32>
      %shift_right_arithmetic3A = arith.constant 1 : i32
      %shift_right_arithmetic3A_134 = vector.broadcast %shift_right_arithmetic3A : i32 to vector<16xi32>
      %shift_right_arithmetic3A_135 = arith.shrsi %bitcast3A, %shift_right_arithmetic3A_134 : vector<16xi32>
      %sub3A = arith.constant 1597463007 : i32
      %sub3A_136 = vector.broadcast %sub3A : i32 to vector<16xi32>
      %sub3A_137 = arith.subi %sub3A_136, %shift_right_arithmetic3A_135 : vector<16xi32>
      %bitcast3A_138 = vector.bitcast %sub3A_137 : vector<16xi32> to vector<16xf32>
      %mul3A_139 = arith.constant 5.000000e-01 : f32
      %mul3A_140 = vector.broadcast %mul3A_139 : f32 to vector<16xf32>
      %mul3A_141 = arith.mulf %mul3A_140, %add3A_133 : vector<16xf32>
      %mul3A_142 = arith.mulf %mul3A_141, %bitcast3A_138 : vector<16xf32>
      %mul3A_143 = arith.mulf %mul3A_142, %bitcast3A_138 : vector<16xf32>
      %sub3A_144 = arith.constant 1.500000e+00 : f32
      %sub3A_145 = vector.broadcast %sub3A_144 : f32 to vector<16xf32>
      %sub3A_146 = arith.subf %sub3A_145, %mul3A_143 : vector<16xf32>
      %mul3A_147 = arith.mulf %bitcast3A_138, %sub3A_146 : vector<16xf32>
      %mul3A_148 = arith.mulf %mul3A_141, %mul3A_147 : vector<16xf32>
      %mul3A_149 = arith.mulf %mul3A_148, %mul3A_147 : vector<16xf32>
      %sub3A_150 = arith.constant 1.500000e+00 : f32
      %sub3A_151 = vector.broadcast %sub3A_150 : f32 to vector<16xf32>
      %sub3A_152 = arith.subf %sub3A_151, %mul3A_149 : vector<16xf32>
      %mul3A_153 = arith.mulf %mul3A_147, %sub3A_152 : vector<16xf32>
      %mul3A_154 = arith.mulf %mul3A_141, %mul3A_153 : vector<16xf32>
      %mul3A_155 = arith.mulf %mul3A_154, %mul3A_153 : vector<16xf32>
      %sub3A_156 = arith.constant 1.500000e+00 : f32
      %sub3A_157 = vector.broadcast %sub3A_156 : f32 to vector<16xf32>
      %sub3A_158 = arith.subf %sub3A_157, %mul3A_155 : vector<16xf32>
      %mul3A_159 = arith.mulf %mul3A_153, %sub3A_158 : vector<16xf32>
      %swap3A = arith.index_cast %mul3A_52 : i32 to index
      %swap3A_160 = tpu.vector_load %arg14[%swap3A] {strides = array<i32>} : memref<640xf32, #tpu.memory_space<vmem>>, vector<16xf32>,
      tpu.vector_store %arg14[%swap3A], %mul3A_159 {strides = array<i32>} : memref<640xf32, #tpu.memory_space<vmem>>, vector<16xf32>,
      %get3A_161 = arith.index_cast %mul3A_52 : i32 to index
      %get3A_162 = tpu.vector_load %arg13[%get3A_161] {strides = array<i32>} : memref<640xf32, #tpu.memory_space<vmem>>, vector<16xf32>,
      %swap3A_163 = arith.index_cast %mul3A_52 : i32 to index
      %swap3A_164 = tpu.vector_load %arg12[%swap3A_163] {strides = array<i32>} : memref<640xf32, #tpu.memory_space<vmem>>, vector<16xf32>,
      tpu.vector_store %arg12[%swap3A_163], %get3A_162 {strides = array<i32>} : memref<640xf32, #tpu.memory_space<vmem>>, vector<16xf32>,
      %get3A_165 = arith.index_cast %mul3A_52 : i32 to index
      %get3A_166 = tpu.vector_load %arg13[%get3A_165] {strides = array<i32>} : memref<640xf32, #tpu.memory_space<vmem>>, vector<16xf32>,
      %mul3A_167 = arith.mulf %mul3A_159, %get3A_166 : vector<16xf32>
      %swap3A_168 = arith.index_cast %mul3A_52 : i32 to index
      %swap3A_169 = tpu.vector_load %arg15[%swap3A_168] {strides = array<i32>} : memref<640xf32, #tpu.memory_space<vmem>>, vector<16xf32>,
      tpu.vector_store %arg15[%swap3A_168], %mul3A_167 {strides = array<i32>} : memref<640xf32, #tpu.memory_space<vmem>>, vector<16xf32>,
    }
    %scan3A_27 = arith.constant 40 : i32
    "tpu.region"() ({
      %run_scoped3A = tpu.sem_alloc : memref<!tpu.dma_semaphore, #tpu.memory_space<semaphore_mem>>
      %dma_start3A = tpu.memref_slice %arg24[%mul3A_0] : memref<10240xf32, #tpu.memory_space<vmem_shared>> -> memref<640xf32, #tpu.memory_space<vmem_shared>>
      %dma_start3A_50 = tpu.memref_slice %arg24[%mul3A_0] : memref<10240xf32, #tpu.memory_space<vmem_shared>> -> memref<640xf32, #tpu.memory_space<vmem_shared>>
      tpu.enqueue_dma source(%arg15 : memref<640xf32, #tpu.memory_space<vmem>>) target(%dma_start3A_50 : memref<640xf32, #tpu.memory_space<vmem_shared>>) target_semaphore(%run_scoped3A : memref<!tpu.dma_semaphore, #tpu.memory_space<semaphore_mem>>)
      %dma_wait3A = tpu.memref_slice %arg24[%mul3A_0] : memref<10240xf32, #tpu.memory_space<vmem_shared>> -> memref<640xf32, #tpu.memory_space<vmem_shared>>
      %dma_wait3A_51 = tpu.memref_slice %arg24[%mul3A_0] : memref<10240xf32, #tpu.memory_space<vmem_shared>> -> memref<640xf32, #tpu.memory_space<vmem_shared>>
      tpu.wait_dma2 semaphore(%run_scoped3A : memref<!tpu.dma_semaphore, #tpu.memory_space<semaphore_mem>>) src(%arg15 : memref<640xf32, #tpu.memory_space<vmem>>) dst(%dma_wait3A_51 : memref<640xf32, #tpu.memory_space<vmem_shared>>)
      tpu.yield
    }) : () -> ()
    %barrier3A_28 = arith.constant 0 : index
    tpu.barrier barrier_id(%barrier3A_28)
    %scan3A_29 = arith.constant 0 : i32
    %scan3A_30 = arith.constant 10 : i32
    %scan3A_31 = arith.addi %scan3A_29, %scan3A_30 : i32
    %scan3A_32 = arith.constant 1 : i32
    scf.for %scan3A_50 = %scan3A_29 to %scan3A_31 step %scan3A_32  : i32 {
      tpu.enqueue_dma source(%arg24 : memref<10240xf32, #tpu.memory_space<vmem_shared>>) target(%arg9 : memref<10240xf32, #tpu.memory_space<vmem>>) target_semaphore(%arg22 : memref<!tpu.dma_semaphore, #tpu.memory_space<semaphore_mem>>)
      %scan3A_51 = arith.constant 0 : i32
      %scan3A_52 = arith.constant 640 : i32
      %scan3A_53 = arith.addi %scan3A_51, %scan3A_52 : i32
      %scan3A_54 = arith.constant 8 : i32
      scf.for %scan3A_68 = %scan3A_51 to %scan3A_53 step %scan3A_54  : i32 {
        %mul3A_69 = arith.constant 16 : i32
        %mul3A_70 = arith.muli %scan3A_68, %mul3A_69 : i32
        %swap3A = arith.index_cast %mul3A_70 : i32 to index
        %swap3A_71 = tpu.vector_load %arg10[%swap3A] {strides = array<i32>} : memref<10240xf32, #tpu.memory_space<vmem>>, vector<16xf32>,
        tpu.vector_store %arg10[%swap3A], %broadcast_in_dim3A_3 {strides = array<i32>} : memref<10240xf32, #tpu.memory_space<vmem>>, vector<16xf32>,
        %scan3A_72 = arith.constant 1 : i32
        %scan3A_73 = arith.addi %scan3A_68, %scan3A_72 : i32
        %mul3A_74 = arith.constant 16 : i32
        %mul3A_75 = arith.muli %scan3A_73, %mul3A_74 : i32
        %swap3A_76 = arith.index_cast %mul3A_75 : i32 to index
        %swap3A_77 = tpu.vector_load %arg10[%swap3A_76] {strides = array<i32>} : memref<10240xf32, #tpu.memory_space<vmem>>, vector<16xf32>,
        tpu.vector_store %arg10[%swap3A_76], %broadcast_in_dim3A_3 {strides = array<i32>} : memref<10240xf32, #tpu.memory_space<vmem>>, vector<16xf32>,
        %scan3A_78 = arith.constant 2 : i32
        %scan3A_79 = arith.addi %scan3A_68, %scan3A_78 : i32
        %mul3A_80 = arith.constant 16 : i32
        %mul3A_81 = arith.muli %scan3A_79, %mul3A_80 : i32
        %swap3A_82 = arith.index_cast %mul3A_81 : i32 to index
        %swap3A_83 = tpu.vector_load %arg10[%swap3A_82] {strides = array<i32>} : memref<10240xf32, #tpu.memory_space<vmem>>, vector<16xf32>,
        tpu.vector_store %arg10[%swap3A_82], %broadcast_in_dim3A_3 {strides = array<i32>} : memref<10240xf32, #tpu.memory_space<vmem>>, vector<16xf32>,
        %scan3A_84 = arith.constant 3 : i32
        %scan3A_85 = arith.addi %scan3A_68, %scan3A_84 : i32
        %mul3A_86 = arith.constant 16 : i32
        %mul3A_87 = arith.muli %scan3A_85, %mul3A_86 : i32
        %swap3A_88 = arith.index_cast %mul3A_87 : i32 to index
        %swap3A_89 = tpu.vector_load %arg10[%swap3A_88] {strides = array<i32>} : memref<10240xf32, #tpu.memory_space<vmem>>, vector<16xf32>,
        tpu.vector_store %arg10[%swap3A_88], %broadcast_in_dim3A_3 {strides = array<i32>} : memref<10240xf32, #tpu.memory_space<vmem>>, vector<16xf32>,
        %scan3A_90 = arith.constant 4 : i32
        %scan3A_91 = arith.addi %scan3A_68, %scan3A_90 : i32
        %mul3A_92 = arith.constant 16 : i32
        %mul3A_93 = arith.muli %scan3A_91, %mul3A_92 : i32
        %swap3A_94 = arith.index_cast %mul3A_93 : i32 to index
        %swap3A_95 = tpu.vector_load %arg10[%swap3A_94] {strides = array<i32>} : memref<10240xf32, #tpu.memory_space<vmem>>, vector<16xf32>,
        tpu.vector_store %arg10[%swap3A_94], %broadcast_in_dim3A_3 {strides = array<i32>} : memref<10240xf32, #tpu.memory_space<vmem>>, vector<16xf32>,
        %scan3A_96 = arith.constant 5 : i32
        %scan3A_97 = arith.addi %scan3A_68, %scan3A_96 : i32
        %mul3A_98 = arith.constant 16 : i32
        %mul3A_99 = arith.muli %scan3A_97, %mul3A_98 : i32
        %swap3A_100 = arith.index_cast %mul3A_99 : i32 to index
        %swap3A_101 = tpu.vector_load %arg10[%swap3A_100] {strides = array<i32>} : memref<10240xf32, #tpu.memory_space<vmem>>, vector<16xf32>,
        tpu.vector_store %arg10[%swap3A_100], %broadcast_in_dim3A_3 {strides = array<i32>} : memref<10240xf32, #tpu.memory_space<vmem>>, vector<16xf32>,
        %scan3A_102 = arith.constant 6 : i32
        %scan3A_103 = arith.addi %scan3A_68, %scan3A_102 : i32
        %mul3A_104 = arith.constant 16 : i32
        %mul3A_105 = arith.muli %scan3A_103, %mul3A_104 : i32
        %swap3A_106 = arith.index_cast %mul3A_105 : i32 to index
        %swap3A_107 = tpu.vector_load %arg10[%swap3A_106] {strides = array<i32>} : memref<10240xf32, #tpu.memory_space<vmem>>, vector<16xf32>,
        tpu.vector_store %arg10[%swap3A_106], %broadcast_in_dim3A_3 {strides = array<i32>} : memref<10240xf32, #tpu.memory_space<vmem>>, vector<16xf32>,
        %scan3A_108 = arith.constant 7 : i32
        %scan3A_109 = arith.addi %scan3A_68, %scan3A_108 : i32
        %mul3A_110 = arith.constant 16 : i32
        %mul3A_111 = arith.muli %scan3A_109, %mul3A_110 : i32
        %swap3A_112 = arith.index_cast %mul3A_111 : i32 to index
        %swap3A_113 = tpu.vector_load %arg10[%swap3A_112] {strides = array<i32>} : memref<10240xf32, #tpu.memory_space<vmem>>, vector<16xf32>,
        tpu.vector_store %arg10[%swap3A_112], %broadcast_in_dim3A_3 {strides = array<i32>} : memref<10240xf32, #tpu.memory_space<vmem>>, vector<16xf32>,
      }
      %scan3A_55 = arith.constant 640 : i32
      tpu.wait_dma2 semaphore(%arg22 : memref<!tpu.dma_semaphore, #tpu.memory_space<semaphore_mem>>) src(%arg24 : memref<10240xf32, #tpu.memory_space<vmem_shared>>) dst(%arg9 : memref<10240xf32, #tpu.memory_space<vmem>>)
      %scan3A_56 = arith.constant 0 : i32
      %scan3A_57 = arith.constant 125 : i32
      %scan3A_58 = arith.addi %scan3A_56, %scan3A_57 : i32
      %scan3A_59 = arith.constant 1 : i32
      scf.for %scan3A_68 = %scan3A_56 to %scan3A_58 step %scan3A_59  : i32 {
        %mul3A_69 = arith.constant 10 : i32
        %mul3A_70 = arith.muli %scan3A_68, %mul3A_69 : i32
        %add3A_71 = arith.constant 0 : i32
        %add3A_72 = arith.addi %mul3A_70, %add3A_71 : i32
        %mul3A_73 = arith.constant 16 : i32
        %mul3A_74 = arith.muli %add3A_72, %mul3A_73 : i32
        %get3A = arith.index_cast %mul3A_74 : i32 to index
        %get3A_75 = tpu.vector_load %arg8[%get3A] {strides = array<i32>} : memref<20000xi32, #tpu.memory_space<vmem>>, vector<16xi32>,
        %get3A_76 = arith.index_cast %mul3A_74 : i32 to index
        %get3A_77 = tpu.vector_load %arg7[%get3A_76] {strides = array<i32>} : memref<20000xi32, #tpu.memory_space<vmem>>, vector<16xi32>,
        %gather3A = tpu.vector_load_idx %arg9[%get3A_77] : memref<10240xf32, #tpu.memory_space<vmem>>[vector<16xi32>], vector<16xf32>,
        %add3A_78 = arith.constant 1 : i32
        %add3A_79 = arith.addi %mul3A_70, %add3A_78 : i32
        %mul3A_80 = arith.constant 16 : i32
        %mul3A_81 = arith.muli %add3A_79, %mul3A_80 : i32
        %get3A_82 = arith.index_cast %mul3A_81 : i32 to index
        %get3A_83 = tpu.vector_load %arg8[%get3A_82] {strides = array<i32>} : memref<20000xi32, #tpu.memory_space<vmem>>, vector<16xi32>,
        %get3A_84 = arith.index_cast %mul3A_81 : i32 to index
        %get3A_85 = tpu.vector_load %arg7[%get3A_84] {strides = array<i32>} : memref<20000xi32, #tpu.memory_space<vmem>>, vector<16xi32>,
        %gather3A_86 = tpu.vector_load_idx %arg9[%get3A_85] : memref<10240xf32, #tpu.memory_space<vmem>>[vector<16xi32>], vector<16xf32>,
        %add3A_87 = arith.constant 2 : i32
        %add3A_88 = arith.addi %mul3A_70, %add3A_87 : i32
        %mul3A_89 = arith.constant 16 : i32
        %mul3A_90 = arith.muli %add3A_88, %mul3A_89 : i32
        %get3A_91 = arith.index_cast %mul3A_90 : i32 to index
        %get3A_92 = tpu.vector_load %arg8[%get3A_91] {strides = array<i32>} : memref<20000xi32, #tpu.memory_space<vmem>>, vector<16xi32>,
        %get3A_93 = arith.index_cast %mul3A_90 : i32 to index
        %get3A_94 = tpu.vector_load %arg7[%get3A_93] {strides = array<i32>} : memref<20000xi32, #tpu.memory_space<vmem>>, vector<16xi32>,
        %gather3A_95 = tpu.vector_load_idx %arg9[%get3A_94] : memref<10240xf32, #tpu.memory_space<vmem>>[vector<16xi32>], vector<16xf32>,
        %add3A_96 = arith.constant 3 : i32
        %add3A_97 = arith.addi %mul3A_70, %add3A_96 : i32
        %mul3A_98 = arith.constant 16 : i32
        %mul3A_99 = arith.muli %add3A_97, %mul3A_98 : i32
        %get3A_100 = arith.index_cast %mul3A_99 : i32 to index
        %get3A_101 = tpu.vector_load %arg8[%get3A_100] {strides = array<i32>} : memref<20000xi32, #tpu.memory_space<vmem>>, vector<16xi32>,
        %get3A_102 = arith.index_cast %mul3A_99 : i32 to index
        %get3A_103 = tpu.vector_load %arg7[%get3A_102] {strides = array<i32>} : memref<20000xi32, #tpu.memory_space<vmem>>, vector<16xi32>,
        %gather3A_104 = tpu.vector_load_idx %arg9[%get3A_103] : memref<10240xf32, #tpu.memory_space<vmem>>[vector<16xi32>], vector<16xf32>,
        %add3A_105 = arith.constant 4 : i32
        %add3A_106 = arith.addi %mul3A_70, %add3A_105 : i32
        %mul3A_107 = arith.constant 16 : i32
        %mul3A_108 = arith.muli %add3A_106, %mul3A_107 : i32
        %get3A_109 = arith.index_cast %mul3A_108 : i32 to index
        %get3A_110 = tpu.vector_load %arg8[%get3A_109] {strides = array<i32>} : memref<20000xi32, #tpu.memory_space<vmem>>, vector<16xi32>,
        %get3A_111 = arith.index_cast %mul3A_108 : i32 to index
        %get3A_112 = tpu.vector_load %arg7[%get3A_111] {strides = array<i32>} : memref<20000xi32, #tpu.memory_space<vmem>>, vector<16xi32>,
        %gather3A_113 = tpu.vector_load_idx %arg9[%get3A_112] : memref<10240xf32, #tpu.memory_space<vmem>>[vector<16xi32>], vector<16xf32>,
        %add3A_114 = arith.constant 5 : i32
        %add3A_115 = arith.addi %mul3A_70, %add3A_114 : i32
        %mul3A_116 = arith.constant 16 : i32
        %mul3A_117 = arith.muli %add3A_115, %mul3A_116 : i32
        %get3A_118 = arith.index_cast %mul3A_117 : i32 to index
        %get3A_119 = tpu.vector_load %arg8[%get3A_118] {strides = array<i32>} : memref<20000xi32, #tpu.memory_space<vmem>>, vector<16xi32>,
        %get3A_120 = arith.index_cast %mul3A_117 : i32 to index
        %get3A_121 = tpu.vector_load %arg7[%get3A_120] {strides = array<i32>} : memref<20000xi32, #tpu.memory_space<vmem>>, vector<16xi32>,
        %gather3A_122 = tpu.vector_load_idx %arg9[%get3A_121] : memref<10240xf32, #tpu.memory_space<vmem>>[vector<16xi32>], vector<16xf32>,
        %add3A_123 = arith.constant 6 : i32
        %add3A_124 = arith.addi %mul3A_70, %add3A_123 : i32
        %mul3A_125 = arith.constant 16 : i32
        %mul3A_126 = arith.muli %add3A_124, %mul3A_125 : i32
        %get3A_127 = arith.index_cast %mul3A_126 : i32 to index
        %get3A_128 = tpu.vector_load %arg8[%get3A_127] {strides = array<i32>} : memref<20000xi32, #tpu.memory_space<vmem>>, vector<16xi32>,
        %get3A_129 = arith.index_cast %mul3A_126 : i32 to index
        %get3A_130 = tpu.vector_load %arg7[%get3A_129] {strides = array<i32>} : memref<20000xi32, #tpu.memory_space<vmem>>, vector<16xi32>,
        %gather3A_131 = tpu.vector_load_idx %arg9[%get3A_130] : memref<10240xf32, #tpu.memory_space<vmem>>[vector<16xi32>], vector<16xf32>,
        %add3A_132 = arith.constant 7 : i32
        %add3A_133 = arith.addi %mul3A_70, %add3A_132 : i32
        %mul3A_134 = arith.constant 16 : i32
        %mul3A_135 = arith.muli %add3A_133, %mul3A_134 : i32
        %get3A_136 = arith.index_cast %mul3A_135 : i32 to index
        %get3A_137 = tpu.vector_load %arg8[%get3A_136] {strides = array<i32>} : memref<20000xi32, #tpu.memory_space<vmem>>, vector<16xi32>,
        %get3A_138 = arith.index_cast %mul3A_135 : i32 to index
        %get3A_139 = tpu.vector_load %arg7[%get3A_138] {strides = array<i32>} : memref<20000xi32, #tpu.memory_space<vmem>>, vector<16xi32>,
        %gather3A_140 = tpu.vector_load_idx %arg9[%get3A_139] : memref<10240xf32, #tpu.memory_space<vmem>>[vector<16xi32>], vector<16xf32>,
        %add3A_141 = arith.constant 8 : i32
        %add3A_142 = arith.addi %mul3A_70, %add3A_141 : i32
        %mul3A_143 = arith.constant 16 : i32
        %mul3A_144 = arith.muli %add3A_142, %mul3A_143 : i32
        %get3A_145 = arith.index_cast %mul3A_144 : i32 to index
        %get3A_146 = tpu.vector_load %arg8[%get3A_145] {strides = array<i32>} : memref<20000xi32, #tpu.memory_space<vmem>>, vector<16xi32>,
        %get3A_147 = arith.index_cast %mul3A_144 : i32 to index
        %get3A_148 = tpu.vector_load %arg7[%get3A_147] {strides = array<i32>} : memref<20000xi32, #tpu.memory_space<vmem>>, vector<16xi32>,
        %gather3A_149 = tpu.vector_load_idx %arg9[%get3A_148] : memref<10240xf32, #tpu.memory_space<vmem>>[vector<16xi32>], vector<16xf32>,
        %add3A_150 = arith.constant 9 : i32
        %add3A_151 = arith.addi %mul3A_70, %add3A_150 : i32
        %mul3A_152 = arith.constant 16 : i32
        %mul3A_153 = arith.muli %add3A_151, %mul3A_152 : i32
        %get3A_154 = arith.index_cast %mul3A_153 : i32 to index
        %get3A_155 = tpu.vector_load %arg8[%get3A_154] {strides = array<i32>} : memref<20000xi32, #tpu.memory_space<vmem>>, vector<16xi32>,
        %get3A_156 = arith.index_cast %mul3A_153 : i32 to index
        %get3A_157 = tpu.vector_load %arg7[%get3A_156] {strides = array<i32>} : memref<20000xi32, #tpu.memory_space<vmem>>, vector<16xi32>,
        %gather3A_158 = tpu.vector_load_idx %arg9[%get3A_157] : memref<10240xf32, #tpu.memory_space<vmem>>[vector<16xi32>], vector<16xf32>,
        tpu.vector_store_idx %arg10[%get3A_75], %gather3A {add = true} : memref<10240xf32, #tpu.memory_space<vmem>>[vector<16xi32>], vector<16xf32>,
        tpu.vector_store_idx %arg10[%get3A_83], %gather3A_86 {add = true} : memref<10240xf32, #tpu.memory_space<vmem>>[vector<16xi32>], vector<16xf32>,
        tpu.vector_store_idx %arg10[%get3A_92], %gather3A_95 {add = true} : memref<10240xf32, #tpu.memory_space<vmem>>[vector<16xi32>], vector<16xf32>,
        tpu.vector_store_idx %arg10[%get3A_101], %gather3A_104 {add = true} : memref<10240xf32, #tpu.memory_space<vmem>>[vector<16xi32>], vector<16xf32>,
        tpu.vector_store_idx %arg10[%get3A_110], %gather3A_113 {add = true} : memref<10240xf32, #tpu.memory_space<vmem>>[vector<16xi32>], vector<16xf32>,
        tpu.vector_store_idx %arg10[%get3A_119], %gather3A_122 {add = true} : memref<10240xf32, #tpu.memory_space<vmem>>[vector<16xi32>], vector<16xf32>,
        tpu.vector_store_idx %arg10[%get3A_128], %gather3A_131 {add = true} : memref<10240xf32, #tpu.memory_space<vmem>>[vector<16xi32>], vector<16xf32>,
        tpu.vector_store_idx %arg10[%get3A_137], %gather3A_140 {add = true} : memref<10240xf32, #tpu.memory_space<vmem>>[vector<16xi32>], vector<16xf32>,
        tpu.vector_store_idx %arg10[%get3A_146], %gather3A_149 {add = true} : memref<10240xf32, #tpu.memory_space<vmem>>[vector<16xi32>], vector<16xf32>,
        tpu.vector_store_idx %arg10[%get3A_155], %gather3A_158 {add = true} : memref<10240xf32, #tpu.memory_space<vmem>>[vector<16xi32>], vector<16xf32>,
      }
      %scan3A_60 = arith.constant 125 : i32
      "tpu.region"() ({
        %run_scoped3A = tpu.sem_alloc : memref<!tpu.dma_semaphore, #tpu.memory_space<semaphore_mem>>
        %dma_start3A = arith.constant 0 : i32
        %dma_start3A_68 = tpu.memref_slice %arg23[%arg1, %dma_start3A] : memref<16x10240xf32, #tpu.memory_space<vmem_shared>> -> memref<1x10240xf32, #tpu.memory_space<vmem_shared>>
        %dma_start3A_69 = tpu.memref_squeeze %dma_start3A_68 : memref<1x10240xf32, #tpu.memory_space<vmem_shared>> -> memref<10240xf32, #tpu.memory_space<vmem_shared>>
        %dma_start3A_70 = arith.constant 0 : i32
        %dma_start3A_71 = tpu.memref_slice %arg23[%arg1, %dma_start3A_70] : memref<16x10240xf32, #tpu.memory_space<vmem_shared>> -> memref<1x10240xf32, #tpu.memory_space<vmem_shared>>
        %dma_start3A_72 = tpu.memref_squeeze %dma_start3A_71 : memref<1x10240xf32, #tpu.memory_space<vmem_shared>> -> memref<10240xf32, #tpu.memory_space<vmem_shared>>
        tpu.enqueue_dma source(%arg10 : memref<10240xf32, #tpu.memory_space<vmem>>) target(%dma_start3A_72 : memref<10240xf32, #tpu.memory_space<vmem_shared>>) target_semaphore(%run_scoped3A : memref<!tpu.dma_semaphore, #tpu.memory_space<semaphore_mem>>)
        %dma_wait3A = arith.constant 0 : i32
        %dma_wait3A_73 = tpu.memref_slice %arg23[%arg1, %dma_wait3A] : memref<16x10240xf32, #tpu.memory_space<vmem_shared>> -> memref<1x10240xf32, #tpu.memory_space<vmem_shared>>
        %dma_wait3A_74 = tpu.memref_squeeze %dma_wait3A_73 : memref<1x10240xf32, #tpu.memory_space<vmem_shared>> -> memref<10240xf32, #tpu.memory_space<vmem_shared>>
        %dma_wait3A_75 = arith.constant 0 : i32
        %dma_wait3A_76 = tpu.memref_slice %arg23[%arg1, %dma_wait3A_75] : memref<16x10240xf32, #tpu.memory_space<vmem_shared>> -> memref<1x10240xf32, #tpu.memory_space<vmem_shared>>
        %dma_wait3A_77 = tpu.memref_squeeze %dma_wait3A_76 : memref<1x10240xf32, #tpu.memory_space<vmem_shared>> -> memref<10240xf32, #tpu.memory_space<vmem_shared>>
        tpu.wait_dma2 semaphore(%run_scoped3A : memref<!tpu.dma_semaphore, #tpu.memory_space<semaphore_mem>>) src(%arg10 : memref<10240xf32, #tpu.memory_space<vmem>>) dst(%dma_wait3A_77 : memref<10240xf32, #tpu.memory_space<vmem_shared>>)
        tpu.yield
      }) : () -> ()
      %barrier3A_61 = arith.constant 0 : index
      tpu.barrier barrier_id(%barrier3A_61)
      "tpu.region"() ({
        %run_scoped3A = tpu.sem_alloc : memref<!tpu.dma_semaphore, #tpu.memory_space<semaphore_mem>>
        %dma_start3A = arith.constant 0 : i32
        %dma_start3A_68 = tpu.memref_slice %arg23[%dma_start3A, %mul3A_0] : memref<16x10240xf32, #tpu.memory_space<vmem_shared>> -> memref<16x640xf32, #tpu.memory_space<vmem_shared>>
        %dma_start3A_69 = arith.constant 0 : i32
        %dma_start3A_70 = tpu.memref_slice %arg23[%dma_start3A_69, %mul3A_0] : memref<16x10240xf32, #tpu.memory_space<vmem_shared>> -> memref<16x640xf32, #tpu.memory_space<vmem_shared>>
        tpu.enqueue_dma source(%dma_start3A_70 : memref<16x640xf32, #tpu.memory_space<vmem_shared>>) target(%arg11 : memref<16x640xf32, #tpu.memory_space<vmem>>) target_semaphore(%run_scoped3A : memref<!tpu.dma_semaphore, #tpu.memory_space<semaphore_mem>>)
        %dma_wait3A = arith.constant 0 : i32
        %dma_wait3A_71 = tpu.memref_slice %arg23[%dma_wait3A, %mul3A_0] : memref<16x10240xf32, #tpu.memory_space<vmem_shared>> -> memref<16x640xf32, #tpu.memory_space<vmem_shared>>
        %dma_wait3A_72 = arith.constant 0 : i32
        %dma_wait3A_73 = tpu.memref_slice %arg23[%dma_wait3A_72, %mul3A_0] : memref<16x10240xf32, #tpu.memory_space<vmem_shared>> -> memref<16x640xf32, #tpu.memory_space<vmem_shared>>
        tpu.wait_dma2 semaphore(%run_scoped3A : memref<!tpu.dma_semaphore, #tpu.memory_space<semaphore_mem>>) src(%dma_wait3A_73 : memref<16x640xf32, #tpu.memory_space<vmem_shared>>) dst(%arg11 : memref<16x640xf32, #tpu.memory_space<vmem>>)
        tpu.yield
      }) : () -> ()
      %scan3A_62 = arith.constant 0 : i32
      %scan3A_63 = arith.constant 40 : i32
      %scan3A_64 = arith.addi %scan3A_62, %scan3A_63 : i32
      %scan3A_65 = arith.constant 4 : i32
      scf.for %scan3A_68 = %scan3A_62 to %scan3A_64 step %scan3A_65  : i32 {
        %mul3A_69 = arith.constant 16 : i32
        %mul3A_70 = arith.muli %scan3A_68, %mul3A_69 : i32
        %get3A = arith.constant 0 : i32
        %get3A_71 = arith.index_cast %get3A : i32 to index
        %get3A_72 = arith.index_cast %mul3A_70 : i32 to index
        %get3A_73 = tpu.vector_load %arg11[%get3A_71, %get3A_72] {strides = array<i32>} : memref<16x640xf32, #tpu.memory_space<vmem>>, vector<16xf32>,
        %get3A_74 = arith.constant 1 : i32
        %get3A_75 = arith.index_cast %get3A_74 : i32 to index
        %get3A_76 = arith.index_cast %mul3A_70 : i32 to index
        %get3A_77 = tpu.vector_load %arg11[%get3A_75, %get3A_76] {strides = array<i32>} : memref<16x640xf32, #tpu.memory_space<vmem>>, vector<16xf32>,
        %add3A_78 = arith.addf %get3A_73, %get3A_77 : vector<16xf32>
        %get3A_79 = arith.constant 2 : i32
        %get3A_80 = arith.index_cast %get3A_79 : i32 to index
        %get3A_81 = arith.index_cast %mul3A_70 : i32 to index
        %get3A_82 = tpu.vector_load %arg11[%get3A_80, %get3A_81] {strides = array<i32>} : memref<16x640xf32, #tpu.memory_space<vmem>>, vector<16xf32>,
        %add3A_83 = arith.addf %add3A_78, %get3A_82 : vector<16xf32>
        %get3A_84 = arith.constant 3 : i32
        %get3A_85 = arith.index_cast %get3A_84 : i32 to index
        %get3A_86 = arith.index_cast %mul3A_70 : i32 to index
        %get3A_87 = tpu.vector_load %arg11[%get3A_85, %get3A_86] {strides = array<i32>} : memref<16x640xf32, #tpu.memory_space<vmem>>, vector<16xf32>,
        %add3A_88 = arith.addf %add3A_83, %get3A_87 : vector<16xf32>
        %get3A_89 = arith.constant 4 : i32
        %get3A_90 = arith.index_cast %get3A_89 : i32 to index
        %get3A_91 = arith.index_cast %mul3A_70 : i32 to index
        %get3A_92 = tpu.vector_load %arg11[%get3A_90, %get3A_91] {strides = array<i32>} : memref<16x640xf32, #tpu.memory_space<vmem>>, vector<16xf32>,
        %add3A_93 = arith.addf %add3A_88, %get3A_92 : vector<16xf32>
        %get3A_94 = arith.constant 5 : i32
        %get3A_95 = arith.index_cast %get3A_94 : i32 to index
        %get3A_96 = arith.index_cast %mul3A_70 : i32 to index
        %get3A_97 = tpu.vector_load %arg11[%get3A_95, %get3A_96] {strides = array<i32>} : memref<16x640xf32, #tpu.memory_space<vmem>>, vector<16xf32>,
        %add3A_98 = arith.addf %add3A_93, %get3A_97 : vector<16xf32>
        %get3A_99 = arith.constant 6 : i32
        %get3A_100 = arith.index_cast %get3A_99 : i32 to index
        %get3A_101 = arith.index_cast %mul3A_70 : i32 to index
        %get3A_102 = tpu.vector_load %arg11[%get3A_100, %get3A_101] {strides = array<i32>} : memref<16x640xf32, #tpu.memory_space<vmem>>, vector<16xf32>,
        %add3A_103 = arith.addf %add3A_98, %get3A_102 : vector<16xf32>
        %get3A_104 = arith.constant 7 : i32
        %get3A_105 = arith.index_cast %get3A_104 : i32 to index
        %get3A_106 = arith.index_cast %mul3A_70 : i32 to index
        %get3A_107 = tpu.vector_load %arg11[%get3A_105, %get3A_106] {strides = array<i32>} : memref<16x640xf32, #tpu.memory_space<vmem>>, vector<16xf32>,
        %add3A_108 = arith.addf %add3A_103, %get3A_107 : vector<16xf32>
        %get3A_109 = arith.constant 8 : i32
        %get3A_110 = arith.index_cast %get3A_109 : i32 to index
        %get3A_111 = arith.index_cast %mul3A_70 : i32 to index
        %get3A_112 = tpu.vector_load %arg11[%get3A_110, %get3A_111] {strides = array<i32>} : memref<16x640xf32, #tpu.memory_space<vmem>>, vector<16xf32>,
        %add3A_113 = arith.addf %add3A_108, %get3A_112 : vector<16xf32>
        %get3A_114 = arith.constant 9 : i32
        %get3A_115 = arith.index_cast %get3A_114 : i32 to index
        %get3A_116 = arith.index_cast %mul3A_70 : i32 to index
        %get3A_117 = tpu.vector_load %arg11[%get3A_115, %get3A_116] {strides = array<i32>} : memref<16x640xf32, #tpu.memory_space<vmem>>, vector<16xf32>,
        %add3A_118 = arith.addf %add3A_113, %get3A_117 : vector<16xf32>
        %get3A_119 = arith.constant 10 : i32
        %get3A_120 = arith.index_cast %get3A_119 : i32 to index
        %get3A_121 = arith.index_cast %mul3A_70 : i32 to index
        %get3A_122 = tpu.vector_load %arg11[%get3A_120, %get3A_121] {strides = array<i32>} : memref<16x640xf32, #tpu.memory_space<vmem>>, vector<16xf32>,
        %add3A_123 = arith.addf %add3A_118, %get3A_122 : vector<16xf32>
        %get3A_124 = arith.constant 11 : i32
        %get3A_125 = arith.index_cast %get3A_124 : i32 to index
        %get3A_126 = arith.index_cast %mul3A_70 : i32 to index
        %get3A_127 = tpu.vector_load %arg11[%get3A_125, %get3A_126] {strides = array<i32>} : memref<16x640xf32, #tpu.memory_space<vmem>>, vector<16xf32>,
        %add3A_128 = arith.addf %add3A_123, %get3A_127 : vector<16xf32>
        %get3A_129 = arith.constant 12 : i32
        %get3A_130 = arith.index_cast %get3A_129 : i32 to index
        %get3A_131 = arith.index_cast %mul3A_70 : i32 to index
        %get3A_132 = tpu.vector_load %arg11[%get3A_130, %get3A_131] {strides = array<i32>} : memref<16x640xf32, #tpu.memory_space<vmem>>, vector<16xf32>,
        %add3A_133 = arith.addf %add3A_128, %get3A_132 : vector<16xf32>
        %get3A_134 = arith.constant 13 : i32
        %get3A_135 = arith.index_cast %get3A_134 : i32 to index
        %get3A_136 = arith.index_cast %mul3A_70 : i32 to index
        %get3A_137 = tpu.vector_load %arg11[%get3A_135, %get3A_136] {strides = array<i32>} : memref<16x640xf32, #tpu.memory_space<vmem>>, vector<16xf32>,
        %add3A_138 = arith.addf %add3A_133, %get3A_137 : vector<16xf32>
        %get3A_139 = arith.constant 14 : i32
        %get3A_140 = arith.index_cast %get3A_139 : i32 to index
        %get3A_141 = arith.index_cast %mul3A_70 : i32 to index
        %get3A_142 = tpu.vector_load %arg11[%get3A_140, %get3A_141] {strides = array<i32>} : memref<16x640xf32, #tpu.memory_space<vmem>>, vector<16xf32>,
        %add3A_143 = arith.addf %add3A_138, %get3A_142 : vector<16xf32>
        %get3A_144 = arith.constant 15 : i32
        %get3A_145 = arith.index_cast %get3A_144 : i32 to index
        %get3A_146 = arith.index_cast %mul3A_70 : i32 to index
        %get3A_147 = tpu.vector_load %arg11[%get3A_145, %get3A_146] {strides = array<i32>} : memref<16x640xf32, #tpu.memory_space<vmem>>, vector<16xf32>,
        %add3A_148 = arith.addf %add3A_143, %get3A_147 : vector<16xf32>
        %get3A_149 = arith.index_cast %mul3A_70 : i32 to index
        %get3A_150 = tpu.vector_load %arg15[%get3A_149] {strides = array<i32>} : memref<640xf32, #tpu.memory_space<vmem>>, vector<16xf32>,
        %add3A_151 = arith.addf %add3A_148, %get3A_150 : vector<16xf32>
        %get3A_152 = arith.index_cast %mul3A_70 : i32 to index
        %get3A_153 = tpu.vector_load %arg14[%get3A_152] {strides = array<i32>} : memref<640xf32, #tpu.memory_space<vmem>>, vector<16xf32>,
        %mul3A_154 = arith.mulf %get3A_153, %add3A_151 : vector<16xf32>
        %mul3A_155 = arith.constant 0.899999976 : f32
        %mul3A_156 = vector.broadcast %mul3A_155 : f32 to vector<16xf32>
        %mul3A_157 = arith.mulf %mul3A_156, %mul3A_154 : vector<16xf32>
        %get3A_158 = arith.index_cast %mul3A_70 : i32 to index
        %get3A_159 = tpu.vector_load %arg13[%get3A_158] {strides = array<i32>} : memref<640xf32, #tpu.memory_space<vmem>>, vector<16xf32>,
        %mul3A_160 = arith.constant 1.000000e-01 : f32
        %mul3A_161 = vector.broadcast %mul3A_160 : f32 to vector<16xf32>
        %mul3A_162 = arith.mulf %mul3A_161, %get3A_159 : vector<16xf32>
        %add3A_163 = arith.addf %mul3A_157, %mul3A_162 : vector<16xf32>
        %swap3A = arith.index_cast %mul3A_70 : i32 to index
        %swap3A_164 = tpu.vector_load %arg12[%swap3A] {strides = array<i32>} : memref<640xf32, #tpu.memory_space<vmem>>, vector<16xf32>,
        tpu.vector_store %arg12[%swap3A], %add3A_163 {strides = array<i32>} : memref<640xf32, #tpu.memory_space<vmem>>, vector<16xf32>,
        %get3A_165 = arith.index_cast %mul3A_70 : i32 to index
        %get3A_166 = tpu.vector_load %arg14[%get3A_165] {strides = array<i32>} : memref<640xf32, #tpu.memory_space<vmem>>, vector<16xf32>,
        %mul3A_167 = arith.mulf %get3A_166, %add3A_163 : vector<16xf32>
        %swap3A_168 = arith.index_cast %mul3A_70 : i32 to index
        %swap3A_169 = tpu.vector_load %arg15[%swap3A_168] {strides = array<i32>} : memref<640xf32, #tpu.memory_space<vmem>>, vector<16xf32>,
        tpu.vector_store %arg15[%swap3A_168], %mul3A_167 {strides = array<i32>} : memref<640xf32, #tpu.memory_space<vmem>>, vector<16xf32>,
        %scan3A_170 = arith.constant 1 : i32
        %scan3A_171 = arith.addi %scan3A_68, %scan3A_170 : i32
        %mul3A_172 = arith.constant 16 : i32
        %mul3A_173 = arith.muli %scan3A_171, %mul3A_172 : i32
        %get3A_174 = arith.constant 0 : i32
        %get3A_175 = arith.index_cast %get3A_174 : i32 to index
        %get3A_176 = arith.index_cast %mul3A_173 : i32 to index
        %get3A_177 = tpu.vector_load %arg11[%get3A_175, %get3A_176] {strides = array<i32>} : memref<16x640xf32, #tpu.memory_space<vmem>>, vector<16xf32>,
        %get3A_178 = arith.constant 1 : i32
        %get3A_179 = arith.index_cast %get3A_178 : i32 to index
        %get3A_180 = arith.index_cast %mul3A_173 : i32 to index
        %get3A_181 = tpu.vector_load %arg11[%get3A_179, %get3A_180] {strides = array<i32>} : memref<16x640xf32, #tpu.memory_space<vmem>>, vector<16xf32>,
        %add3A_182 = arith.addf %get3A_177, %get3A_181 : vector<16xf32>
        %get3A_183 = arith.constant 2 : i32
        %get3A_184 = arith.index_cast %get3A_183 : i32 to index
        %get3A_185 = arith.index_cast %mul3A_173 : i32 to index
        %get3A_186 = tpu.vector_load %arg11[%get3A_184, %get3A_185] {strides = array<i32>} : memref<16x640xf32, #tpu.memory_space<vmem>>, vector<16xf32>,
        %add3A_187 = arith.addf %add3A_182, %get3A_186 : vector<16xf32>
        %get3A_188 = arith.constant 3 : i32
        %get3A_189 = arith.index_cast %get3A_188 : i32 to index
        %get3A_190 = arith.index_cast %mul3A_173 : i32 to index
        %get3A_191 = tpu.vector_load %arg11[%get3A_189, %get3A_190] {strides = array<i32>} : memref<16x640xf32, #tpu.memory_space<vmem>>, vector<16xf32>,
        %add3A_192 = arith.addf %add3A_187, %get3A_191 : vector<16xf32>
        %get3A_193 = arith.constant 4 : i32
        %get3A_194 = arith.index_cast %get3A_193 : i32 to index
        %get3A_195 = arith.index_cast %mul3A_173 : i32 to index
        %get3A_196 = tpu.vector_load %arg11[%get3A_194, %get3A_195] {strides = array<i32>} : memref<16x640xf32, #tpu.memory_space<vmem>>, vector<16xf32>,
        %add3A_197 = arith.addf %add3A_192, %get3A_196 : vector<16xf32>
        %get3A_198 = arith.constant 5 : i32
        %get3A_199 = arith.index_cast %get3A_198 : i32 to index
        %get3A_200 = arith.index_cast %mul3A_173 : i32 to index
        %get3A_201 = tpu.vector_load %arg11[%get3A_199, %get3A_200] {strides = array<i32>} : memref<16x640xf32, #tpu.memory_space<vmem>>, vector<16xf32>,
        %add3A_202 = arith.addf %add3A_197, %get3A_201 : vector<16xf32>
        %get3A_203 = arith.constant 6 : i32
        %get3A_204 = arith.index_cast %get3A_203 : i32 to index
        %get3A_205 = arith.index_cast %mul3A_173 : i32 to index
        %get3A_206 = tpu.vector_load %arg11[%get3A_204, %get3A_205] {strides = array<i32>} : memref<16x640xf32, #tpu.memory_space<vmem>>, vector<16xf32>,
        %add3A_207 = arith.addf %add3A_202, %get3A_206 : vector<16xf32>
        %get3A_208 = arith.constant 7 : i32
        %get3A_209 = arith.index_cast %get3A_208 : i32 to index
        %get3A_210 = arith.index_cast %mul3A_173 : i32 to index
        %get3A_211 = tpu.vector_load %arg11[%get3A_209, %get3A_210] {strides = array<i32>} : memref<16x640xf32, #tpu.memory_space<vmem>>, vector<16xf32>,
        %add3A_212 = arith.addf %add3A_207, %get3A_211 : vector<16xf32>
        %get3A_213 = arith.constant 8 : i32
        %get3A_214 = arith.index_cast %get3A_213 : i32 to index
        %get3A_215 = arith.index_cast %mul3A_173 : i32 to index
        %get3A_216 = tpu.vector_load %arg11[%get3A_214, %get3A_215] {strides = array<i32>} : memref<16x640xf32, #tpu.memory_space<vmem>>, vector<16xf32>,
        %add3A_217 = arith.addf %add3A_212, %get3A_216 : vector<16xf32>
        %get3A_218 = arith.constant 9 : i32
        %get3A_219 = arith.index_cast %get3A_218 : i32 to index
        %get3A_220 = arith.index_cast %mul3A_173 : i32 to index
        %get3A_221 = tpu.vector_load %arg11[%get3A_219, %get3A_220] {strides = array<i32>} : memref<16x640xf32, #tpu.memory_space<vmem>>, vector<16xf32>,
        %add3A_222 = arith.addf %add3A_217, %get3A_221 : vector<16xf32>
        %get3A_223 = arith.constant 10 : i32
        %get3A_224 = arith.index_cast %get3A_223 : i32 to index
        %get3A_225 = arith.index_cast %mul3A_173 : i32 to index
        %get3A_226 = tpu.vector_load %arg11[%get3A_224, %get3A_225] {strides = array<i32>} : memref<16x640xf32, #tpu.memory_space<vmem>>, vector<16xf32>,
        %add3A_227 = arith.addf %add3A_222, %get3A_226 : vector<16xf32>
        %get3A_228 = arith.constant 11 : i32
        %get3A_229 = arith.index_cast %get3A_228 : i32 to index
        %get3A_230 = arith.index_cast %mul3A_173 : i32 to index
        %get3A_231 = tpu.vector_load %arg11[%get3A_229, %get3A_230] {strides = array<i32>} : memref<16x640xf32, #tpu.memory_space<vmem>>, vector<16xf32>,
        %add3A_232 = arith.addf %add3A_227, %get3A_231 : vector<16xf32>
        %get3A_233 = arith.constant 12 : i32
        %get3A_234 = arith.index_cast %get3A_233 : i32 to index
        %get3A_235 = arith.index_cast %mul3A_173 : i32 to index
        %get3A_236 = tpu.vector_load %arg11[%get3A_234, %get3A_235] {strides = array<i32>} : memref<16x640xf32, #tpu.memory_space<vmem>>, vector<16xf32>,
        %add3A_237 = arith.addf %add3A_232, %get3A_236 : vector<16xf32>
        %get3A_238 = arith.constant 13 : i32
        %get3A_239 = arith.index_cast %get3A_238 : i32 to index
        %get3A_240 = arith.index_cast %mul3A_173 : i32 to index
        %get3A_241 = tpu.vector_load %arg11[%get3A_239, %get3A_240] {strides = array<i32>} : memref<16x640xf32, #tpu.memory_space<vmem>>, vector<16xf32>,
        %add3A_242 = arith.addf %add3A_237, %get3A_241 : vector<16xf32>
        %get3A_243 = arith.constant 14 : i32
        %get3A_244 = arith.index_cast %get3A_243 : i32 to index
        %get3A_245 = arith.index_cast %mul3A_173 : i32 to index
        %get3A_246 = tpu.vector_load %arg11[%get3A_244, %get3A_245] {strides = array<i32>} : memref<16x640xf32, #tpu.memory_space<vmem>>, vector<16xf32>,
        %add3A_247 = arith.addf %add3A_242, %get3A_246 : vector<16xf32>
        %get3A_248 = arith.constant 15 : i32
        %get3A_249 = arith.index_cast %get3A_248 : i32 to index
        %get3A_250 = arith.index_cast %mul3A_173 : i32 to index
        %get3A_251 = tpu.vector_load %arg11[%get3A_249, %get3A_250] {strides = array<i32>} : memref<16x640xf32, #tpu.memory_space<vmem>>, vector<16xf32>,
        %add3A_252 = arith.addf %add3A_247, %get3A_251 : vector<16xf32>
        %get3A_253 = arith.index_cast %mul3A_173 : i32 to index
        %get3A_254 = tpu.vector_load %arg15[%get3A_253] {strides = array<i32>} : memref<640xf32, #tpu.memory_space<vmem>>, vector<16xf32>,
        %add3A_255 = arith.addf %add3A_252, %get3A_254 : vector<16xf32>
        %get3A_256 = arith.index_cast %mul3A_173 : i32 to index
        %get3A_257 = tpu.vector_load %arg14[%get3A_256] {strides = array<i32>} : memref<640xf32, #tpu.memory_space<vmem>>, vector<16xf32>,
        %mul3A_258 = arith.mulf %get3A_257, %add3A_255 : vector<16xf32>
        %mul3A_259 = arith.constant 0.899999976 : f32
        %mul3A_260 = vector.broadcast %mul3A_259 : f32 to vector<16xf32>
        %mul3A_261 = arith.mulf %mul3A_260, %mul3A_258 : vector<16xf32>
        %get3A_262 = arith.index_cast %mul3A_173 : i32 to index
        %get3A_263 = tpu.vector_load %arg13[%get3A_262] {strides = array<i32>} : memref<640xf32, #tpu.memory_space<vmem>>, vector<16xf32>,
        %mul3A_264 = arith.constant 1.000000e-01 : f32
        %mul3A_265 = vector.broadcast %mul3A_264 : f32 to vector<16xf32>
        %mul3A_266 = arith.mulf %mul3A_265, %get3A_263 : vector<16xf32>
        %add3A_267 = arith.addf %mul3A_261, %mul3A_266 : vector<16xf32>
        %swap3A_268 = arith.index_cast %mul3A_173 : i32 to index
        %swap3A_269 = tpu.vector_load %arg12[%swap3A_268] {strides = array<i32>} : memref<640xf32, #tpu.memory_space<vmem>>, vector<16xf32>,
        tpu.vector_store %arg12[%swap3A_268], %add3A_267 {strides = array<i32>} : memref<640xf32, #tpu.memory_space<vmem>>, vector<16xf32>,
        %get3A_270 = arith.index_cast %mul3A_173 : i32 to index
        %get3A_271 = tpu.vector_load %arg14[%get3A_270] {strides = array<i32>} : memref<640xf32, #tpu.memory_space<vmem>>, vector<16xf32>,
        %mul3A_272 = arith.mulf %get3A_271, %add3A_267 : vector<16xf32>
        %swap3A_273 = arith.index_cast %mul3A_173 : i32 to index
        %swap3A_274 = tpu.vector_load %arg15[%swap3A_273] {strides = array<i32>} : memref<640xf32, #tpu.memory_space<vmem>>, vector<16xf32>,
        tpu.vector_store %arg15[%swap3A_273], %mul3A_272 {strides = array<i32>} : memref<640xf32, #tpu.memory_space<vmem>>, vector<16xf32>,
        %scan3A_275 = arith.constant 2 : i32
        %scan3A_276 = arith.addi %scan3A_68, %scan3A_275 : i32
        %mul3A_277 = arith.constant 16 : i32
        %mul3A_278 = arith.muli %scan3A_276, %mul3A_277 : i32
        %get3A_279 = arith.constant 0 : i32
        %get3A_280 = arith.index_cast %get3A_279 : i32 to index
        %get3A_281 = arith.index_cast %mul3A_278 : i32 to index
        %get3A_282 = tpu.vector_load %arg11[%get3A_280, %get3A_281] {strides = array<i32>} : memref<16x640xf32, #tpu.memory_space<vmem>>, vector<16xf32>,
        %get3A_283 = arith.constant 1 : i32
        %get3A_284 = arith.index_cast %get3A_283 : i32 to index
        %get3A_285 = arith.index_cast %mul3A_278 : i32 to index
        %get3A_286 = tpu.vector_load %arg11[%get3A_284, %get3A_285] {strides = array<i32>} : memref<16x640xf32, #tpu.memory_space<vmem>>, vector<16xf32>,
        %add3A_287 = arith.addf %get3A_282, %get3A_286 : vector<16xf32>
        %get3A_288 = arith.constant 2 : i32
        %get3A_289 = arith.index_cast %get3A_288 : i32 to index
        %get3A_290 = arith.index_cast %mul3A_278 : i32 to index
        %get3A_291 = tpu.vector_load %arg11[%get3A_289, %get3A_290] {strides = array<i32>} : memref<16x640xf32, #tpu.memory_space<vmem>>, vector<16xf32>,
        %add3A_292 = arith.addf %add3A_287, %get3A_291 : vector<16xf32>
        %get3A_293 = arith.constant 3 : i32
        %get3A_294 = arith.index_cast %get3A_293 : i32 to index
        %get3A_295 = arith.index_cast %mul3A_278 : i32 to index
        %get3A_296 = tpu.vector_load %arg11[%get3A_294, %get3A_295] {strides = array<i32>} : memref<16x640xf32, #tpu.memory_space<vmem>>, vector<16xf32>,
        %add3A_297 = arith.addf %add3A_292, %get3A_296 : vector<16xf32>
        %get3A_298 = arith.constant 4 : i32
        %get3A_299 = arith.index_cast %get3A_298 : i32 to index
        %get3A_300 = arith.index_cast %mul3A_278 : i32 to index
        %get3A_301 = tpu.vector_load %arg11[%get3A_299, %get3A_300] {strides = array<i32>} : memref<16x640xf32, #tpu.memory_space<vmem>>, vector<16xf32>,
        %add3A_302 = arith.addf %add3A_297, %get3A_301 : vector<16xf32>
        %get3A_303 = arith.constant 5 : i32
        %get3A_304 = arith.index_cast %get3A_303 : i32 to index
        %get3A_305 = arith.index_cast %mul3A_278 : i32 to index
        %get3A_306 = tpu.vector_load %arg11[%get3A_304, %get3A_305] {strides = array<i32>} : memref<16x640xf32, #tpu.memory_space<vmem>>, vector<16xf32>,
        %add3A_307 = arith.addf %add3A_302, %get3A_306 : vector<16xf32>
        %get3A_308 = arith.constant 6 : i32
        %get3A_309 = arith.index_cast %get3A_308 : i32 to index
        %get3A_310 = arith.index_cast %mul3A_278 : i32 to index
        %get3A_311 = tpu.vector_load %arg11[%get3A_309, %get3A_310] {strides = array<i32>} : memref<16x640xf32, #tpu.memory_space<vmem>>, vector<16xf32>,
        %add3A_312 = arith.addf %add3A_307, %get3A_311 : vector<16xf32>
        %get3A_313 = arith.constant 7 : i32
        %get3A_314 = arith.index_cast %get3A_313 : i32 to index
        %get3A_315 = arith.index_cast %mul3A_278 : i32 to index
        %get3A_316 = tpu.vector_load %arg11[%get3A_314, %get3A_315] {strides = array<i32>} : memref<16x640xf32, #tpu.memory_space<vmem>>, vector<16xf32>,
        %add3A_317 = arith.addf %add3A_312, %get3A_316 : vector<16xf32>
        %get3A_318 = arith.constant 8 : i32
        %get3A_319 = arith.index_cast %get3A_318 : i32 to index
        %get3A_320 = arith.index_cast %mul3A_278 : i32 to index
        %get3A_321 = tpu.vector_load %arg11[%get3A_319, %get3A_320] {strides = array<i32>} : memref<16x640xf32, #tpu.memory_space<vmem>>, vector<16xf32>,
        %add3A_322 = arith.addf %add3A_317, %get3A_321 : vector<16xf32>
        %get3A_323 = arith.constant 9 : i32
        %get3A_324 = arith.index_cast %get3A_323 : i32 to index
        %get3A_325 = arith.index_cast %mul3A_278 : i32 to index
        %get3A_326 = tpu.vector_load %arg11[%get3A_324, %get3A_325] {strides = array<i32>} : memref<16x640xf32, #tpu.memory_space<vmem>>, vector<16xf32>,
        %add3A_327 = arith.addf %add3A_322, %get3A_326 : vector<16xf32>
        %get3A_328 = arith.constant 10 : i32
        %get3A_329 = arith.index_cast %get3A_328 : i32 to index
        %get3A_330 = arith.index_cast %mul3A_278 : i32 to index
        %get3A_331 = tpu.vector_load %arg11[%get3A_329, %get3A_330] {strides = array<i32>} : memref<16x640xf32, #tpu.memory_space<vmem>>, vector<16xf32>,
        %add3A_332 = arith.addf %add3A_327, %get3A_331 : vector<16xf32>
        %get3A_333 = arith.constant 11 : i32
        %get3A_334 = arith.index_cast %get3A_333 : i32 to index
        %get3A_335 = arith.index_cast %mul3A_278 : i32 to index
        %get3A_336 = tpu.vector_load %arg11[%get3A_334, %get3A_335] {strides = array<i32>} : memref<16x640xf32, #tpu.memory_space<vmem>>, vector<16xf32>,
        %add3A_337 = arith.addf %add3A_332, %get3A_336 : vector<16xf32>
        %get3A_338 = arith.constant 12 : i32
        %get3A_339 = arith.index_cast %get3A_338 : i32 to index
        %get3A_340 = arith.index_cast %mul3A_278 : i32 to index
        %get3A_341 = tpu.vector_load %arg11[%get3A_339, %get3A_340] {strides = array<i32>} : memref<16x640xf32, #tpu.memory_space<vmem>>, vector<16xf32>,
        %add3A_342 = arith.addf %add3A_337, %get3A_341 : vector<16xf32>
        %get3A_343 = arith.constant 13 : i32
        %get3A_344 = arith.index_cast %get3A_343 : i32 to index
        %get3A_345 = arith.index_cast %mul3A_278 : i32 to index
        %get3A_346 = tpu.vector_load %arg11[%get3A_344, %get3A_345] {strides = array<i32>} : memref<16x640xf32, #tpu.memory_space<vmem>>, vector<16xf32>,
        %add3A_347 = arith.addf %add3A_342, %get3A_346 : vector<16xf32>
        %get3A_348 = arith.constant 14 : i32
        %get3A_349 = arith.index_cast %get3A_348 : i32 to index
        %get3A_350 = arith.index_cast %mul3A_278 : i32 to index
        %get3A_351 = tpu.vector_load %arg11[%get3A_349, %get3A_350] {strides = array<i32>} : memref<16x640xf32, #tpu.memory_space<vmem>>, vector<16xf32>,
        %add3A_352 = arith.addf %add3A_347, %get3A_351 : vector<16xf32>
        %get3A_353 = arith.constant 15 : i32
        %get3A_354 = arith.index_cast %get3A_353 : i32 to index
        %get3A_355 = arith.index_cast %mul3A_278 : i32 to index
        %get3A_356 = tpu.vector_load %arg11[%get3A_354, %get3A_355] {strides = array<i32>} : memref<16x640xf32, #tpu.memory_space<vmem>>, vector<16xf32>,
        %add3A_357 = arith.addf %add3A_352, %get3A_356 : vector<16xf32>
        %get3A_358 = arith.index_cast %mul3A_278 : i32 to index
        %get3A_359 = tpu.vector_load %arg15[%get3A_358] {strides = array<i32>} : memref<640xf32, #tpu.memory_space<vmem>>, vector<16xf32>,
        %add3A_360 = arith.addf %add3A_357, %get3A_359 : vector<16xf32>
        %get3A_361 = arith.index_cast %mul3A_278 : i32 to index
        %get3A_362 = tpu.vector_load %arg14[%get3A_361] {strides = array<i32>} : memref<640xf32, #tpu.memory_space<vmem>>, vector<16xf32>,
        %mul3A_363 = arith.mulf %get3A_362, %add3A_360 : vector<16xf32>
        %mul3A_364 = arith.constant 0.899999976 : f32
        %mul3A_365 = vector.broadcast %mul3A_364 : f32 to vector<16xf32>
        %mul3A_366 = arith.mulf %mul3A_365, %mul3A_363 : vector<16xf32>
        %get3A_367 = arith.index_cast %mul3A_278 : i32 to index
        %get3A_368 = tpu.vector_load %arg13[%get3A_367] {strides = array<i32>} : memref<640xf32, #tpu.memory_space<vmem>>, vector<16xf32>,
        %mul3A_369 = arith.constant 1.000000e-01 : f32
        %mul3A_370 = vector.broadcast %mul3A_369 : f32 to vector<16xf32>
        %mul3A_371 = arith.mulf %mul3A_370, %get3A_368 : vector<16xf32>
        %add3A_372 = arith.addf %mul3A_366, %mul3A_371 : vector<16xf32>
        %swap3A_373 = arith.index_cast %mul3A_278 : i32 to index
        %swap3A_374 = tpu.vector_load %arg12[%swap3A_373] {strides = array<i32>} : memref<640xf32, #tpu.memory_space<vmem>>, vector<16xf32>,
        tpu.vector_store %arg12[%swap3A_373], %add3A_372 {strides = array<i32>} : memref<640xf32, #tpu.memory_space<vmem>>, vector<16xf32>,
        %get3A_375 = arith.index_cast %mul3A_278 : i32 to index
        %get3A_376 = tpu.vector_load %arg14[%get3A_375] {strides = array<i32>} : memref<640xf32, #tpu.memory_space<vmem>>, vector<16xf32>,
        %mul3A_377 = arith.mulf %get3A_376, %add3A_372 : vector<16xf32>
        %swap3A_378 = arith.index_cast %mul3A_278 : i32 to index
        %swap3A_379 = tpu.vector_load %arg15[%swap3A_378] {strides = array<i32>} : memref<640xf32, #tpu.memory_space<vmem>>, vector<16xf32>,
        tpu.vector_store %arg15[%swap3A_378], %mul3A_377 {strides = array<i32>} : memref<640xf32, #tpu.memory_space<vmem>>, vector<16xf32>,
        %scan3A_380 = arith.constant 3 : i32
        %scan3A_381 = arith.addi %scan3A_68, %scan3A_380 : i32
        %mul3A_382 = arith.constant 16 : i32
        %mul3A_383 = arith.muli %scan3A_381, %mul3A_382 : i32
        %get3A_384 = arith.constant 0 : i32
        %get3A_385 = arith.index_cast %get3A_384 : i32 to index
        %get3A_386 = arith.index_cast %mul3A_383 : i32 to index
        %get3A_387 = tpu.vector_load %arg11[%get3A_385, %get3A_386] {strides = array<i32>} : memref<16x640xf32, #tpu.memory_space<vmem>>, vector<16xf32>,
        %get3A_388 = arith.constant 1 : i32
        %get3A_389 = arith.index_cast %get3A_388 : i32 to index
        %get3A_390 = arith.index_cast %mul3A_383 : i32 to index
        %get3A_391 = tpu.vector_load %arg11[%get3A_389, %get3A_390] {strides = array<i32>} : memref<16x640xf32, #tpu.memory_space<vmem>>, vector<16xf32>,
        %add3A_392 = arith.addf %get3A_387, %get3A_391 : vector<16xf32>
        %get3A_393 = arith.constant 2 : i32
        %get3A_394 = arith.index_cast %get3A_393 : i32 to index
        %get3A_395 = arith.index_cast %mul3A_383 : i32 to index
        %get3A_396 = tpu.vector_load %arg11[%get3A_394, %get3A_395] {strides = array<i32>} : memref<16x640xf32, #tpu.memory_space<vmem>>, vector<16xf32>,
        %add3A_397 = arith.addf %add3A_392, %get3A_396 : vector<16xf32>
        %get3A_398 = arith.constant 3 : i32
        %get3A_399 = arith.index_cast %get3A_398 : i32 to index
        %get3A_400 = arith.index_cast %mul3A_383 : i32 to index
        %get3A_401 = tpu.vector_load %arg11[%get3A_399, %get3A_400] {strides = array<i32>} : memref<16x640xf32, #tpu.memory_space<vmem>>, vector<16xf32>,
        %add3A_402 = arith.addf %add3A_397, %get3A_401 : vector<16xf32>
        %get3A_403 = arith.constant 4 : i32
        %get3A_404 = arith.index_cast %get3A_403 : i32 to index
        %get3A_405 = arith.index_cast %mul3A_383 : i32 to index
        %get3A_406 = tpu.vector_load %arg11[%get3A_404, %get3A_405] {strides = array<i32>} : memref<16x640xf32, #tpu.memory_space<vmem>>, vector<16xf32>,
        %add3A_407 = arith.addf %add3A_402, %get3A_406 : vector<16xf32>
        %get3A_408 = arith.constant 5 : i32
        %get3A_409 = arith.index_cast %get3A_408 : i32 to index
        %get3A_410 = arith.index_cast %mul3A_383 : i32 to index
        %get3A_411 = tpu.vector_load %arg11[%get3A_409, %get3A_410] {strides = array<i32>} : memref<16x640xf32, #tpu.memory_space<vmem>>, vector<16xf32>,
        %add3A_412 = arith.addf %add3A_407, %get3A_411 : vector<16xf32>
        %get3A_413 = arith.constant 6 : i32
        %get3A_414 = arith.index_cast %get3A_413 : i32 to index
        %get3A_415 = arith.index_cast %mul3A_383 : i32 to index
        %get3A_416 = tpu.vector_load %arg11[%get3A_414, %get3A_415] {strides = array<i32>} : memref<16x640xf32, #tpu.memory_space<vmem>>, vector<16xf32>,
        %add3A_417 = arith.addf %add3A_412, %get3A_416 : vector<16xf32>
        %get3A_418 = arith.constant 7 : i32
        %get3A_419 = arith.index_cast %get3A_418 : i32 to index
        %get3A_420 = arith.index_cast %mul3A_383 : i32 to index
        %get3A_421 = tpu.vector_load %arg11[%get3A_419, %get3A_420] {strides = array<i32>} : memref<16x640xf32, #tpu.memory_space<vmem>>, vector<16xf32>,
        %add3A_422 = arith.addf %add3A_417, %get3A_421 : vector<16xf32>
        %get3A_423 = arith.constant 8 : i32
        %get3A_424 = arith.index_cast %get3A_423 : i32 to index
        %get3A_425 = arith.index_cast %mul3A_383 : i32 to index
        %get3A_426 = tpu.vector_load %arg11[%get3A_424, %get3A_425] {strides = array<i32>} : memref<16x640xf32, #tpu.memory_space<vmem>>, vector<16xf32>,
        %add3A_427 = arith.addf %add3A_422, %get3A_426 : vector<16xf32>
        %get3A_428 = arith.constant 9 : i32
        %get3A_429 = arith.index_cast %get3A_428 : i32 to index
        %get3A_430 = arith.index_cast %mul3A_383 : i32 to index
        %get3A_431 = tpu.vector_load %arg11[%get3A_429, %get3A_430] {strides = array<i32>} : memref<16x640xf32, #tpu.memory_space<vmem>>, vector<16xf32>,
        %add3A_432 = arith.addf %add3A_427, %get3A_431 : vector<16xf32>
        %get3A_433 = arith.constant 10 : i32
        %get3A_434 = arith.index_cast %get3A_433 : i32 to index
        %get3A_435 = arith.index_cast %mul3A_383 : i32 to index
        %get3A_436 = tpu.vector_load %arg11[%get3A_434, %get3A_435] {strides = array<i32>} : memref<16x640xf32, #tpu.memory_space<vmem>>, vector<16xf32>,
        %add3A_437 = arith.addf %add3A_432, %get3A_436 : vector<16xf32>
        %get3A_438 = arith.constant 11 : i32
        %get3A_439 = arith.index_cast %get3A_438 : i32 to index
        %get3A_440 = arith.index_cast %mul3A_383 : i32 to index
        %get3A_441 = tpu.vector_load %arg11[%get3A_439, %get3A_440] {strides = array<i32>} : memref<16x640xf32, #tpu.memory_space<vmem>>, vector<16xf32>,
        %add3A_442 = arith.addf %add3A_437, %get3A_441 : vector<16xf32>
        %get3A_443 = arith.constant 12 : i32
        %get3A_444 = arith.index_cast %get3A_443 : i32 to index
        %get3A_445 = arith.index_cast %mul3A_383 : i32 to index
        %get3A_446 = tpu.vector_load %arg11[%get3A_444, %get3A_445] {strides = array<i32>} : memref<16x640xf32, #tpu.memory_space<vmem>>, vector<16xf32>,
        %add3A_447 = arith.addf %add3A_442, %get3A_446 : vector<16xf32>
        %get3A_448 = arith.constant 13 : i32
        %get3A_449 = arith.index_cast %get3A_448 : i32 to index
        %get3A_450 = arith.index_cast %mul3A_383 : i32 to index
        %get3A_451 = tpu.vector_load %arg11[%get3A_449, %get3A_450] {strides = array<i32>} : memref<16x640xf32, #tpu.memory_space<vmem>>, vector<16xf32>,
        %add3A_452 = arith.addf %add3A_447, %get3A_451 : vector<16xf32>
        %get3A_453 = arith.constant 14 : i32
        %get3A_454 = arith.index_cast %get3A_453 : i32 to index
        %get3A_455 = arith.index_cast %mul3A_383 : i32 to index
        %get3A_456 = tpu.vector_load %arg11[%get3A_454, %get3A_455] {strides = array<i32>} : memref<16x640xf32, #tpu.memory_space<vmem>>, vector<16xf32>,
        %add3A_457 = arith.addf %add3A_452, %get3A_456 : vector<16xf32>
        %get3A_458 = arith.constant 15 : i32
        %get3A_459 = arith.index_cast %get3A_458 : i32 to index
        %get3A_460 = arith.index_cast %mul3A_383 : i32 to index
        %get3A_461 = tpu.vector_load %arg11[%get3A_459, %get3A_460] {strides = array<i32>} : memref<16x640xf32, #tpu.memory_space<vmem>>, vector<16xf32>,
        %add3A_462 = arith.addf %add3A_457, %get3A_461 : vector<16xf32>
        %get3A_463 = arith.index_cast %mul3A_383 : i32 to index
        %get3A_464 = tpu.vector_load %arg15[%get3A_463] {strides = array<i32>} : memref<640xf32, #tpu.memory_space<vmem>>, vector<16xf32>,
        %add3A_465 = arith.addf %add3A_462, %get3A_464 : vector<16xf32>
        %get3A_466 = arith.index_cast %mul3A_383 : i32 to index
        %get3A_467 = tpu.vector_load %arg14[%get3A_466] {strides = array<i32>} : memref<640xf32, #tpu.memory_space<vmem>>, vector<16xf32>,
        %mul3A_468 = arith.mulf %get3A_467, %add3A_465 : vector<16xf32>
        %mul3A_469 = arith.constant 0.899999976 : f32
        %mul3A_470 = vector.broadcast %mul3A_469 : f32 to vector<16xf32>
        %mul3A_471 = arith.mulf %mul3A_470, %mul3A_468 : vector<16xf32>
        %get3A_472 = arith.index_cast %mul3A_383 : i32 to index
        %get3A_473 = tpu.vector_load %arg13[%get3A_472] {strides = array<i32>} : memref<640xf32, #tpu.memory_space<vmem>>, vector<16xf32>,
        %mul3A_474 = arith.constant 1.000000e-01 : f32
        %mul3A_475 = vector.broadcast %mul3A_474 : f32 to vector<16xf32>
        %mul3A_476 = arith.mulf %mul3A_475, %get3A_473 : vector<16xf32>
        %add3A_477 = arith.addf %mul3A_471, %mul3A_476 : vector<16xf32>
        %swap3A_478 = arith.index_cast %mul3A_383 : i32 to index
        %swap3A_479 = tpu.vector_load %arg12[%swap3A_478] {strides = array<i32>} : memref<640xf32, #tpu.memory_space<vmem>>, vector<16xf32>,
        tpu.vector_store %arg12[%swap3A_478], %add3A_477 {strides = array<i32>} : memref<640xf32, #tpu.memory_space<vmem>>, vector<16xf32>,
        %get3A_480 = arith.index_cast %mul3A_383 : i32 to index
        %get3A_481 = tpu.vector_load %arg14[%get3A_480] {strides = array<i32>} : memref<640xf32, #tpu.memory_space<vmem>>, vector<16xf32>,
        %mul3A_482 = arith.mulf %get3A_481, %add3A_477 : vector<16xf32>
        %swap3A_483 = arith.index_cast %mul3A_383 : i32 to index
        %swap3A_484 = tpu.vector_load %arg15[%swap3A_483] {strides = array<i32>} : memref<640xf32, #tpu.memory_space<vmem>>, vector<16xf32>,
        tpu.vector_store %arg15[%swap3A_483], %mul3A_482 {strides = array<i32>} : memref<640xf32, #tpu.memory_space<vmem>>, vector<16xf32>,
      }
      %scan3A_66 = arith.constant 40 : i32
      "tpu.region"() ({
        %run_scoped3A = tpu.sem_alloc : memref<!tpu.dma_semaphore, #tpu.memory_space<semaphore_mem>>
        %dma_start3A = tpu.memref_slice %arg24[%mul3A_0] : memref<10240xf32, #tpu.memory_space<vmem_shared>> -> memref<640xf32, #tpu.memory_space<vmem_shared>>
        %dma_start3A_68 = tpu.memref_slice %arg24[%mul3A_0] : memref<10240xf32, #tpu.memory_space<vmem_shared>> -> memref<640xf32, #tpu.memory_space<vmem_shared>>
        tpu.enqueue_dma source(%arg15 : memref<640xf32, #tpu.memory_space<vmem>>) target(%dma_start3A_68 : memref<640xf32, #tpu.memory_space<vmem_shared>>) target_semaphore(%run_scoped3A : memref<!tpu.dma_semaphore, #tpu.memory_space<semaphore_mem>>)
        %dma_wait3A = tpu.memref_slice %arg24[%mul3A_0] : memref<10240xf32, #tpu.memory_space<vmem_shared>> -> memref<640xf32, #tpu.memory_space<vmem_shared>>
        %dma_wait3A_69 = tpu.memref_slice %arg24[%mul3A_0] : memref<10240xf32, #tpu.memory_space<vmem_shared>> -> memref<640xf32, #tpu.memory_space<vmem_shared>>
        tpu.wait_dma2 semaphore(%run_scoped3A : memref<!tpu.dma_semaphore, #tpu.memory_space<semaphore_mem>>) src(%arg15 : memref<640xf32, #tpu.memory_space<vmem>>) dst(%dma_wait3A_69 : memref<640xf32, #tpu.memory_space<vmem_shared>>)
        tpu.yield
      }) : () -> ()
      %barrier3A_67 = arith.constant 0 : index
      tpu.barrier barrier_id(%barrier3A_67)
    }
    %scan3A_33 = arith.constant 10 : i32
    %scan3A_34 = arith.constant 0 : i32
    %scan3A_35 = arith.constant 8 : i32
    %scan3A_36 = arith.addi %scan3A_34, %scan3A_35 : i32
    %scan3A_37 = arith.constant 1 : i32
    scf.for %scan3A_50 = %scan3A_34 to %scan3A_36 step %scan3A_37  : i32 {
      %mul3A_51 = arith.constant 16 : i32
      %mul3A_52 = arith.muli %scan3A_50, %mul3A_51 : i32
      %swap3A = arith.index_cast %mul3A_52 : i32 to index
      %swap3A_53 = tpu.vector_load %arg17[%swap3A] {strides = array<i32>} : memref<128xf32, #tpu.memory_space<vmem>>, vector<16xf32>,
      tpu.vector_store %arg17[%swap3A], %broadcast_in_dim3A_3 {strides = array<i32>} : memref<128xf32, #tpu.memory_space<vmem>>, vector<16xf32>,
      %swap3A_54 = arith.index_cast %mul3A_52 : i32 to index
      %swap3A_55 = tpu.vector_load %arg18[%swap3A_54] {strides = array<i32>} : memref<128xf32, #tpu.memory_space<vmem>>, vector<16xf32>,
      tpu.vector_store %arg18[%swap3A_54], %broadcast_in_dim3A_3 {strides = array<i32>} : memref<128xf32, #tpu.memory_space<vmem>>, vector<16xf32>,
    }
    %scan3A_38 = arith.constant 8 : i32
    %scan3A_39 = arith.constant 0 : i32
    %scan3A_40 = arith.constant 40 : i32
    %scan3A_41 = arith.addi %scan3A_39, %scan3A_40 : i32
    %scan3A_42 = arith.constant 1 : i32
    scf.for %scan3A_50 = %scan3A_39 to %scan3A_41 step %scan3A_42  : i32 {
      %mul3A_51 = arith.constant 16 : i32
      %mul3A_52 = arith.muli %scan3A_50, %mul3A_51 : i32
      %get3A = arith.index_cast %mul3A_52 : i32 to index
      %get3A_53 = tpu.vector_load %arg16[%get3A] {strides = array<i32>} : memref<640xi32, #tpu.memory_space<vmem>>, vector<16xi32>,
      %get3A_54 = arith.index_cast %mul3A_52 : i32 to index
      %get3A_55 = tpu.vector_load %arg12[%get3A_54] {strides = array<i32>} : memref<640xf32, #tpu.memory_space<vmem>>, vector<16xf32>,
      tpu.vector_store_idx %arg17[%get3A_53], %get3A_55 {add = true} : memref<128xf32, #tpu.memory_space<vmem>>[vector<16xi32>], vector<16xf32>,
      tpu.vector_store_idx %arg18[%get3A_53], %broadcast_in_dim3A_5 {add = true} : memref<128xf32, #tpu.memory_space<vmem>>[vector<16xi32>], vector<16xf32>,
    }
    %scan3A_43 = arith.constant 40 : i32
    "tpu.region"() ({
      %run_scoped3A = tpu.sem_alloc : memref<!tpu.dma_semaphore, #tpu.memory_space<semaphore_mem>>
      %dma_start3A = arith.constant 0 : i32
      %dma_start3A_50 = tpu.memref_slice %arg25[%arg1, %dma_start3A] : memref<16x128xf32, #tpu.memory_space<vmem_shared>> -> memref<1x128xf32, #tpu.memory_space<vmem_shared>>
      %dma_start3A_51 = tpu.memref_squeeze %dma_start3A_50 : memref<1x128xf32, #tpu.memory_space<vmem_shared>> -> memref<128xf32, #tpu.memory_space<vmem_shared>>
      %dma_start3A_52 = arith.constant 0 : i32
      %dma_start3A_53 = tpu.memref_slice %arg25[%arg1, %dma_start3A_52] : memref<16x128xf32, #tpu.memory_space<vmem_shared>> -> memref<1x128xf32, #tpu.memory_space<vmem_shared>>
      %dma_start3A_54 = tpu.memref_squeeze %dma_start3A_53 : memref<1x128xf32, #tpu.memory_space<vmem_shared>> -> memref<128xf32, #tpu.memory_space<vmem_shared>>
      tpu.enqueue_dma source(%arg17 : memref<128xf32, #tpu.memory_space<vmem>>) target(%dma_start3A_54 : memref<128xf32, #tpu.memory_space<vmem_shared>>) target_semaphore(%run_scoped3A : memref<!tpu.dma_semaphore, #tpu.memory_space<semaphore_mem>>)
      %dma_wait3A = arith.constant 0 : i32
      %dma_wait3A_55 = tpu.memref_slice %arg25[%arg1, %dma_wait3A] : memref<16x128xf32, #tpu.memory_space<vmem_shared>> -> memref<1x128xf32, #tpu.memory_space<vmem_shared>>
      %dma_wait3A_56 = tpu.memref_squeeze %dma_wait3A_55 : memref<1x128xf32, #tpu.memory_space<vmem_shared>> -> memref<128xf32, #tpu.memory_space<vmem_shared>>
      %dma_wait3A_57 = arith.constant 0 : i32
      %dma_wait3A_58 = tpu.memref_slice %arg25[%arg1, %dma_wait3A_57] : memref<16x128xf32, #tpu.memory_space<vmem_shared>> -> memref<1x128xf32, #tpu.memory_space<vmem_shared>>
      %dma_wait3A_59 = tpu.memref_squeeze %dma_wait3A_58 : memref<1x128xf32, #tpu.memory_space<vmem_shared>> -> memref<128xf32, #tpu.memory_space<vmem_shared>>
      tpu.wait_dma2 semaphore(%run_scoped3A : memref<!tpu.dma_semaphore, #tpu.memory_space<semaphore_mem>>) src(%arg17 : memref<128xf32, #tpu.memory_space<vmem>>) dst(%dma_wait3A_59 : memref<128xf32, #tpu.memory_space<vmem_shared>>)
      tpu.yield
    }) : () -> ()
    "tpu.region"() ({
      %run_scoped3A = tpu.sem_alloc : memref<!tpu.dma_semaphore, #tpu.memory_space<semaphore_mem>>
      %dma_start3A = arith.constant 0 : i32
      %dma_start3A_50 = tpu.memref_slice %arg26[%arg1, %dma_start3A] : memref<16x128xf32, #tpu.memory_space<vmem_shared>> -> memref<1x128xf32, #tpu.memory_space<vmem_shared>>
      %dma_start3A_51 = tpu.memref_squeeze %dma_start3A_50 : memref<1x128xf32, #tpu.memory_space<vmem_shared>> -> memref<128xf32, #tpu.memory_space<vmem_shared>>
      %dma_start3A_52 = arith.constant 0 : i32
      %dma_start3A_53 = tpu.memref_slice %arg26[%arg1, %dma_start3A_52] : memref<16x128xf32, #tpu.memory_space<vmem_shared>> -> memref<1x128xf32, #tpu.memory_space<vmem_shared>>
      %dma_start3A_54 = tpu.memref_squeeze %dma_start3A_53 : memref<1x128xf32, #tpu.memory_space<vmem_shared>> -> memref<128xf32, #tpu.memory_space<vmem_shared>>
      tpu.enqueue_dma source(%arg18 : memref<128xf32, #tpu.memory_space<vmem>>) target(%dma_start3A_54 : memref<128xf32, #tpu.memory_space<vmem_shared>>) target_semaphore(%run_scoped3A : memref<!tpu.dma_semaphore, #tpu.memory_space<semaphore_mem>>)
      %dma_wait3A = arith.constant 0 : i32
      %dma_wait3A_55 = tpu.memref_slice %arg26[%arg1, %dma_wait3A] : memref<16x128xf32, #tpu.memory_space<vmem_shared>> -> memref<1x128xf32, #tpu.memory_space<vmem_shared>>
      %dma_wait3A_56 = tpu.memref_squeeze %dma_wait3A_55 : memref<1x128xf32, #tpu.memory_space<vmem_shared>> -> memref<128xf32, #tpu.memory_space<vmem_shared>>
      %dma_wait3A_57 = arith.constant 0 : i32
      %dma_wait3A_58 = tpu.memref_slice %arg26[%arg1, %dma_wait3A_57] : memref<16x128xf32, #tpu.memory_space<vmem_shared>> -> memref<1x128xf32, #tpu.memory_space<vmem_shared>>
      %dma_wait3A_59 = tpu.memref_squeeze %dma_wait3A_58 : memref<1x128xf32, #tpu.memory_space<vmem_shared>> -> memref<128xf32, #tpu.memory_space<vmem_shared>>
      tpu.wait_dma2 semaphore(%run_scoped3A : memref<!tpu.dma_semaphore, #tpu.memory_space<semaphore_mem>>) src(%arg18 : memref<128xf32, #tpu.memory_space<vmem>>) dst(%dma_wait3A_59 : memref<128xf32, #tpu.memory_space<vmem_shared>>)
      tpu.yield
    }) : () -> ()
    %barrier3A_44 = arith.constant 0 : index
    tpu.barrier barrier_id(%barrier3A_44)
    %eq3A_45 = arith.constant 0 : i32
    %eq3A_46 = arith.cmpi eq, %arg1, %eq3A_45 : i32
    %convert_element_type3A_47 = arith.extui %eq3A_46 : i1 to i32
    %cond3A_48 = arith.constant 0 : i32
    %cond3A_49 = arith.cmpi ne, %convert_element_type3A_47, %cond3A_48 : i32
    scf.if %cond3A_49 {
      "tpu.region"() ({
        %run_scoped3A = tpu.sem_alloc : memref<!tpu.dma_semaphore, #tpu.memory_space<semaphore_mem>>
        tpu.enqueue_dma source(%arg25 : memref<16x128xf32, #tpu.memory_space<vmem_shared>>) target(%arg19 : memref<16x128xf32, #tpu.memory_space<vmem>>) target_semaphore(%run_scoped3A : memref<!tpu.dma_semaphore, #tpu.memory_space<semaphore_mem>>)
        tpu.wait_dma2 semaphore(%run_scoped3A : memref<!tpu.dma_semaphore, #tpu.memory_space<semaphore_mem>>) src(%arg25 : memref<16x128xf32, #tpu.memory_space<vmem_shared>>) dst(%arg19 : memref<16x128xf32, #tpu.memory_space<vmem>>)
        tpu.yield
      }) : () -> ()
      "tpu.region"() ({
        %run_scoped3A = tpu.sem_alloc : memref<!tpu.dma_semaphore, #tpu.memory_space<semaphore_mem>>
        tpu.enqueue_dma source(%arg26 : memref<16x128xf32, #tpu.memory_space<vmem_shared>>) target(%arg20 : memref<16x128xf32, #tpu.memory_space<vmem>>) target_semaphore(%run_scoped3A : memref<!tpu.dma_semaphore, #tpu.memory_space<semaphore_mem>>)
        tpu.wait_dma2 semaphore(%run_scoped3A : memref<!tpu.dma_semaphore, #tpu.memory_space<semaphore_mem>>) src(%arg26 : memref<16x128xf32, #tpu.memory_space<vmem_shared>>) dst(%arg20 : memref<16x128xf32, #tpu.memory_space<vmem>>)
        tpu.yield
      }) : () -> ()
      %scan3A_50 = arith.constant 0 : i32
      %scan3A_51 = arith.constant 8 : i32
      %scan3A_52 = arith.addi %scan3A_50, %scan3A_51 : i32
      %scan3A_53 = arith.constant 1 : i32
      scf.for %scan3A_57 = %scan3A_50 to %scan3A_52 step %scan3A_53  : i32 {
        %mul3A_58 = arith.constant 16 : i32
        %mul3A_59 = arith.muli %scan3A_57, %mul3A_58 : i32
        %get3A = arith.constant 0 : i32
        %get3A_60 = arith.index_cast %get3A : i32 to index
        %get3A_61 = arith.index_cast %mul3A_59 : i32 to index
        %get3A_62 = tpu.vector_load %arg19[%get3A_60, %get3A_61] {strides = array<i32>} : memref<16x128xf32, #tpu.memory_space<vmem>>, vector<16xf32>,
        %get3A_63 = arith.constant 0 : i32
        %get3A_64 = arith.index_cast %get3A_63 : i32 to index
        %get3A_65 = arith.index_cast %mul3A_59 : i32 to index
        %get3A_66 = tpu.vector_load %arg20[%get3A_64, %get3A_65] {strides = array<i32>} : memref<16x128xf32, #tpu.memory_space<vmem>>, vector<16xf32>,
        %get3A_67 = arith.constant 1 : i32
        %get3A_68 = arith.index_cast %get3A_67 : i32 to index
        %get3A_69 = arith.index_cast %mul3A_59 : i32 to index
        %get3A_70 = tpu.vector_load %arg19[%get3A_68, %get3A_69] {strides = array<i32>} : memref<16x128xf32, #tpu.memory_space<vmem>>, vector<16xf32>,
        %add3A_71 = arith.addf %get3A_62, %get3A_70 : vector<16xf32>
        %get3A_72 = arith.constant 1 : i32
        %get3A_73 = arith.index_cast %get3A_72 : i32 to index
        %get3A_74 = arith.index_cast %mul3A_59 : i32 to index
        %get3A_75 = tpu.vector_load %arg20[%get3A_73, %get3A_74] {strides = array<i32>} : memref<16x128xf32, #tpu.memory_space<vmem>>, vector<16xf32>,
        %add3A_76 = arith.addf %get3A_66, %get3A_75 : vector<16xf32>
        %get3A_77 = arith.constant 2 : i32
        %get3A_78 = arith.index_cast %get3A_77 : i32 to index
        %get3A_79 = arith.index_cast %mul3A_59 : i32 to index
        %get3A_80 = tpu.vector_load %arg19[%get3A_78, %get3A_79] {strides = array<i32>} : memref<16x128xf32, #tpu.memory_space<vmem>>, vector<16xf32>,
        %add3A_81 = arith.addf %add3A_71, %get3A_80 : vector<16xf32>
        %get3A_82 = arith.constant 2 : i32
        %get3A_83 = arith.index_cast %get3A_82 : i32 to index
        %get3A_84 = arith.index_cast %mul3A_59 : i32 to index
        %get3A_85 = tpu.vector_load %arg20[%get3A_83, %get3A_84] {strides = array<i32>} : memref<16x128xf32, #tpu.memory_space<vmem>>, vector<16xf32>,
        %add3A_86 = arith.addf %add3A_76, %get3A_85 : vector<16xf32>
        %get3A_87 = arith.constant 3 : i32
        %get3A_88 = arith.index_cast %get3A_87 : i32 to index
        %get3A_89 = arith.index_cast %mul3A_59 : i32 to index
        %get3A_90 = tpu.vector_load %arg19[%get3A_88, %get3A_89] {strides = array<i32>} : memref<16x128xf32, #tpu.memory_space<vmem>>, vector<16xf32>,
        %add3A_91 = arith.addf %add3A_81, %get3A_90 : vector<16xf32>
        %get3A_92 = arith.constant 3 : i32
        %get3A_93 = arith.index_cast %get3A_92 : i32 to index
        %get3A_94 = arith.index_cast %mul3A_59 : i32 to index
        %get3A_95 = tpu.vector_load %arg20[%get3A_93, %get3A_94] {strides = array<i32>} : memref<16x128xf32, #tpu.memory_space<vmem>>, vector<16xf32>,
        %add3A_96 = arith.addf %add3A_86, %get3A_95 : vector<16xf32>
        %get3A_97 = arith.constant 4 : i32
        %get3A_98 = arith.index_cast %get3A_97 : i32 to index
        %get3A_99 = arith.index_cast %mul3A_59 : i32 to index
        %get3A_100 = tpu.vector_load %arg19[%get3A_98, %get3A_99] {strides = array<i32>} : memref<16x128xf32, #tpu.memory_space<vmem>>, vector<16xf32>,
        %add3A_101 = arith.addf %add3A_91, %get3A_100 : vector<16xf32>
        %get3A_102 = arith.constant 4 : i32
        %get3A_103 = arith.index_cast %get3A_102 : i32 to index
        %get3A_104 = arith.index_cast %mul3A_59 : i32 to index
        %get3A_105 = tpu.vector_load %arg20[%get3A_103, %get3A_104] {strides = array<i32>} : memref<16x128xf32, #tpu.memory_space<vmem>>, vector<16xf32>,
        %add3A_106 = arith.addf %add3A_96, %get3A_105 : vector<16xf32>
        %get3A_107 = arith.constant 5 : i32
        %get3A_108 = arith.index_cast %get3A_107 : i32 to index
        %get3A_109 = arith.index_cast %mul3A_59 : i32 to index
        %get3A_110 = tpu.vector_load %arg19[%get3A_108, %get3A_109] {strides = array<i32>} : memref<16x128xf32, #tpu.memory_space<vmem>>, vector<16xf32>,
        %add3A_111 = arith.addf %add3A_101, %get3A_110 : vector<16xf32>
        %get3A_112 = arith.constant 5 : i32
        %get3A_113 = arith.index_cast %get3A_112 : i32 to index
        %get3A_114 = arith.index_cast %mul3A_59 : i32 to index
        %get3A_115 = tpu.vector_load %arg20[%get3A_113, %get3A_114] {strides = array<i32>} : memref<16x128xf32, #tpu.memory_space<vmem>>, vector<16xf32>,
        %add3A_116 = arith.addf %add3A_106, %get3A_115 : vector<16xf32>
        %get3A_117 = arith.constant 6 : i32
        %get3A_118 = arith.index_cast %get3A_117 : i32 to index
        %get3A_119 = arith.index_cast %mul3A_59 : i32 to index
        %get3A_120 = tpu.vector_load %arg19[%get3A_118, %get3A_119] {strides = array<i32>} : memref<16x128xf32, #tpu.memory_space<vmem>>, vector<16xf32>,
        %add3A_121 = arith.addf %add3A_111, %get3A_120 : vector<16xf32>
        %get3A_122 = arith.constant 6 : i32
        %get3A_123 = arith.index_cast %get3A_122 : i32 to index
        %get3A_124 = arith.index_cast %mul3A_59 : i32 to index
        %get3A_125 = tpu.vector_load %arg20[%get3A_123, %get3A_124] {strides = array<i32>} : memref<16x128xf32, #tpu.memory_space<vmem>>, vector<16xf32>,
        %add3A_126 = arith.addf %add3A_116, %get3A_125 : vector<16xf32>
        %get3A_127 = arith.constant 7 : i32
        %get3A_128 = arith.index_cast %get3A_127 : i32 to index
        %get3A_129 = arith.index_cast %mul3A_59 : i32 to index
        %get3A_130 = tpu.vector_load %arg19[%get3A_128, %get3A_129] {strides = array<i32>} : memref<16x128xf32, #tpu.memory_space<vmem>>, vector<16xf32>,
        %add3A_131 = arith.addf %add3A_121, %get3A_130 : vector<16xf32>
        %get3A_132 = arith.constant 7 : i32
        %get3A_133 = arith.index_cast %get3A_132 : i32 to index
        %get3A_134 = arith.index_cast %mul3A_59 : i32 to index
        %get3A_135 = tpu.vector_load %arg20[%get3A_133, %get3A_134] {strides = array<i32>} : memref<16x128xf32, #tpu.memory_space<vmem>>, vector<16xf32>,
        %add3A_136 = arith.addf %add3A_126, %get3A_135 : vector<16xf32>
        %get3A_137 = arith.constant 8 : i32
        %get3A_138 = arith.index_cast %get3A_137 : i32 to index
        %get3A_139 = arith.index_cast %mul3A_59 : i32 to index
        %get3A_140 = tpu.vector_load %arg19[%get3A_138, %get3A_139] {strides = array<i32>} : memref<16x128xf32, #tpu.memory_space<vmem>>, vector<16xf32>,
        %add3A_141 = arith.addf %add3A_131, %get3A_140 : vector<16xf32>
        %get3A_142 = arith.constant 8 : i32
        %get3A_143 = arith.index_cast %get3A_142 : i32 to index
        %get3A_144 = arith.index_cast %mul3A_59 : i32 to index
        %get3A_145 = tpu.vector_load %arg20[%get3A_143, %get3A_144] {strides = array<i32>} : memref<16x128xf32, #tpu.memory_space<vmem>>, vector<16xf32>,
        %add3A_146 = arith.addf %add3A_136, %get3A_145 : vector<16xf32>
        %get3A_147 = arith.constant 9 : i32
        %get3A_148 = arith.index_cast %get3A_147 : i32 to index
        %get3A_149 = arith.index_cast %mul3A_59 : i32 to index
        %get3A_150 = tpu.vector_load %arg19[%get3A_148, %get3A_149] {strides = array<i32>} : memref<16x128xf32, #tpu.memory_space<vmem>>, vector<16xf32>,
        %add3A_151 = arith.addf %add3A_141, %get3A_150 : vector<16xf32>
        %get3A_152 = arith.constant 9 : i32
        %get3A_153 = arith.index_cast %get3A_152 : i32 to index
        %get3A_154 = arith.index_cast %mul3A_59 : i32 to index
        %get3A_155 = tpu.vector_load %arg20[%get3A_153, %get3A_154] {strides = array<i32>} : memref<16x128xf32, #tpu.memory_space<vmem>>, vector<16xf32>,
        %add3A_156 = arith.addf %add3A_146, %get3A_155 : vector<16xf32>
        %get3A_157 = arith.constant 10 : i32
        %get3A_158 = arith.index_cast %get3A_157 : i32 to index
        %get3A_159 = arith.index_cast %mul3A_59 : i32 to index
        %get3A_160 = tpu.vector_load %arg19[%get3A_158, %get3A_159] {strides = array<i32>} : memref<16x128xf32, #tpu.memory_space<vmem>>, vector<16xf32>,
        %add3A_161 = arith.addf %add3A_151, %get3A_160 : vector<16xf32>
        %get3A_162 = arith.constant 10 : i32
        %get3A_163 = arith.index_cast %get3A_162 : i32 to index
        %get3A_164 = arith.index_cast %mul3A_59 : i32 to index
        %get3A_165 = tpu.vector_load %arg20[%get3A_163, %get3A_164] {strides = array<i32>} : memref<16x128xf32, #tpu.memory_space<vmem>>, vector<16xf32>,
        %add3A_166 = arith.addf %add3A_156, %get3A_165 : vector<16xf32>
        %get3A_167 = arith.constant 11 : i32
        %get3A_168 = arith.index_cast %get3A_167 : i32 to index
        %get3A_169 = arith.index_cast %mul3A_59 : i32 to index
        %get3A_170 = tpu.vector_load %arg19[%get3A_168, %get3A_169] {strides = array<i32>} : memref<16x128xf32, #tpu.memory_space<vmem>>, vector<16xf32>,
        %add3A_171 = arith.addf %add3A_161, %get3A_170 : vector<16xf32>
        %get3A_172 = arith.constant 11 : i32
        %get3A_173 = arith.index_cast %get3A_172 : i32 to index
        %get3A_174 = arith.index_cast %mul3A_59 : i32 to index
        %get3A_175 = tpu.vector_load %arg20[%get3A_173, %get3A_174] {strides = array<i32>} : memref<16x128xf32, #tpu.memory_space<vmem>>, vector<16xf32>,
        %add3A_176 = arith.addf %add3A_166, %get3A_175 : vector<16xf32>
        %get3A_177 = arith.constant 12 : i32
        %get3A_178 = arith.index_cast %get3A_177 : i32 to index
        %get3A_179 = arith.index_cast %mul3A_59 : i32 to index
        %get3A_180 = tpu.vector_load %arg19[%get3A_178, %get3A_179] {strides = array<i32>} : memref<16x128xf32, #tpu.memory_space<vmem>>, vector<16xf32>,
        %add3A_181 = arith.addf %add3A_171, %get3A_180 : vector<16xf32>
        %get3A_182 = arith.constant 12 : i32
        %get3A_183 = arith.index_cast %get3A_182 : i32 to index
        %get3A_184 = arith.index_cast %mul3A_59 : i32 to index
        %get3A_185 = tpu.vector_load %arg20[%get3A_183, %get3A_184] {strides = array<i32>} : memref<16x128xf32, #tpu.memory_space<vmem>>, vector<16xf32>,
        %add3A_186 = arith.addf %add3A_176, %get3A_185 : vector<16xf32>
        %get3A_187 = arith.constant 13 : i32
        %get3A_188 = arith.index_cast %get3A_187 : i32 to index
        %get3A_189 = arith.index_cast %mul3A_59 : i32 to index
        %get3A_190 = tpu.vector_load %arg19[%get3A_188, %get3A_189] {strides = array<i32>} : memref<16x128xf32, #tpu.memory_space<vmem>>, vector<16xf32>,
        %add3A_191 = arith.addf %add3A_181, %get3A_190 : vector<16xf32>
        %get3A_192 = arith.constant 13 : i32
        %get3A_193 = arith.index_cast %get3A_192 : i32 to index
        %get3A_194 = arith.index_cast %mul3A_59 : i32 to index
        %get3A_195 = tpu.vector_load %arg20[%get3A_193, %get3A_194] {strides = array<i32>} : memref<16x128xf32, #tpu.memory_space<vmem>>, vector<16xf32>,
        %add3A_196 = arith.addf %add3A_186, %get3A_195 : vector<16xf32>
        %get3A_197 = arith.constant 14 : i32
        %get3A_198 = arith.index_cast %get3A_197 : i32 to index
        %get3A_199 = arith.index_cast %mul3A_59 : i32 to index
        %get3A_200 = tpu.vector_load %arg19[%get3A_198, %get3A_199] {strides = array<i32>} : memref<16x128xf32, #tpu.memory_space<vmem>>, vector<16xf32>,
        %add3A_201 = arith.addf %add3A_191, %get3A_200 : vector<16xf32>
        %get3A_202 = arith.constant 14 : i32
        %get3A_203 = arith.index_cast %get3A_202 : i32 to index
        %get3A_204 = arith.index_cast %mul3A_59 : i32 to index
        %get3A_205 = tpu.vector_load %arg20[%get3A_203, %get3A_204] {strides = array<i32>} : memref<16x128xf32, #tpu.memory_space<vmem>>, vector<16xf32>,
        %add3A_206 = arith.addf %add3A_196, %get3A_205 : vector<16xf32>
        %get3A_207 = arith.constant 15 : i32
        %get3A_208 = arith.index_cast %get3A_207 : i32 to index
        %get3A_209 = arith.index_cast %mul3A_59 : i32 to index
        %get3A_210 = tpu.vector_load %arg19[%get3A_208, %get3A_209] {strides = array<i32>} : memref<16x128xf32, #tpu.memory_space<vmem>>, vector<16xf32>,
        %add3A_211 = arith.addf %add3A_201, %get3A_210 : vector<16xf32>
        %get3A_212 = arith.constant 15 : i32
        %get3A_213 = arith.index_cast %get3A_212 : i32 to index
        %get3A_214 = arith.index_cast %mul3A_59 : i32 to index
        %get3A_215 = tpu.vector_load %arg20[%get3A_213, %get3A_214] {strides = array<i32>} : memref<16x128xf32, #tpu.memory_space<vmem>>, vector<16xf32>,
        %add3A_216 = arith.addf %add3A_206, %get3A_215 : vector<16xf32>
        %max3A = arith.constant 1.000000e+00 : f32
        %max3A_217 = vector.broadcast %max3A : f32 to vector<16xf32>
        %max3A_218 = arith.maximumf %add3A_216, %max3A_217 : vector<16xf32>
        %div3A = arith.divf %add3A_211, %max3A_218 : vector<16xf32>
        %swap3A = arith.index_cast %mul3A_59 : i32 to index
        %swap3A_219 = tpu.vector_load %arg21[%swap3A] {strides = array<i32>} : memref<128xf32, #tpu.memory_space<vmem>>, vector<16xf32>,
        tpu.vector_store %arg21[%swap3A], %div3A {strides = array<i32>} : memref<128xf32, #tpu.memory_space<vmem>>, vector<16xf32>,
      }
      %scan3A_54 = arith.constant 8 : i32
      %mul3A_55 = arith.constant 64 : i32
      %mul3A_56 = arith.muli %arg0, %mul3A_55 : i32
      "tpu.region"() ({
        %run_scoped3A = tpu.sem_alloc : memref<!tpu.dma_semaphore, #tpu.memory_space<semaphore_mem>>
        %dma_start3A = arith.constant 0 : i32
        %dma_start3A_57 = tpu.memref_slice %arg21[%dma_start3A] : memref<128xf32, #tpu.memory_space<vmem>> -> memref<64xf32, #tpu.memory_space<vmem>>
        %dma_start3A_58 = tpu.memref_slice %arg6[%mul3A_56] : memref<128xf32, #tpu.memory_space<hbm>> -> memref<64xf32, #tpu.memory_space<hbm>>
        %dma_start3A_59 = tpu.memref_slice %arg6[%mul3A_56] : memref<128xf32, #tpu.memory_space<hbm>> -> memref<64xf32, #tpu.memory_space<hbm>>
        %dma_start3A_60 = arith.constant 0 : i32
        %dma_start3A_61 = tpu.memref_slice %arg21[%dma_start3A_60] : memref<128xf32, #tpu.memory_space<vmem>> -> memref<64xf32, #tpu.memory_space<vmem>>
        tpu.enqueue_dma source(%dma_start3A_61 : memref<64xf32, #tpu.memory_space<vmem>>) target(%dma_start3A_59 : memref<64xf32, #tpu.memory_space<hbm>>) target_semaphore(%run_scoped3A : memref<!tpu.dma_semaphore, #tpu.memory_space<semaphore_mem>>)
        %dma_wait3A = arith.constant 0 : i32
        %dma_wait3A_62 = tpu.memref_slice %arg21[%dma_wait3A] : memref<128xf32, #tpu.memory_space<vmem>> -> memref<64xf32, #tpu.memory_space<vmem>>
        %dma_wait3A_63 = tpu.memref_slice %arg6[%mul3A_56] : memref<128xf32, #tpu.memory_space<hbm>> -> memref<64xf32, #tpu.memory_space<hbm>>
        %dma_wait3A_64 = tpu.memref_slice %arg6[%mul3A_56] : memref<128xf32, #tpu.memory_space<hbm>> -> memref<64xf32, #tpu.memory_space<hbm>>
        %dma_wait3A_65 = arith.constant 0 : i32
        %dma_wait3A_66 = tpu.memref_slice %arg21[%dma_wait3A_65] : memref<128xf32, #tpu.memory_space<vmem>> -> memref<64xf32, #tpu.memory_space<vmem>>
        tpu.wait_dma2 semaphore(%run_scoped3A : memref<!tpu.dma_semaphore, #tpu.memory_space<semaphore_mem>>) src(%dma_wait3A_66 : memref<64xf32, #tpu.memory_space<vmem>>) dst(%dma_wait3A_64 : memref<64xf32, #tpu.memory_space<hbm>>)
        tpu.yield
      }) : () -> ()
    } else {
    }
    return
  }
}

module attributes {stable_mosaic.version = 14 : i64} {
  func.func @_mlp_body(%arg0: memref<10000x512xf32, #tpu.memory_space<vmem>>, %arg1: memref<256x512xf32, #tpu.memory_space<vmem>>, %arg2: memref<1x256xf32, #tpu.memory_space<vmem>>, %arg3: memref<1x256xf32, #tpu.memory_space<vmem>>, %arg4: memref<1x256xf32, #tpu.memory_space<vmem>>, %arg5: memref<256x256xf32, #tpu.memory_space<vmem>>, %arg6: memref<1x256xf32, #tpu.memory_space<vmem>>, %arg7: memref<1x256xf32, #tpu.memory_space<vmem>>, %arg8: memref<1x256xf32, #tpu.memory_space<vmem>>, %arg9: memref<128x256xf32, #tpu.memory_space<vmem>>, %arg10: memref<1x128xf32, #tpu.memory_space<vmem>>, %arg11: memref<1x128xf32, #tpu.memory_space<vmem>>, %arg12: memref<1x128xf32, #tpu.memory_space<vmem>>, %arg13: memref<2x128xf32, #tpu.memory_space<vmem>>, %arg14: memref<2x10240xf32, #tpu.memory_space<vmem>>) attributes {dimension_semantics = [], scalar_prefetch = 0 : i64, scratch_operands = 0 : i64, tpu.core_type = #tpu.core_type<tc>} {
    %get3A = arith.constant 0 : index
    %get3A_0 = arith.constant 0 : index
    %get3A_1 = vector.load %arg0[%get3A, %get3A_0] : memref<10000x512xf32, #tpu.memory_space<vmem>>, vector<10000x512xf32>
    %get3A_2 = arith.constant 0 : index
    %get3A_3 = arith.constant 0 : index
    %get3A_4 = vector.load %arg1[%get3A_2, %get3A_3] : memref<256x512xf32, #tpu.memory_space<vmem>>, vector<256x512xf32>
    %dot_general3A = arith.constant dense<0.000000e+00> : vector<10000x256xf32>
    %dot_general3A_5 = tpu.matmul %get3A_1, %get3A_4, %dot_general3A {dimension_numbers = #tpu.dot_dimension_numbers<[1], [1], [0], [0], [0, 0, 1, 0], [], []>, transpose_lhs_hint = false} : vector<10000x512xf32>, vector<256x512xf32>, vector<10000x256xf32> -> vector<10000x256xf32>
    %get3A_6 = arith.constant 0 : index
    %get3A_7 = arith.constant 0 : index
    %get3A_8 = vector.load %arg2[%get3A_6, %get3A_7] : memref<1x256xf32, #tpu.memory_space<vmem>>, vector<1x256xf32>
    %add3A = vector.broadcast %get3A_8 : vector<1x256xf32> to vector<10000x256xf32>
    %add3A_9 = arith.addf %dot_general3A_5, %add3A : vector<10000x256xf32>
    %get3A_10 = arith.constant 0 : index
    %get3A_11 = arith.constant 0 : index
    %get3A_12 = vector.load %arg3[%get3A_10, %get3A_11] : memref<1x256xf32, #tpu.memory_space<vmem>>, vector<1x256xf32>
    %get3A_13 = arith.constant 0 : index
    %get3A_14 = arith.constant 0 : index
    %get3A_15 = vector.load %arg4[%get3A_13, %get3A_14] : memref<1x256xf32, #tpu.memory_space<vmem>>, vector<1x256xf32>
    %reduce_sum3A = arith.constant dense<0.000000e+00> : vector<256xf32>
    %reduce_sum3A_16 = vector.multi_reduction <add>, %add3A_9, %reduce_sum3A [0] : vector<10000x256xf32> to vector<256xf32>
    %broadcast_in_dim3A = vector.shape_cast %reduce_sum3A_16 : vector<256xf32> to vector<1x256xf32>
    %div3A = arith.constant 1.000000e+04 : f32
    %div3A_17 = vector.broadcast %div3A : f32 to vector<1x256xf32>
    %div3A_18 = arith.divf %broadcast_in_dim3A, %div3A_17 : vector<1x256xf32>
    %sub3A = vector.broadcast %div3A_18 : vector<1x256xf32> to vector<10000x256xf32>
    %sub3A_19 = arith.subf %add3A_9, %sub3A : vector<10000x256xf32>
    %mul3A = arith.mulf %sub3A_19, %sub3A_19 : vector<10000x256xf32>
    %reduce_sum3A_20 = arith.constant dense<0.000000e+00> : vector<256xf32>
    %reduce_sum3A_21 = vector.multi_reduction <add>, %mul3A, %reduce_sum3A_20 [0] : vector<10000x256xf32> to vector<256xf32>
    %broadcast_in_dim3A_22 = vector.shape_cast %reduce_sum3A_21 : vector<256xf32> to vector<1x256xf32>
    %div3A_23 = arith.constant 1.000000e+04 : f32
    %div3A_24 = vector.broadcast %div3A_23 : f32 to vector<1x256xf32>
    %div3A_25 = arith.divf %broadcast_in_dim3A_22, %div3A_24 : vector<1x256xf32>
    %add3A_26 = arith.constant 9.99999974E-6 : f32
    %add3A_27 = vector.broadcast %add3A_26 : f32 to vector<1x256xf32>
    %add3A_28 = arith.addf %div3A_25, %add3A_27 : vector<1x256xf32>
    %rsqrt3A = math.rsqrt %add3A_28 : vector<1x256xf32>
    %mul3A_29 = vector.broadcast %rsqrt3A : vector<1x256xf32> to vector<10000x256xf32>
    %mul3A_30 = arith.mulf %sub3A_19, %mul3A_29 : vector<10000x256xf32>
    %mul3A_31 = vector.broadcast %get3A_12 : vector<1x256xf32> to vector<10000x256xf32>
    %mul3A_32 = arith.mulf %mul3A_30, %mul3A_31 : vector<10000x256xf32>
    %add3A_33 = vector.broadcast %get3A_15 : vector<1x256xf32> to vector<10000x256xf32>
    %add3A_34 = arith.addf %mul3A_32, %add3A_33 : vector<10000x256xf32>
    %max3A = arith.constant 0.000000e+00 : f32
    %max3A_35 = vector.broadcast %max3A : f32 to vector<10000x256xf32>
    %max3A_36 = arith.maximumf %add3A_34, %max3A_35 : vector<10000x256xf32>
    %get3A_37 = arith.constant 0 : index
    %get3A_38 = arith.constant 0 : index
    %get3A_39 = vector.load %arg5[%get3A_37, %get3A_38] : memref<256x256xf32, #tpu.memory_space<vmem>>, vector<256x256xf32>
    %dot_general3A_40 = arith.constant dense<0.000000e+00> : vector<10000x256xf32>
    %dot_general3A_41 = tpu.matmul %max3A_36, %get3A_39, %dot_general3A_40 {dimension_numbers = #tpu.dot_dimension_numbers<[1], [1], [0], [0], [0, 0, 1, 0], [], []>, transpose_lhs_hint = false} : vector<10000x256xf32>, vector<256x256xf32>, vector<10000x256xf32> -> vector<10000x256xf32>
    %get3A_42 = arith.constant 0 : index
    %get3A_43 = arith.constant 0 : index
    %get3A_44 = vector.load %arg6[%get3A_42, %get3A_43] : memref<1x256xf32, #tpu.memory_space<vmem>>, vector<1x256xf32>
    %add3A_45 = vector.broadcast %get3A_44 : vector<1x256xf32> to vector<10000x256xf32>
    %add3A_46 = arith.addf %dot_general3A_41, %add3A_45 : vector<10000x256xf32>
    %get3A_47 = arith.constant 0 : index
    %get3A_48 = arith.constant 0 : index
    %get3A_49 = vector.load %arg7[%get3A_47, %get3A_48] : memref<1x256xf32, #tpu.memory_space<vmem>>, vector<1x256xf32>
    %get3A_50 = arith.constant 0 : index
    %get3A_51 = arith.constant 0 : index
    %get3A_52 = vector.load %arg8[%get3A_50, %get3A_51] : memref<1x256xf32, #tpu.memory_space<vmem>>, vector<1x256xf32>
    %reduce_sum3A_53 = arith.constant dense<0.000000e+00> : vector<256xf32>
    %reduce_sum3A_54 = vector.multi_reduction <add>, %add3A_46, %reduce_sum3A_53 [0] : vector<10000x256xf32> to vector<256xf32>
    %broadcast_in_dim3A_55 = vector.shape_cast %reduce_sum3A_54 : vector<256xf32> to vector<1x256xf32>
    %div3A_56 = arith.constant 1.000000e+04 : f32
    %div3A_57 = vector.broadcast %div3A_56 : f32 to vector<1x256xf32>
    %div3A_58 = arith.divf %broadcast_in_dim3A_55, %div3A_57 : vector<1x256xf32>
    %sub3A_59 = vector.broadcast %div3A_58 : vector<1x256xf32> to vector<10000x256xf32>
    %sub3A_60 = arith.subf %add3A_46, %sub3A_59 : vector<10000x256xf32>
    %mul3A_61 = arith.mulf %sub3A_60, %sub3A_60 : vector<10000x256xf32>
    %reduce_sum3A_62 = arith.constant dense<0.000000e+00> : vector<256xf32>
    %reduce_sum3A_63 = vector.multi_reduction <add>, %mul3A_61, %reduce_sum3A_62 [0] : vector<10000x256xf32> to vector<256xf32>
    %broadcast_in_dim3A_64 = vector.shape_cast %reduce_sum3A_63 : vector<256xf32> to vector<1x256xf32>
    %div3A_65 = arith.constant 1.000000e+04 : f32
    %div3A_66 = vector.broadcast %div3A_65 : f32 to vector<1x256xf32>
    %div3A_67 = arith.divf %broadcast_in_dim3A_64, %div3A_66 : vector<1x256xf32>
    %add3A_68 = arith.constant 9.99999974E-6 : f32
    %add3A_69 = vector.broadcast %add3A_68 : f32 to vector<1x256xf32>
    %add3A_70 = arith.addf %div3A_67, %add3A_69 : vector<1x256xf32>
    %rsqrt3A_71 = math.rsqrt %add3A_70 : vector<1x256xf32>
    %mul3A_72 = vector.broadcast %rsqrt3A_71 : vector<1x256xf32> to vector<10000x256xf32>
    %mul3A_73 = arith.mulf %sub3A_60, %mul3A_72 : vector<10000x256xf32>
    %mul3A_74 = vector.broadcast %get3A_49 : vector<1x256xf32> to vector<10000x256xf32>
    %mul3A_75 = arith.mulf %mul3A_73, %mul3A_74 : vector<10000x256xf32>
    %add3A_76 = vector.broadcast %get3A_52 : vector<1x256xf32> to vector<10000x256xf32>
    %add3A_77 = arith.addf %mul3A_75, %add3A_76 : vector<10000x256xf32>
    %max3A_78 = arith.constant 0.000000e+00 : f32
    %max3A_79 = vector.broadcast %max3A_78 : f32 to vector<10000x256xf32>
    %max3A_80 = arith.maximumf %add3A_77, %max3A_79 : vector<10000x256xf32>
    %get3A_81 = arith.constant 0 : index
    %get3A_82 = arith.constant 0 : index
    %get3A_83 = vector.load %arg9[%get3A_81, %get3A_82] : memref<128x256xf32, #tpu.memory_space<vmem>>, vector<128x256xf32>
    %dot_general3A_84 = arith.constant dense<0.000000e+00> : vector<10000x128xf32>
    %dot_general3A_85 = tpu.matmul %max3A_80, %get3A_83, %dot_general3A_84 {dimension_numbers = #tpu.dot_dimension_numbers<[1], [1], [0], [0], [0, 0, 1, 0], [], []>, transpose_lhs_hint = false} : vector<10000x256xf32>, vector<128x256xf32>, vector<10000x128xf32> -> vector<10000x128xf32>
    %get3A_86 = arith.constant 0 : index
    %get3A_87 = arith.constant 0 : index
    %get3A_88 = vector.load %arg10[%get3A_86, %get3A_87] : memref<1x128xf32, #tpu.memory_space<vmem>>, vector<1x128xf32>
    %add3A_89 = vector.broadcast %get3A_88 : vector<1x128xf32> to vector<10000x128xf32>
    %add3A_90 = arith.addf %dot_general3A_85, %add3A_89 : vector<10000x128xf32>
    %get3A_91 = arith.constant 0 : index
    %get3A_92 = arith.constant 0 : index
    %get3A_93 = vector.load %arg11[%get3A_91, %get3A_92] : memref<1x128xf32, #tpu.memory_space<vmem>>, vector<1x128xf32>
    %get3A_94 = arith.constant 0 : index
    %get3A_95 = arith.constant 0 : index
    %get3A_96 = vector.load %arg12[%get3A_94, %get3A_95] : memref<1x128xf32, #tpu.memory_space<vmem>>, vector<1x128xf32>
    %reduce_sum3A_97 = arith.constant dense<0.000000e+00> : vector<128xf32>
    %reduce_sum3A_98 = vector.multi_reduction <add>, %add3A_90, %reduce_sum3A_97 [0] : vector<10000x128xf32> to vector<128xf32>
    %broadcast_in_dim3A_99 = vector.shape_cast %reduce_sum3A_98 : vector<128xf32> to vector<1x128xf32>
    %div3A_100 = arith.constant 1.000000e+04 : f32
    %div3A_101 = vector.broadcast %div3A_100 : f32 to vector<1x128xf32>
    %div3A_102 = arith.divf %broadcast_in_dim3A_99, %div3A_101 : vector<1x128xf32>
    %sub3A_103 = vector.broadcast %div3A_102 : vector<1x128xf32> to vector<10000x128xf32>
    %sub3A_104 = arith.subf %add3A_90, %sub3A_103 : vector<10000x128xf32>
    %mul3A_105 = arith.mulf %sub3A_104, %sub3A_104 : vector<10000x128xf32>
    %reduce_sum3A_106 = arith.constant dense<0.000000e+00> : vector<128xf32>
    %reduce_sum3A_107 = vector.multi_reduction <add>, %mul3A_105, %reduce_sum3A_106 [0] : vector<10000x128xf32> to vector<128xf32>
    %broadcast_in_dim3A_108 = vector.shape_cast %reduce_sum3A_107 : vector<128xf32> to vector<1x128xf32>
    %div3A_109 = arith.constant 1.000000e+04 : f32
    %div3A_110 = vector.broadcast %div3A_109 : f32 to vector<1x128xf32>
    %div3A_111 = arith.divf %broadcast_in_dim3A_108, %div3A_110 : vector<1x128xf32>
    %add3A_112 = arith.constant 9.99999974E-6 : f32
    %add3A_113 = vector.broadcast %add3A_112 : f32 to vector<1x128xf32>
    %add3A_114 = arith.addf %div3A_111, %add3A_113 : vector<1x128xf32>
    %rsqrt3A_115 = math.rsqrt %add3A_114 : vector<1x128xf32>
    %mul3A_116 = vector.broadcast %rsqrt3A_115 : vector<1x128xf32> to vector<10000x128xf32>
    %mul3A_117 = arith.mulf %sub3A_104, %mul3A_116 : vector<10000x128xf32>
    %mul3A_118 = vector.broadcast %get3A_93 : vector<1x128xf32> to vector<10000x128xf32>
    %mul3A_119 = arith.mulf %mul3A_117, %mul3A_118 : vector<10000x128xf32>
    %add3A_120 = vector.broadcast %get3A_96 : vector<1x128xf32> to vector<10000x128xf32>
    %add3A_121 = arith.addf %mul3A_119, %add3A_120 : vector<10000x128xf32>
    %max3A_122 = arith.constant 0.000000e+00 : f32
    %max3A_123 = vector.broadcast %max3A_122 : f32 to vector<10000x128xf32>
    %max3A_124 = arith.maximumf %add3A_121, %max3A_123 : vector<10000x128xf32>
    %get3A_125 = arith.constant 0 : index
    %get3A_126 = arith.constant 0 : index
    %get3A_127 = vector.load %arg13[%get3A_125, %get3A_126] : memref<2x128xf32, #tpu.memory_space<vmem>>, vector<2x128xf32>
    %dot_general3A_128 = arith.constant dense<0.000000e+00> : vector<2x10000xf32>
    %dot_general3A_129 = tpu.matmul %get3A_127, %max3A_124, %dot_general3A_128 {dimension_numbers = #tpu.dot_dimension_numbers<[1], [1], [0], [0], [0, 0, 1, 0], [], []>, transpose_lhs_hint = false} : vector<2x128xf32>, vector<10000x128xf32>, vector<2x10000xf32> -> vector<2x10000xf32>
    %jit3A = arith.constant 0 : i32
    %convert_element_type3A = arith.sitofp %jit3A : i32 to f32
    %pad3A = vector.broadcast %convert_element_type3A : f32 to vector<2x240xf32>
    %pad3A_130 = tpu.concatenate %dot_general3A_129, %pad3A in 1 : vector<2x10000xf32>, vector<2x240xf32> -> vector<2x10240xf32>
    %swap3A = arith.constant 0 : index
    %swap3A_131 = arith.constant 0 : index
    %swap3A_132 = vector.load %arg14[%swap3A, %swap3A_131] : memref<2x10240xf32, #tpu.memory_space<vmem>>, vector<2x10240xf32>
    tpu.vector_store %arg14[%swap3A, %swap3A_131], %pad3A_130 {strides = array<i32>} : memref<2x10240xf32, #tpu.memory_space<vmem>>, vector<2x10240xf32>,
    return
  }
}

</mosaic_0001>

<sc_bundles>
// kernel: kernel.4.cloned.1.call-start
scs
__scs_entry_jumppad:
0x0: {  	(pc) =	sbr.rel $0x88, $3  }
0x1: {  	(tag) =	ssettag $0x0;
	lr =	simm.s32 $0x1  }
0x2: {  	[smem:$0x3F90] =	sst lr;
	_ =	strace $0xD0000000  }
0x3: {  	_ = 	snop  }
0x4: {  	_ = 	snop  }
0x5: {  	_ = 	snop  }
0x6: {  	_ = 	snop  }
0x7: {  	_ = 	snop  }
__scs_overlays_trampoline_lowered:
0x8: {  	[smem:$0x3F9F] =	sst s0  }
0x9: {  	[smem:$0x3FA0] =	sst s1  }
0xa: {  	[smem:$0x3FA1] =	sst s2  }
0xb: {  	[smem:$0x3FA2] =	sst s3  }
0xc: {  	[smem:$0x3FA3] =	sst s4  }
0xd: {  	[smem:$0x3FA4] =	sst s5  }
0xe: {  	[smem:$0x3FA5] =	sst s6  }
0xf: {  	[smem:$0x3FA6] =	sst s7  }
0x10: {  	[smem:$0x3FA7] =	sst s8  }
0x11: {  	[smem:$0x3FA8] =	sst s9;
	s0 =	simm.s32 @!p0 $0x0  }
0x12: {  	s1 =	sld [smem:$0x3F8E];
	s0 =	simm.s32 @p0 $0x1  }
0x13: {  	[smem:$0x3FA9] =	sst s0;
	s0 =	simm.s32 @!p1 $0x0  }
0x14: {  	s2 =	sld [smem:$0x3F8D];
	s0 =	simm.s32 @p1 $0x1  }
0x15: {  	[smem:$0x3FAA] =	sst s0;
	s0 =	simm.s32 @!p2 $0x0  }
0x16: {  	s3 =	sld [smem:$0x3FDB];
	s0 =	simm.s32 @p2 $0x1  }
0x17: {  	s4 =	simm.s32 $0x1BF5;
	[smem:$0x3FAC] =	sst s0  }
0x18: {  	s0 =	sld [smem:$0x3F8F];
	_ =	swait.ge [sflag:s4], $0x0  }
0x19: {  	s7 =	sld [smem:$0x3F90]  }
0x1a: {  	s8 =	sadd.s32 $0xFFFFE003, lr  }
0x1b: {  	s9 =	sadd.s32 $0xFFFFFEF7, lr;
	s5 =	simm.s32 $0xFFFFFFFF;
	p2 =	slt.u32 s8, $0xFFFFF086  }
0x1c: {  	p1 =	slt.u32 s9, $0xF7A;
	s5 =	simm.s32 @!p2 $0x0  }
0x1d: {  	s5 =	simm.s32 @p1 $0x1;
	p0 =	seq.s32 s7, s2  }
0x1e: {  	s7 =	smul.u32 @!p0 $0xF7A, s2;
	p2 =	seq.s32 @!p0 s5, $0x0  }
0x1f: {  	s9 =	smul.u32 $0xF7A, s1;
	s8 =	simm.s32 @!p0 $0x1BF5;
	p2 =	por !p2, p0  }
0x20: {  	[sflag:s8] =	ssyncset.s32 @!p0 $0xFFFFF086;
	s6 =	sadd.s32 @!p0 s3, s7;
	s7 =	simm.s32 @!p0 $0x108  }
0x21: {  	s3 =	sadd.s32 s3, s9;
	s6 =	sadd.s32 @!p0 $0x88, s6;
	s7 =	simm.s32 @p2 $0x1082  }
0x22: {  	[simem:s7], [sflag:s8] =	dma.local @!p0 [hbm:s6], $0xF7A  }
0x23: {  	s9 =	sor.u32 $0xD0000000, s2;
	s6 =	simm.s32 $0x108;
	_ =	swait.ge @!p0 [sflag:s8], $0x0  }
0x24: {  	s3 =	sadd.s32 $0x88, s3;
	s6 =	simm.s32 @!p1 $0x1082;
	[sflag:s4] =	ssyncset.s32 $0xFFFFF086  }
0x25: {  	[simem:s6], [sflag:s4] =	dma.local [hbm:s3], $0xF7A  }
0x26: {  	[smem:$0x3F90] =	sst s1;
	(tag) =	ssettag s2;
	_ =	strace s9  }
0x27: {  	s1 =	sld [smem:$0x3FA0]  }
0x28: {  	s2 =	sld [smem:$0x3FA1]  }
0x29: {  	s4 =	sld [smem:$0x3FA3]  }
0x2a: {  	p0 =	seq.s32 s5, $0x0;
	s5 =	sld [smem:$0x3FA4]  }
0x2b: {  	s6 =	sld [smem:$0x3FA5]  }
0x2c: {  	s7 =	sld [smem:$0x3FA6]  }
0x2d: {  	s3 =	simm.s32 $0x108;
	s8 =	sld [smem:$0x3FA7]  }
0x2e: {  	s3 =	simm.s32 @!p0 $0x1082;
	s9 =	sld [smem:$0x3FA8]  }
0x2f: {  	lr =	sadd.s32 s0, s3;
	s0 =	sld [smem:$0x3F9F]  }
0x30: {  	s3 =	sld [smem:$0x3FA2]  }
0x31: {  	[smem:$0x3FAB] =	sst s10  }
0x32: {  	s10 =	sld [smem:$0x3FA9];
	_ =	sdelay $0x3  }
0x33: {  	p0 =	seq.s32 s10, $0x1;
	s10 =	sld [smem:$0x3FAB];
	_ =	sdelay $0x3  }
0x34: {  	[smem:$0x3FAB] =	sst s10  }
0x35: {  	s10 =	sld [smem:$0x3FAA];
	_ =	sdelay $0x3  }
0x36: {  	p1 =	seq.s32 s10, $0x1;
	s10 =	sld [smem:$0x3FAB];
	_ =	sdelay $0x3  }
0x37: {  	[smem:$0x3FAB] =	sst s10  }
0x38: {  	s10 =	sld [smem:$0x3FAC]  }
0x39: {  	_ = 	snop;
	(pc) =	sbr.ind lr, $3  }
0x3a: {  	_ = 	snop  }
0x3b: {  	_ = 	snop  }
0x3c: {  	p2 =	seq.s32 s10, $0x1;
	s10 =	sld [smem:$0x3FAB]  }
0x3d: {  	_ =	shalt  }
0x3e: {  	_ =	shalt  }
0x3f: {  	_ =	shalt  }
0x40: {  	_ =	shalt  }
0x41: {  	_ =	shalt  }
0x42: {  	_ =	shalt  }
0x43: {  	_ =	shalt  }
0x44: {  	_ =	shalt  }
0x45: {  	_ =	shalt  }
0x46: {  	_ =	shalt  }
0x47: {  	_ =	shalt  }
0x48: {  	_ =	shalt  }
0x49: {  	_ =	shalt  }
0x4a: {  	_ =	shalt  }
0x4b: {  	_ =	shalt  }
0x4c: {  	_ =	shalt  }
0x4d: {  	_ =	shalt  }
0x4e: {  	_ =	shalt  }
0x4f: {  	_ =	shalt  }
0x50: {  	_ =	shalt  }
0x51: {  	_ =	shalt  }
0x52: {  	_ =	shalt  }
0x53: {  	_ =	shalt  }
0x54: {  	_ =	shalt  }
0x55: {  	_ =	shalt  }
0x56: {  	_ =	shalt  }
0x57: {  	_ =	shalt  }
0x58: {  	_ =	shalt  }
0x59: {  	_ =	shalt  }
0x5a: {  	_ =	shalt  }
0x5b: {  	_ =	shalt  }
0x5c: {  	_ =	shalt  }
0x5d: {  	_ =	shalt  }
0x5e: {  	_ =	shalt  }
0x5f: {  	_ =	shalt  }
0x60: {  	_ =	shalt  }
0x61: {  	_ =	shalt  }
0x62: {  	_ =	shalt  }
0x63: {  	_ =	shalt  }
0x64: {  	_ =	shalt  }
0x65: {  	_ =	shalt  }
0x66: {  	_ =	shalt  }
0x67: {  	_ =	shalt  }
0x68: {  	_ =	shalt  }
0x69: {  	_ =	shalt  }
0x6a: {  	_ =	shalt  }
0x6b: {  	_ =	shalt  }
0x6c: {  	_ =	shalt  }
0x6d: {  	_ =	shalt  }
0x6e: {  	_ =	shalt  }
0x6f: {  	_ =	shalt  }
0x70: {  	_ =	shalt  }
0x71: {  	_ =	shalt  }
0x72: {  	_ =	shalt  }
0x73: {  	_ =	shalt  }
0x74: {  	_ =	shalt  }
0x75: {  	_ =	shalt  }
0x76: {  	_ =	shalt  }
0x77: {  	_ =	shalt  }
0x78: {  	_ =	shalt  }
0x79: {  	_ =	shalt  }
0x7a: {  	_ =	shalt  }
0x7b: {  	_ =	shalt  }
0x7c: {  	_ =	shalt  }
0x7d: {  	_ =	shalt  }
0x7e: {  	_ =	shalt  }
0x7f: {  	_ =	shalt  }
0x80: {  	_ =	shalt  }
0x81: {  	_ =	shalt  }
0x82: {  	_ =	shalt  }
0x83: {  	_ =	shalt  }
0x84: {  	_ =	shalt  }
0x85: {  	_ =	shalt  }
0x86: {  	_ =	shalt  }
0x87: {  	_ =	shalt  }
.Lfunc_end0:
.L_simem_size_0:
called_computation_lowered:
.L_overlay_start_0:
0x88: {  	s2 =	sld [smem:$0x3FD9]  }
0x89: {  	s3 =	sld [smem:$0x3FFE];
	_ =	sdelay $0x1  }
0x8a: {  	s1 =	srdreg.scid  }
0x8b: {  	s0 =	sand.u32 $0x1, s1  }
0x8c: {  	s17 =	sshll.u32 s0, $0xA;
	s2 =	sadd.s32 s3, s2  }
0x8d: {  	s2 =	sadd.s32 s2, s17  }
0x8e: {  	[smem:$0x3FB7] =	sst s2  }
0x8f: {  	_ = 	snop  }
0x90: {  	s2 =	sld [smem:$0x3FC7]  }
0x91: {  	s18 =	sld [smem:$0x3FD0];
	(tm) =	ssettm $0x1  }
0x92: {  	s4 =	sld [smem:$0x3FFB];
	_ =	sdelay $0x3  }
0x93: {  	_ =	strace s4  }
0x94: {  	s4 =	sld [smem:$0x3FFC];
	_ =	sdelay $0x3  }
0x95: {  	_ =	strace s4  }
0x96: {  	s4 =	sld [smem:$0x3FFD];
	_ =	sdelay $0x3  }
0x97: {  	_ =	strace s4  }
0x98: {  	_ =	strace $0x8FFFFFFF  }
0x99: {  	s19 =	sld [smem:$0x3FDB];
	_ =	sdelay $0x1  }
0x9a: {  	s5 =	simm.s32 $_scs_section_size  }
0x9b: {  	s6 =	simm.s32 $_size__tile_overlayer_lowered;
	s7 =	simm.s32 $_tile_overlayer_lowered  }
0x9c: {  	s22 =	simm.s32 $0x1BFF;
	s21 =	sshll.u32 s7, $0x1;
	s4 =	sadd.s32 s5, s19  }
0x9d: {  	s8 =	simm.s32 $0x0;
	s20 =	sshll.u32 s6, $0x1;
	s6 =	sadd.s32 s21, s4  }
0x9e: {  	[timem:s8], [sflag:s22] =	dma.local [hbm:s6], s20  }
0x9f: {  	_ =	swait.ge [sflag:s22], s20  }
0xa0: {  	s5 =	ssub.s32 $0x0, s20;
	[sflag:s22] =	ssyncset.done $0x0  }
0xa1: {  	[sflag:s22] =	ssyncadd.s32 s5;
	_ =	sdelay $0x1  }
0xa2: {  	s23 =	simm.s32 $0x1B8B  }
0xa3: {  	_ =	swait.ge [sflag:s23], $0x1  }
0xa4: {  	[sflag:s23] =	ssyncset.done $0x0  }
0xa5: {  	s25 =	simm.s32 $0x1B8E;
	s24 =	sld [smem:$0x3FFE];
	[sflag:s23] =	ssyncadd.s32 $0xFFFFFFFF  }
0xa6: {  	s26 =	simm.s32 $execute0_lowered;
	[smem:$0x3FD2] =	sst s25  }
0xa7: {  	s6 =	sshll.u32 s26, $0x1;
	_ =	strace $0x80000046;
	[dreg:$0x1] =	wrdreg $0xFFFFFFFF  }
0xa8: {  	s28 =	simm.s32 $_size_execute0_lowered;
	s4 =	sadd.s32 s4, s6;
	[dreg:$0x0] =	wrdreg $0x0  }
0xa9: {  	s6 =	sshll.u32 s28, $0x1;
	[dreg:$0x2] =	wrdreg s4  }
0xaa: {  	[dreg:$0x3] =	wrdreg s6  }
0xab: {  	[dreg:$0x4] =	wrdreg $0xC0  }
0xac: {  	_ =	task [dreg:s8], $0x5FFFF  }
0xad: {  	[dreg:$0x1] =	wrdreg $0xFFFFFFFF  }
0xae: {  	[dreg:$0x0] =	wrdreg $0x60  }
0xaf: {  	[dreg:$0x2] =	wrdreg s24  }
0xb0: {  	[dreg:$0x3] =	wrdreg s2  }
0xb1: {  	[dreg:$0x4] =	wrdreg s18  }
0xb2: {  	[dreg:$0x5] =	wrdreg $0x15D800  }
0xb3: {  	[dreg:$0x6] =	wrdreg $0x15E000  }
0xb4: {  	[dreg:$0x7] =	wrdreg $0x133000  }
0xb5: {  	[dreg:$0x8] =	wrdreg $0x15B000  }
0xb6: {  	[dreg:$0x9] =	wrdreg $0x9  }
0xb7: {  	_ =	task.clear_ibuf [dreg:s8], $0xAFFFF;
	_ =	strace $0x90000046  }
0xb8: {  	s29 =	simm.s32 $0x9;
	_ =	strace $0x80000048  }
0xb9: {  	_ =	swait.ge [sflag:s29], $0x1  }
0xba: {  	[sflag:s29] =	ssyncadd.s32 $0xFFFFFFFF  }
0xbb: {  	_ =	strace $0x90000048  }
0xbc: {  	_ =	sfence  }
0xbd: {  	s30 =	sld [smem:$0x0];
	_ =	sdelay $0x2  }
0xbe: {  	s31 =	sshll.u32 s1, $0xD;
	s1 =	sshrl.u32 s1, $0x2  }
0xbf: {  	s3 =	sand.u32 $0x4000, s31;
	s1 =	sadd.s32 s1, s30  }
0xc0: {  	s0 =	sor.u32 s3, s0;
	s1 =	sshll.u32 s1, $0x11  }
0xc1: {  	s0 =	sor.u32 s1, s0  }
0xc2: {  	s0 =	sadd.s32 $0x8F2B, s0  }
0xc3: {  	[sflag:s0] =	ssyncadd.remote.s32 $0x1  }
0xc4: {  	_ =	sfence.sel $0xFFFF  }
0xc5: {  	[dreg:$0x0] =	wrdreg $0xFFFFFFFF;
	(pc) =	sbr.abs _section_cstart, $3  }
0xc6: {  	[dreg:$0x1] =	wrdreg $0xFFFFFFFF  }
0xc7: {  	_ =	task.clear_ibuf [dreg:s8], $0x2FFFF;
	_ =	strace $0x9FFFFFFF  }
0xc8: {  	(tm) =	ssettm $0x7FFFFFFF  }
0xc9: {  	_ =	shalt  }
tec
execute0_lowered:
.L_overlay_start_1:
0x0: {  	(tag) =	ssettag $0x1  }
0x1: {  	s0 =	rddreg [dreg:$0x0]  }
0x2: {  	s1 =	rddreg [dreg:$0x1]  }
0x3: {  	s2 =	rddreg [dreg:$0x2]  }
0x4: {  	s11 =	rddreg [dreg:$0x3]  }
0x5: {  	s12 =	rddreg [dreg:$0x4]  }
0x6: {  	s3 =	rddreg [dreg:$0x5];
	s4 =	stileid.u32  }
0x7: {  	s5 =	srdreg.scid;
	s13 =	rddreg [dreg:$0x6];
	s8 =	simm.s32 $0x0  }
0x8: {  	s5 =	sand.u32 $0x1, s5;
	s6 =	smul.u32 $0x280, s4;
	[smem:$0x7FF] =	sst s8  }
0x9: {  	s16 =	smul.u32 $0x9C4, s4;
	s10 =	sshrl.u32 s4, $0x3;
	s20 =	sshll.u32 s4, $0x7  }
0xa: {  	s22 =	smul.u32 $0x5000, s4;
	p0 =	seq.s32 s4, $0xF;
	p1 =	sne.s32 s4, $0x0  }
0xb: {  	s7 =	smul.u32 $0x2800, s5;
	_ =	strace $0x80000047;
	s9 =	ssub.s32 $0x2, s5  }
0xc: {  	s10 =	smul.u32 $0x50000, s10;
	s23 =	sand.u32 $0x380, s20;
	s29 =	sadd.s32 s20, s11  }
0xd: {  	s28 =	sshll.u32 s5, $0x3;
	s30 =	sadd.s32 s20, s12;
	[dreg:$0x15] =	wrdreg s29  }
0xe: {  	s8 =	sadd.s32 s16, s0;
	s26 =	sadd.s32 s6, s13;
	[dreg:$0x16] =	wrdreg s30  }
0xf: {  	s17 =	sshrl.u32 s9, $0x1;
	s14 =	sadd.s32 $0xC400, s8;
	[dreg:$0x14] =	wrdreg s26  }
0x10: {  	s18 =	sshrl.u32 s6, $0x3;
	s8 =	sadd.s32 $0x2600, s8;
	[dreg:$0xd] =	wrdreg s14  }
0x11: {  	s7 =	sadd.s32 s6, s7;
	s19 =	sadd.s32 s1, s18;
	[dreg:$0xe] =	wrdreg s8  }
0x12: {  	s1 =	sadd.s32 $0x4B0, s1;
	s7 =	sshrl.u32 s7, $0x3;
	[dreg:$0xf] =	wrdreg s19  }
0x13: {  	s21 =	sshrl.u32 s10, $0x2;
	[dreg:$0x10] =	wrdreg s1;
	s0 =	sadd.s32 s7, s0  }
0x14: {  	s7 =	ssub.s32 s9, s17;
	s9 =	sadd.s32 s21, s3;
	s0 =	sadd.s32 $0x1C00, s0  }
.Ltmp0:
0x15: {  	s24 =	sadd.s32 s23, s9;
	[dreg:$0x11] =	wrdreg s0;
	(pc) =	sbr.rel .LBB2_1-.Ltmp0, $4  }
0x16: {  	s25 =	sshrl.u32 s22, $0x2;
	s31 =	smax.u32 s7, $0x1;
	[dreg:$0x12] =	wrdreg s24  }
0x17: {  	s12 =	simm.s32 $0x2;
	s0 =	sadd.s32 s25, s3;
	[dreg:$0x18] =	wrdreg s31  }
0x18: {  	s13 =	simm.s32 $0xC500;
	[dreg:$0x13] =	wrdreg s0;
	s0 =	sadd.s32 s2, s28  }
0x19: {  	v0 =	vimm.f32 $0.0e+00;
	v1 =	vimm.f32 $1.000000000e+00;
	s14 =	simm.s32 $0x9D00;
	s1 =	simm.s32 $0x0;
	[dreg:$0x17] =	wrdreg s0  }
.LBB2_21:
0x1a: {  	s1 =	sadd.s32 $0x1, s1;
	s0 =	rddreg [dreg:$0x18]  }
0x1b: {  	p2 =	sne.s32 s1, s0  }
.Ltmp1:
0x1c: {  	_ = 	snop;
	(pc) =	sbr.rel @!p2 .LBB2_22-.Ltmp1, $1  }
0x1d: {  	_ =	sdelay $0x3  }
.LBB2_1:
0x1e: {  	[dreg:$0x19] =	wrdreg s1  }
0x1f: {  	s2 =	simm.s32 $0x0;
	s0 =	rddreg [dreg:$0xd]  }
0x20: {  	[tilespmem:s2], [sflag:$0x2] =	stream.linear.gather [hbm4b:s0+s2], $0x4E20, $0x38;
	[tilespmem:$0x15E80] =	vst v63  }
0x21: {  	_ =	swait.ge [sflag:s12], $0x4E20  }
0x22: {  	[sflag:s12] =	ssyncset.done $0x0  }
0x23: {  	s29 =	simm.s32 $0x4E80;
	s28 =	rddreg [dreg:$0xe];
	[sflag:s12] =	ssyncadd.s32 $0xFFFFB1E0  }
0x24: {  	[tilespmem:s29], [sflag:$0x2] =	stream.linear.gather [hbm4b:s28+s2], $0x4E20, $0x38;
	[tilespmem:$0x15E80] =	vst v63  }
0x25: {  	_ =	swait.ge [sflag:s12], $0x4E20  }
0x26: {  	s1 =	simm.s32 @p0 $0x11F00;
	[sflag:s12] =	ssyncset.done $0x0  }
0x27: {  	s0 =	simm.s32 @p0 $0x0;
	s3 =	rddreg [dreg:$0x10];
	[sflag:s12] =	ssyncadd.s32 $0xFFFFB1E0  }
0x28: {  	[tilespmem:s1], [sflag:$0x2] =	stream.linear.gather @p0 [hbm4b:s3+s0], $0x190, $0x38;
	[tilespmem:$0x15E80] =	vst v63  }
0x29: {  	s0 =	simm.s32 @p0 $0x2  }
0x2a: {  	_ =	swait.ge @p0 [sflag:s0], $0x190  }
0x2b: {  	[sflag:s0] =	ssyncset.done @p0 $0x0  }
0x2c: {  	v2 =	vimm.s32 @p0 $0x40;
	[sflag:s0] =	ssyncadd.s32 @p0 $0xFFFFFE70  }
0x2d: {  	[tilespmem:$0x12090] =	vst @p0 v2  }
0x2e: {  	[tilespmem:$0x120A0] =	vst @p0 v2  }
0x2f: {  	[tilespmem:$0x120B0] =	vst @p0 v2  }
0x30: {  	[tilespmem:$0x120C0] =	vst @p0 v2  }
0x31: {  	[tilespmem:$0x120D0] =	vst @p0 v2  }
0x32: {  	[tilespmem:$0x120E0] =	vst @p0 v2  }
0x33: {  	[tilespmem:$0x120F0] =	vst @p0 v2  }
0x34: {  	[tilespmem:$0x12100] =	vst @p0 v2  }
0x35: {  	[tilespmem:$0x12110] =	vst @p0 v2  }
0x36: {  	[tilespmem:$0x12120] =	vst @p0 v2  }
0x37: {  	[tilespmem:$0x12130] =	vst @p0 v2  }
0x38: {  	[tilespmem:$0x12140] =	vst @p0 v2  }
0x39: {  	[tilespmem:$0x12150] =	vst @p0 v2  }
0x3a: {  	[tilespmem:$0x12160] =	vst @p0 v2  }
0x3b: {  	s1 =	simm.s32 @!p0 $0x11F00;
	s3 =	rddreg [dreg:$0xf];
	s0 =	simm.s32 @!p0 $0x0;
	[tilespmem:$0x12170] =	vst @p0 v2  }
0x3c: {  	[tilespmem:s1], [sflag:$0x2] =	stream.linear.gather @!p0 [hbm4b:s3+s0], $0x280, $0x38;
	[tilespmem:$0x15E80] =	vst v63  }
0x3d: {  	s0 =	simm.s32 @!p0 $0x2  }
0x3e: {  	_ =	swait.ge @!p0 [sflag:s0], $0x280  }
0x3f: {  	[sflag:s0] =	ssyncset.done @!p0 $0x0  }
0x40: {  	s31 =	simm.s32 $0x11780;
	s30 =	rddreg [dreg:$0x11];
	[sflag:s0] =	ssyncadd.s32 @!p0 $0xFFFFFD80  }
0x41: {  	[tilespmem:s31], [sflag:$0x2] =	stream.linear.gather [hbm4b:s30+s2], $0x280, $0x38;
	[tilespmem:$0x15E80] =	vst v63  }
0x42: {  	_ =	swait.ge [sflag:s12], $0x280  }
0x43: {  	[sflag:s12] =	ssyncset.done $0x0  }
0x44: {  	s1 =	simm.s32 $0xC540;
	[sflag:s12] =	ssyncadd.s32 $0xFFFFFD80  }
0x45: {  	[tilespmem:s1+$0xFFFFFFC0] =	vst v0  }
0x46: {  	[tilespmem:s1+$0x30] =	vst v0  }
0x47: {  	[tilespmem:s1+$0x20] =	vst v0  }
0x48: {  	[tilespmem:s1+$0x10] =	vst v0  }
0x49: {  	[tilespmem:s1+$0x0] =	vst v0  }
0x4a: {  	[tilespmem:s1+$0xFFFFFFF0] =	vst v0  }
0x4b: {  	s0 =	simm.s32 $0x4ED0;
	s2 =	simm.s32 $0x0;
	[tilespmem:s1+$0xFFFFFFE0] =	vst v0  }
.LBB2_2:
0x4c: {  	s2 =	sadd.s32 $0x8, s2;
	[tilespmem:s1+$0xFFFFFFD0] =	vst v0;
	s1 =	sadd.s32 $0x80, s1  }
0x4d: {  	[tilespmem:s1+$0xFFFFFFC0] =	vst v0;
	p2 =	slt.u32 s2, $0x278  }
0x4e: {  	[tilespmem:s1+$0x30] =	vst v0  }
.Ltmp2:
0x4f: {  	[tilespmem:s1+$0x20] =	vst v0;
	(pc) =	sbr.rel @p2 .LBB2_2-.Ltmp2, $4  }
0x50: {  	[tilespmem:s1+$0x10] =	vst v0  }
0x51: {  	[tilespmem:s1+$0x0] =	vst v0  }
0x52: {  	[tilespmem:s1+$0xFFFFFFF0] =	vst v0  }
0x53: {  	[tilespmem:s1+$0xFFFFFFE0] =	vst v0  }
0x54: {  	[tilespmem:s1+$0xFFFFFFD0] =	vst v0  }
0x55: {  	v2 =	vld [tilespmem:s0+$0x40]  }
0x56: {  	v4 =	vld [tilespmem:s0+$0xFFFFFFB0]  }
0x57: {  	v5 =	vld [tilespmem:s0+$0xFFFFFFC0]  }
0x58: {  	v6 =	vld [tilespmem:s0+$0xFFFFFFD0]  }
0x59: {  	v7 =	vld [tilespmem:s0+$0xFFFFFFE0]  }
0x5a: {  	v8 =	vld [tilespmem:s0+$0xFFFFFFF0]  }
0x5b: {  	v9 =	vld [tilespmem:s0+$0x0]  }
0x5c: {  	s31 =	simm.s32 $0x0;
	v10 =	vld [tilespmem:s0+$0x10]  }
0x5d: {  	s1 =	sand.u32 $0x7FE0, s31;
	v11 =	vld [tilespmem:s0+$0x20]  }
0x5e: {  	v3 =	vld [tilespmem:s1+$0x4F00]  }
0x5f: {  	[tilespmem:v4+s13+$0x0] =	vst.idx.add.f32.msk $0xffff, v1  }
0x60: {  	[tilespmem:v5+s13+$0x0] =	vst.idx.add.f32.msk $0xffff, v1  }
0x61: {  	[tilespmem:v6+s13+$0x0] =	vst.idx.add.f32.msk $0xffff, v1  }
0x62: {  	[tilespmem:v7+s13+$0x0] =	vst.idx.add.f32.msk $0xffff, v1  }
0x63: {  	[tilespmem:v8+s13+$0x0] =	vst.idx.add.f32.msk $0xffff, v1  }
0x64: {  	[tilespmem:v9+s13+$0x0] =	vst.idx.add.f32.msk $0xffff, v1  }
0x65: {  	[tilespmem:v10+s13+$0x0] =	vst.idx.add.f32.msk $0xffff, v1  }
0x66: {  	[tilespmem:v11+s13+$0x0] =	vst.idx.add.f32.msk $0xffff, v1  }
0x67: {  	s1 =	simm.s32 $0xA0;
	[tilespmem:v3+s13+$0x0] =	vst.idx.add.f32.msk $0xffff, v1  }
.LBB2_4:
0x68: {  	p2 =	sne.s32 s1, $0x4D80  }
0x69: {  	[tilespmem:v2+s13+$0x0] =	vst.idx.add.f32.msk $0xffff, v1;
	s0 =	sadd.s32 $0xA0, s0;
	s2 =	smov.u32 s1;
	s1 =	sadd.s32 $0xA0, s1  }
0x6a: {  	s2 =	sand.u32 $0x7FE0, s2;
	v2 =	vld [tilespmem:s0+$0x40]  }
0x6b: {  	v3 =	vld [tilespmem:s2+$0x4F00]  }
0x6c: {  	v4 =	vld [tilespmem:s0+$0xFFFFFFB0]  }
0x6d: {  	v5 =	vld [tilespmem:s0+$0xFFFFFFC0]  }
0x6e: {  	v6 =	vld [tilespmem:s0+$0xFFFFFFD0]  }
0x6f: {  	v7 =	vld [tilespmem:s0+$0xFFFFFFE0]  }
0x70: {  	v8 =	vld [tilespmem:s0+$0xFFFFFFF0]  }
0x71: {  	v9 =	vld [tilespmem:s0+$0x0]  }
0x72: {  	v10 =	vld [tilespmem:s0+$0x10]  }
0x73: {  	v11 =	vld [tilespmem:s0+$0x20]  }
0x74: {  	[tilespmem:v4+s13+$0x0] =	vst.idx.add.f32.msk $0xffff, v1  }
0x75: {  	[tilespmem:v5+s13+$0x0] =	vst.idx.add.f32.msk $0xffff, v1  }
0x76: {  	[tilespmem:v6+s13+$0x0] =	vst.idx.add.f32.msk $0xffff, v1  }
0x77: {  	[tilespmem:v7+s13+$0x0] =	vst.idx.add.f32.msk $0xffff, v1  }
.Ltmp3:
0x78: {  	[tilespmem:v8+s13+$0x0] =	vst.idx.add.f32.msk $0xffff, v1;
	(pc) =	sbr.rel @p2 .LBB2_4-.Ltmp3, $4  }
0x79: {  	[tilespmem:v9+s13+$0x0] =	vst.idx.add.f32.msk $0xffff, v1  }
0x7a: {  	[tilespmem:v10+s13+$0x0] =	vst.idx.add.f32.msk $0xffff, v1  }
0x7b: {  	[tilespmem:v11+s13+$0x0] =	vst.idx.add.f32.msk $0xffff, v1  }
0x7c: {  	[tilespmem:v3+s13+$0x0] =	vst.idx.add.f32.msk $0xffff, v1  }
0x7d: {  	_ =	sdelay $0x3  }
0x7e: {  	[tilespmem:v2+s13+$0x0] =	vst.idx.add.f32.msk $0xffff, v1;
	s0 =	rddreg [dreg:$0x12];
	s1 =	simm.s32 $0x80;
	s2 =	simm.s32 $0x400  }
0x7f: {  	[spmem:s0] =	stream.strided.scatter [tilespmem:s13], [sflag:$0x2], $0x2800, s2, s1, $0x38;
	[tilespmem:$0x15E80] =	vst v63  }
0x80: {  	_ =	swait.ge [sflag:s12], $0x2800  }
0x81: {  	[sflag:s12] =	ssyncset.done $0x0  }
0x82: {  	[sflag:s12] =	ssyncadd.s32 $0xFFFFD800  }
0x83: {  	s23 =	simm.s32 $0x1400;
	[bflag:$0x0] =	sbarrier.arrive $0xFFFF  }
0x84: {  	s24 =	simm.s32 $0x14000;
	s3 =	simm.s32 $0xED00;
	s22 =	rddreg [dreg:$0x13]  }
0x85: {  	[tilespmem:s3], [sflag:$0x2] =	stream.strided.gather [spmem:s22], $0x2800, s24, s23, $0x38;
	[tilespmem:$0x15E80] =	vst v63  }
0x86: {  	s25 =	simm.s32 $0x0;
	_ =	swait.ge [sflag:s12], $0x2800  }
0x87: {  	s26 =	sand.u32 $0x70, s25;
	s0 =	sand.u32 $0x1C00, s25;
	[sflag:s12] =	ssyncset.done $0x0  }
0x88: {  	s0 =	sor.u32 s26, s0;
	[sflag:s12] =	ssyncadd.s32 $0xFFFFD800  }
0x89: {  	v2 =	vld [tilespmem:s0+$0xED00]  }
0x8a: {  	v3 =	vld [tilespmem:s0+$0xED80];
	_ =	sdelay $0x1  }
0x8b: {  	v4 =	vld [tilespmem:s0+$0xEE00];
	_ =	sdelay $0x1  }
0x8c: {  	v5 =	vld [tilespmem:s0+$0xEE80]  }
0x8d: {  	v2 =	vadd.f32 v3, v2  }
0x8e: {  	v3 =	vld [tilespmem:s0+$0xEF00]  }
0x8f: {  	v2 =	vadd.f32 v4, v2  }
0x90: {  	v55 =	vld [tilespmem:s0+$0xEF80]  }
0x91: {  	v2 =	vadd.f32 v5, v2  }
0x92: {  	v56 =	vld [tilespmem:s0+$0xF000]  }
0x93: {  	v2 =	vadd.f32 v3, v2  }
0x94: {  	v3 =	vld [tilespmem:s0+$0xF080]  }
0x95: {  	v2 =	vadd.f32 v55, v2  }
0x96: {  	v57 =	vld [tilespmem:s0+$0x10100]  }
0x97: {  	v2 =	vadd.f32 v56, v2  }
0x98: {  	v58 =	vld [tilespmem:s0+$0x10180]  }
0x99: {  	v2 =	vadd.f32 v3, v2  }
0x9a: {  	v3 =	vld [tilespmem:s0+$0x10200]  }
0x9b: {  	v2 =	vadd.f32 v57, v2  }
0x9c: {  	v59 =	vld [tilespmem:s0+$0x10280]  }
0x9d: {  	v2 =	vadd.f32 v58, v2  }
0x9e: {  	v60 =	vld [tilespmem:s0+$0x10300]  }
0x9f: {  	v2 =	vadd.f32 v3, v2  }
0xa0: {  	v3 =	vld [tilespmem:s0+$0x10380]  }
0xa1: {  	v2 =	vadd.f32 v59, v2  }
0xa2: {  	v61 =	vld [tilespmem:s0+$0x10400]  }
0xa3: {  	v2 =	vadd.f32 v60, v2  }
0xa4: {  	v62 =	vld [tilespmem:s0+$0x10480]  }
0xa5: {  	v2 =	vadd.f32 v3, v2;
	_ =	sdelay $0x1  }
0xa6: {  	v2 =	vadd.f32 v61, v2;
	_ =	sdelay $0x1  }
0xa7: {  	v2 =	vadd.f32 v62, v2;
	_ =	sdelay $0x1  }
0xa8: {  	v2 =	vadd.f32 $1.000000000e+00, v2;
	_ =	sdelay $0x1  }
0xa9: {  	v3 =	vshra.s32 v2, $0x1;
	v2 =	vmul.f32 $5.000000000e-01, v2  }
0xaa: {  	v3 =	vsub.s32 $0x5F3759DF, v3  }
0xab: {  	v63 =	vmul.f32 v3, v2;
	_ =	sdelay $0x1  }
0xac: {  	v4 =	vmul.f32 v3, v63;
	_ =	sdelay $0x1  }
0xad: {  	v4 =	vsub.f32 $1.500000000e+00, v4;
	_ =	sdelay $0x1  }
0xae: {  	v3 =	vmul.f32 v3, v4;
	_ =	sdelay $0x1  }
0xaf: {  	v4 =	vmul.f32 v3, v2;
	_ =	sdelay $0x1  }
0xb0: {  	v4 =	vmul.f32 v4, v3;
	_ =	sdelay $0x1  }
0xb1: {  	v4 =	vsub.f32 $1.500000000e+00, v4;
	_ =	sdelay $0x1  }
0xb2: {  	v3 =	vmul.f32 v4, v3;
	_ =	sdelay $0x1  }
0xb3: {  	v2 =	vmul.f32 v3, v2;
	_ =	sdelay $0x1  }
0xb4: {  	v2 =	vmul.f32 v2, v3;
	_ =	sdelay $0x1  }
0xb5: {  	v2 =	vsub.f32 $1.500000000e+00, v2;
	_ =	sdelay $0x1  }
0xb6: {  	v2 =	vmul.f32 v2, v3  }
0xb7: {  	s28 =	simm.s32 $0x11A00  }
0xb8: {  	s29 =	simm.s32 $0x11780;
	[tilespmem:s28+$0x0] =	vst v2  }
0xb9: {  	v3 =	vld [tilespmem:s29+$0x0];
	_ =	sdelay $0x1  }
0xba: {  	s30 =	simm.s32 $0x10  }
0xbb: {  	s31 =	simm.s32 $0x11500;
	s5 =	simm.s32 $0x11C80;
	s9 =	simm.s32 $0x20  }
0xbc: {  	s6 =	simm.s32 $0x80;
	s4 =	sand.u32 $0x70, s30;
	s1 =	simm.s32 $0x11C90  }
0xbd: {  	s2 =	simm.s32 $0x11A10;
	s3 =	simm.s32 $0x11790;
	s0 =	simm.s32 $0x11510;
	[tilespmem:s31+$0x0] =	vst v3;
	v2 =	vmul.f32 v2, v3  }
.LBB2_6:
0xbe: {  	s10 =	sand.u32 $0x70, s9;
	s7 =	smov.u32 s9  }
0xbf: {  	s11 =	sand.u32 $0x1C00, s6;
	s8 =	smov.u32 s0;
	s7 =	sadd.s32 $0x10, s9  }
0xc0: {  	p2 =	sne.s32 s9, $0x270;
	s9 =	sor.u32 s4, s11;
	s4 =	smov.u32 s10;
	[tilespmem:s5+$0x0] =	vst v2  }
0xc1: {  	s5 =	smov.u32 s1;
	v2 =	vld [tilespmem:s9+$0xED00]  }
0xc2: {  	v3 =	vld [tilespmem:s9+$0xED80]  }
0xc3: {  	v4 =	vld [tilespmem:s9+$0xEE00];
	_ =	sdelay $0x1  }
0xc4: {  	v5 =	vld [tilespmem:s9+$0xEE80];
	_ =	sdelay $0x1  }
0xc5: {  	v2 =	vadd.f32 v3, v2;
	v3 =	vld [tilespmem:s9+$0xEF00];
	_ =	sdelay $0x1  }
0xc6: {  	v2 =	vadd.f32 v4, v2;
	v4 =	vld [tilespmem:s9+$0xEF80];
	_ =	sdelay $0x1  }
0xc7: {  	v2 =	vadd.f32 v5, v2;
	v5 =	vld [tilespmem:s9+$0xF000];
	_ =	sdelay $0x1  }
0xc8: {  	v2 =	vadd.f32 v3, v2;
	v3 =	vld [tilespmem:s9+$0xF080];
	_ =	sdelay $0x1  }
0xc9: {  	v2 =	vadd.f32 v4, v2;
	v4 =	vld [tilespmem:s9+$0x10100];
	_ =	sdelay $0x1  }
0xca: {  	v2 =	vadd.f32 v5, v2;
	v5 =	vld [tilespmem:s9+$0x10180];
	_ =	sdelay $0x1  }
0xcb: {  	v2 =	vadd.f32 v3, v2;
	v3 =	vld [tilespmem:s9+$0x10200];
	_ =	sdelay $0x1  }
0xcc: {  	v2 =	vadd.f32 v4, v2;
	v4 =	vld [tilespmem:s9+$0x10280];
	_ =	sdelay $0x1  }
0xcd: {  	v2 =	vadd.f32 v5, v2;
	v5 =	vld [tilespmem:s9+$0x10300];
	_ =	sdelay $0x1  }
0xce: {  	v2 =	vadd.f32 v3, v2;
	v3 =	vld [tilespmem:s9+$0x10380];
	_ =	sdelay $0x1  }
0xcf: {  	v2 =	vadd.f32 v4, v2;
	v4 =	vld [tilespmem:s9+$0x10400];
	_ =	sdelay $0x1  }
0xd0: {  	v2 =	vadd.f32 v5, v2;
	v5 =	vld [tilespmem:s9+$0x10480];
	_ =	sdelay $0x1  }
0xd1: {  	v2 =	vadd.f32 v3, v2;
	_ =	sdelay $0x1  }
0xd2: {  	v2 =	vadd.f32 v4, v2;
	_ =	sdelay $0x1  }
0xd3: {  	v2 =	vadd.f32 v5, v2;
	_ =	sdelay $0x1  }
0xd4: {  	v2 =	vadd.f32 $1.000000000e+00, v2;
	_ =	sdelay $0x1  }
0xd5: {  	v3 =	vshra.s32 v2, $0x1;
	v2 =	vmul.f32 $5.000000000e-01, v2  }
0xd6: {  	v3 =	vsub.s32 $0x5F3759DF, v3  }
0xd7: {  	v4 =	vmul.f32 v3, v2;
	_ =	sdelay $0x1  }
0xd8: {  	v4 =	vmul.f32 v3, v4;
	_ =	sdelay $0x1  }
0xd9: {  	v4 =	vsub.f32 $1.500000000e+00, v4;
	_ =	sdelay $0x1  }
0xda: {  	v3 =	vmul.f32 v3, v4;
	_ =	sdelay $0x1  }
0xdb: {  	v4 =	vmul.f32 v3, v2;
	_ =	sdelay $0x1  }
0xdc: {  	v4 =	vmul.f32 v4, v3;
	_ =	sdelay $0x1  }
0xdd: {  	v4 =	vsub.f32 $1.500000000e+00, v4;
	_ =	sdelay $0x1  }
0xde: {  	v3 =	vmul.f32 v4, v3;
	_ =	sdelay $0x1  }
0xdf: {  	v2 =	vmul.f32 v3, v2;
	_ =	sdelay $0x1  }
0xe0: {  	v2 =	vmul.f32 v2, v3;
	_ =	sdelay $0x1  }
0xe1: {  	v2 =	vsub.f32 $1.500000000e+00, v2;
	_ =	sdelay $0x1  }
0xe2: {  	v2 =	vmul.f32 v2, v3;
	_ =	sdelay $0x1  }
0xe3: {  	[tilespmem:s2+$0x0] =	vst v2  }
0xe4: {  	v3 =	vld [tilespmem:s3+$0x0]  }
.Ltmp4:
0xe5: {  	(pc) =	sbr.rel @p2 .LBB2_6-.Ltmp4, $3  }
0xe6: {  	_ =	sdelay $0x1  }
0xe7: {  	s0 =	sadd.s32 $0x10, s0;
	s6 =	sadd.s32 $0x80, s6;
	s1 =	sadd.s32 $0x10, s1  }
0xe8: {  	s9 =	smov.u32 s7;
	s2 =	sadd.s32 $0x10, s2;
	s3 =	sadd.s32 $0x10, s3;
	[tilespmem:s8+$0x0] =	vst v3;
	v2 =	vmul.f32 v2, v3  }
0xe9: {  	s6 =	sand.u32 $0x1C00, s6  }
0xea: {  	s4 =	sor.u32 s4, s6;
	[tilespmem:s5+$0x0] =	vst v2  }
0xeb: {  	v2 =	vld [tilespmem:s4+$0xED00]  }
0xec: {  	v3 =	vld [tilespmem:s4+$0xED80];
	_ =	sdelay $0x1  }
0xed: {  	v4 =	vld [tilespmem:s4+$0xEE00];
	_ =	sdelay $0x1  }
0xee: {  	v5 =	vld [tilespmem:s4+$0xEE80]  }
0xef: {  	v2 =	vadd.f32 v3, v2  }
0xf0: {  	v3 =	vld [tilespmem:s4+$0xEF00]  }
0xf1: {  	v2 =	vadd.f32 v4, v2  }
0xf2: {  	v55 =	vld [tilespmem:s4+$0xEF80]  }
0xf3: {  	v2 =	vadd.f32 v5, v2  }
0xf4: {  	v56 =	vld [tilespmem:s4+$0xF000]  }
0xf5: {  	v2 =	vadd.f32 v3, v2  }
0xf6: {  	v3 =	vld [tilespmem:s4+$0xF080]  }
0xf7: {  	v2 =	vadd.f32 v55, v2  }
0xf8: {  	v57 =	vld [tilespmem:s4+$0x10100]  }
0xf9: {  	v2 =	vadd.f32 v56, v2  }
0xfa: {  	v58 =	vld [tilespmem:s4+$0x10180]  }
0xfb: {  	v2 =	vadd.f32 v3, v2  }
0xfc: {  	v3 =	vld [tilespmem:s4+$0x10200]  }
0xfd: {  	v2 =	vadd.f32 v57, v2  }
0xfe: {  	v59 =	vld [tilespmem:s4+$0x10280]  }
0xff: {  	v2 =	vadd.f32 v58, v2  }
0x100: {  	v60 =	vld [tilespmem:s4+$0x10300]  }
0x101: {  	v2 =	vadd.f32 v3, v2  }
0x102: {  	v3 =	vld [tilespmem:s4+$0x10380]  }
0x103: {  	v2 =	vadd.f32 v59, v2  }
0x104: {  	v61 =	vld [tilespmem:s4+$0x10400]  }
0x105: {  	v2 =	vadd.f32 v60, v2  }
0x106: {  	v62 =	vld [tilespmem:s4+$0x10480]  }
0x107: {  	v2 =	vadd.f32 v3, v2;
	_ =	sdelay $0x1  }
0x108: {  	v2 =	vadd.f32 v61, v2;
	_ =	sdelay $0x1  }
0x109: {  	v2 =	vadd.f32 v62, v2;
	_ =	sdelay $0x1  }
0x10a: {  	v2 =	vadd.f32 $1.000000000e+00, v2;
	_ =	sdelay $0x1  }
0x10b: {  	v3 =	vshra.s32 v2, $0x1;
	v2 =	vmul.f32 $5.000000000e-01, v2  }
0x10c: {  	v3 =	vsub.s32 $0x5F3759DF, v3  }
0x10d: {  	v63 =	vmul.f32 v3, v2;
	_ =	sdelay $0x1  }
0x10e: {  	v4 =	vmul.f32 v3, v63;
	_ =	sdelay $0x1  }
0x10f: {  	v4 =	vsub.f32 $1.500000000e+00, v4;
	_ =	sdelay $0x1  }
0x110: {  	v3 =	vmul.f32 v3, v4;
	_ =	sdelay $0x1  }
0x111: {  	v4 =	vmul.f32 v3, v2;
	_ =	sdelay $0x1  }
0x112: {  	v4 =	vmul.f32 v4, v3;
	_ =	sdelay $0x1  }
0x113: {  	v4 =	vsub.f32 $1.500000000e+00, v4;
	_ =	sdelay $0x1  }
0x114: {  	v3 =	vmul.f32 v4, v3;
	_ =	sdelay $0x1  }
0x115: {  	v2 =	vmul.f32 v3, v2;
	_ =	sdelay $0x1  }
0x116: {  	v2 =	vmul.f32 v2, v3;
	_ =	sdelay $0x1  }
0x117: {  	v2 =	vsub.f32 $1.500000000e+00, v2;
	_ =	sdelay $0x1  }
0x118: {  	v2 =	vmul.f32 v2, v3;
	_ =	sdelay $0x1  }
0x119: {  	[tilespmem:s2+$0x0] =	vst v2  }
0x11a: {  	v3 =	vld [tilespmem:s3+$0x0];
	_ =	sdelay $0x4  }
0x11b: {  	v2 =	vmul.f32 v2, v3  }
0x11c: {  	[tilespmem:s0+$0x0] =	vst v3  }
0x11d: {  	s30 =	rddreg [dreg:$0x14];
	s31 =	simm.s32 $0x11C80;
	[tilespmem:s1+$0x0] =	vst v2  }
0x11e: {  	[spmem:s30] =	stream.linear.scatter [tilespmem:s31], [sflag:$0x2], $0x280, $0x38;
	[tilespmem:$0x15E80] =	vst v63  }
0x11f: {  	_ =	swait.ge [sflag:s12], $0x280  }
0x120: {  	[sflag:s12] =	ssyncset.done $0x0  }
0x121: {  	[sflag:s12] =	ssyncadd.s32 $0xFFFFFD80  }
0x122: {  	s0 =	simm.s32 $0x0;
	[bflag:$0x0] =	sbarrier.arrive $0xFFFF  }
.LBB2_8:
0x123: {  	s31 =	rddreg [dreg:$0x6];
	s1 =	simm.s32 $0xC540  }
0x124: {  	[tilespmem:s14], [sflag:$0x1] =	stream.linear.gather [spmem:s31], $0x2800, $0x38;
	[tilespmem:$0x15E80] =	vst v63  }
0x125: {  	[tilespmem:s1+$0xFFFFFFC0] =	vst v0  }
0x126: {  	[tilespmem:s1+$0x30] =	vst v0  }
0x127: {  	[tilespmem:s1+$0x20] =	vst v0  }
0x128: {  	[tilespmem:s1+$0x10] =	vst v0  }
0x129: {  	[tilespmem:s1+$0x0] =	vst v0  }
0x12a: {  	[tilespmem:s1+$0xFFFFFFF0] =	vst v0  }
0x12b: {  	[dreg:$0x1a] =	wrdreg s0;
	s2 =	simm.s32 $0x0;
	[tilespmem:s1+$0xFFFFFFE0] =	vst v0  }
.LBB2_9:
0x12c: {  	s2 =	sadd.s32 $0x8, s2;
	[tilespmem:s1+$0xFFFFFFD0] =	vst v0;
	s1 =	sadd.s32 $0x80, s1  }
0x12d: {  	[tilespmem:s1+$0xFFFFFFC0] =	vst v0;
	p2 =	slt.u32 s2, $0x278  }
0x12e: {  	[tilespmem:s1+$0x30] =	vst v0  }
.Ltmp5:
0x12f: {  	[tilespmem:s1+$0x20] =	vst v0;
	(pc) =	sbr.rel @p2 .LBB2_9-.Ltmp5, $4  }
0x130: {  	[tilespmem:s1+$0x10] =	vst v0  }
0x131: {  	[tilespmem:s1+$0x0] =	vst v0  }
0x132: {  	[tilespmem:s1+$0xFFFFFFF0] =	vst v0  }
0x133: {  	[tilespmem:s1+$0xFFFFFFE0] =	vst v0  }
0x134: {  	[tilespmem:s1+$0xFFFFFFD0] =	vst v0;
	s0 =	simm.s32 $0x1  }
0x135: {  	_ =	swait.ge [sflag:s0], $0x2800  }
0x136: {  	[sflag:s0] =	ssyncset.done $0x0  }
0x137: {  	s1 =	simm.s32 $0x4ED0;
	[sflag:s0] =	ssyncadd.s32 $0xFFFFD800  }
0x138: {  	v2 =	vld [tilespmem:s1+$0x40]  }
0x139: {  	v4 =	vld [tilespmem:s1+$0x20]  }
0x13a: {  	s2 =	simm.s32 $0x50;
	v5 =	vld [tilespmem:s1+$0x10]  }
0x13b: {  	v6 =	vld [tilespmem:s2+$0x20]  }
0x13c: {  	v7 =	vld [tilespmem:s1+$0x0]  }
0x13d: {  	v8 =	vld [tilespmem:s1+$0xFFFFFFF0]  }
0x13e: {  	v9 =	vld [tilespmem:s1+$0xFFFFFFE0]  }
0x13f: {  	v10 =	vld [tilespmem:s1+$0xFFFFFFD0]  }
0x140: {  	v11 =	vld [tilespmem:s1+$0xFFFFFFC0]  }
0x141: {  	v12 =	vld [tilespmem:s1+$0xFFFFFFB0]  }
0x142: {  	v13 =	vld [tilespmem:s2+$0x0]  }
0x143: {  	s3 =	simm.s32 $0x0;
	v14 =	vld [tilespmem:s2+$0xFFFFFFF0]  }
0x144: {  	s3 =	sand.u32 $0x7FE0, s3;
	v3 =	vld [tilespmem:s2+$0x40]  }
0x145: {  	v15 =	vld [tilespmem:s3+$0x80]  }
0x146: {  	v16 =	vld [tilespmem:s3+$0x4F00]  }
0x147: {  	v17 =	vld [tilespmem:s2+$0x10]  }
0x148: {  	v18 =	vld [tilespmem:s2+$0xFFFFFFB0]  }
0x149: {  	v19 =	vld [tilespmem:s2+$0xFFFFFFC0]  }
0x14a: {  	v20 =	vld [tilespmem:s2+$0xFFFFFFD0]  }
0x14b: {  	v21 =	vld [tilespmem:s2+$0xFFFFFFE0]  }
0x14c: {  	v3 =	vld.idx.msk [tilespmem:v3+s14+$0x0], $0xffff  }
0x14d: {  	v15 =	vld.idx.msk [tilespmem:v15+s14+$0x0], $0xffff  }
0x14e: {  	v6 =	vld.idx.msk [tilespmem:v6+s14+$0x0], $0xffff  }
0x14f: {  	v17 =	vld.idx.msk [tilespmem:v17+s14+$0x0], $0xffff  }
0x150: {  	v18 =	vld.idx.msk [tilespmem:v18+s14+$0x0], $0xffff  }
0x151: {  	v19 =	vld.idx.msk [tilespmem:v19+s14+$0x0], $0xffff  }
0x152: {  	v20 =	vld.idx.msk [tilespmem:v20+s14+$0x0], $0xffff  }
0x153: {  	v21 =	vld.idx.msk [tilespmem:v21+s14+$0x0], $0xffff  }
0x154: {  	v14 =	vld.idx.msk [tilespmem:v14+s14+$0x0], $0xffff  }
0x155: {  	v13 =	vld.idx.msk [tilespmem:v13+s14+$0x0], $0xffff  }
0x156: {  	[tilespmem:v12+s13+$0x0] =	vst.idx.add.f32.msk $0xffff, v18  }
0x157: {  	[tilespmem:v11+s13+$0x0] =	vst.idx.add.f32.msk $0xffff, v19  }
0x158: {  	[tilespmem:v10+s13+$0x0] =	vst.idx.add.f32.msk $0xffff, v20  }
0x159: {  	[tilespmem:v9+s13+$0x0] =	vst.idx.add.f32.msk $0xffff, v21  }
0x15a: {  	[tilespmem:v8+s13+$0x0] =	vst.idx.add.f32.msk $0xffff, v14  }
0x15b: {  	[tilespmem:v7+s13+$0x0] =	vst.idx.add.f32.msk $0xffff, v13  }
0x15c: {  	[tilespmem:v5+s13+$0x0] =	vst.idx.add.f32.msk $0xffff, v17  }
0x15d: {  	[tilespmem:v4+s13+$0x0] =	vst.idx.add.f32.msk $0xffff, v6  }
0x15e: {  	s3 =	simm.s32 $0xA0;
	[tilespmem:v16+s13+$0x0] =	vst.idx.add.f32.msk $0xffff, v15  }
.LBB2_11:
0x15f: {  	p2 =	sne.s32 s3, $0x4D80;
	[tilespmem:v2+s13+$0x0] =	vst.idx.add.f32.msk $0xffff, v3;
	s1 =	sadd.s32 $0xA0, s1;
	s2 =	sadd.s32 $0xA0, s2  }
0x160: {  	s4 =	smov.u32 s3;
	s3 =	sadd.s32 $0xA0, s3;
	v2 =	vld [tilespmem:s1+$0x40]  }
0x161: {  	v4 =	vld [tilespmem:s1+$0x20]  }
0x162: {  	v5 =	vld [tilespmem:s1+$0x10]  }
0x163: {  	v6 =	vld [tilespmem:s2+$0x20]  }
0x164: {  	v7 =	vld [tilespmem:s1+$0x0]  }
0x165: {  	v8 =	vld [tilespmem:s1+$0xFFFFFFF0]  }
0x166: {  	v9 =	vld [tilespmem:s1+$0xFFFFFFE0]  }
0x167: {  	v10 =	vld [tilespmem:s1+$0xFFFFFFD0]  }
0x168: {  	v11 =	vld [tilespmem:s1+$0xFFFFFFC0]  }
0x169: {  	v12 =	vld [tilespmem:s1+$0xFFFFFFB0]  }
0x16a: {  	v13 =	vld [tilespmem:s2+$0x0]  }
0x16b: {  	v14 =	vld [tilespmem:s2+$0xFFFFFFF0]  }
0x16c: {  	s4 =	sand.u32 $0x7FE0, s4;
	v3 =	vld [tilespmem:s2+$0x40]  }
0x16d: {  	v15 =	vld [tilespmem:s4+$0x80]  }
0x16e: {  	v16 =	vld [tilespmem:s4+$0x4F00]  }
0x16f: {  	v17 =	vld [tilespmem:s2+$0x10]  }
0x170: {  	v18 =	vld [tilespmem:s2+$0xFFFFFFB0]  }
0x171: {  	v19 =	vld [tilespmem:s2+$0xFFFFFFC0]  }
0x172: {  	v20 =	vld [tilespmem:s2+$0xFFFFFFD0]  }
0x173: {  	v21 =	vld [tilespmem:s2+$0xFFFFFFE0]  }
0x174: {  	v3 =	vld.idx.msk [tilespmem:v3+s14+$0x0], $0xffff  }
0x175: {  	v15 =	vld.idx.msk [tilespmem:v15+s14+$0x0], $0xffff  }
0x176: {  	v6 =	vld.idx.msk [tilespmem:v6+s14+$0x0], $0xffff  }
0x177: {  	v17 =	vld.idx.msk [tilespmem:v17+s14+$0x0], $0xffff  }
0x178: {  	v18 =	vld.idx.msk [tilespmem:v18+s14+$0x0], $0xffff  }
0x179: {  	v19 =	vld.idx.msk [tilespmem:v19+s14+$0x0], $0xffff  }
0x17a: {  	v20 =	vld.idx.msk [tilespmem:v20+s14+$0x0], $0xffff  }
0x17b: {  	v21 =	vld.idx.msk [tilespmem:v21+s14+$0x0], $0xffff  }
0x17c: {  	v14 =	vld.idx.msk [tilespmem:v14+s14+$0x0], $0xffff  }
0x17d: {  	v13 =	vld.idx.msk [tilespmem:v13+s14+$0x0], $0xffff  }
0x17e: {  	[tilespmem:v12+s13+$0x0] =	vst.idx.add.f32.msk $0xffff, v18  }
0x17f: {  	[tilespmem:v11+s13+$0x0] =	vst.idx.add.f32.msk $0xffff, v19  }
0x180: {  	[tilespmem:v10+s13+$0x0] =	vst.idx.add.f32.msk $0xffff, v20  }
0x181: {  	[tilespmem:v9+s13+$0x0] =	vst.idx.add.f32.msk $0xffff, v21  }
.Ltmp6:
0x182: {  	[tilespmem:v8+s13+$0x0] =	vst.idx.add.f32.msk $0xffff, v14;
	(pc) =	sbr.rel @p2 .LBB2_11-.Ltmp6, $4  }
0x183: {  	[tilespmem:v7+s13+$0x0] =	vst.idx.add.f32.msk $0xffff, v13  }
0x184: {  	[tilespmem:v5+s13+$0x0] =	vst.idx.add.f32.msk $0xffff, v17  }
0x185: {  	[tilespmem:v4+s13+$0x0] =	vst.idx.add.f32.msk $0xffff, v6  }
0x186: {  	[tilespmem:v16+s13+$0x0] =	vst.idx.add.f32.msk $0xffff, v15  }
0x187: {  	_ =	sdelay $0x3  }
0x188: {  	[tilespmem:v2+s13+$0x0] =	vst.idx.add.f32.msk $0xffff, v3;
	s0 =	rddreg [dreg:$0x12];
	s1 =	simm.s32 $0x80;
	s2 =	simm.s32 $0x400  }
0x189: {  	[spmem:s0] =	stream.strided.scatter [tilespmem:s13], [sflag:$0x2], $0x2800, s2, s1, $0x38;
	[tilespmem:$0x15E80] =	vst v63  }
0x18a: {  	_ =	swait.ge [sflag:s12], $0x2800  }
0x18b: {  	[sflag:s12] =	ssyncset.done $0x0  }
0x18c: {  	[sflag:s12] =	ssyncadd.s32 $0xFFFFD800  }
0x18d: {  	s30 =	simm.s32 $0x1400;
	s31 =	simm.s32 $0x14000;
	[bflag:$0x0] =	sbarrier.arrive $0xFFFF  }
0x18e: {  	s3 =	simm.s32 $0xED00;
	s0 =	simm.s32 $0x0;
	s29 =	rddreg [dreg:$0x13]  }
0x18f: {  	[tilespmem:s3], [sflag:$0x2] =	stream.strided.gather [spmem:s29], $0x2800, s31, s30, $0x38;
	[tilespmem:$0x15E80] =	vst v63  }
0x190: {  	s10 =	sand.u32 $0x1C00, s0;
	_ =	swait.ge [sflag:s12], $0x2800  }
0x191: {  	s2 =	sadd.s32 $0xED00, s10;
	s3 =	sand.u32 $0x40, s0;
	[sflag:s12] =	ssyncset.done $0x0  }
0x192: {  	s5 =	sor.u32 s3, s2;
	[sflag:s12] =	ssyncadd.s32 $0xFFFFD800  }
0x193: {  	v2 =	vld [tilespmem:s5+$0x0]  }
0x194: {  	v3 =	vld [tilespmem:s5+$0x80];
	_ =	sdelay $0x1  }
0x195: {  	v4 =	vld [tilespmem:s5+$0x100];
	_ =	sdelay $0x1  }
0x196: {  	v5 =	vld [tilespmem:s5+$0x180]  }
0x197: {  	v2 =	vadd.f32 v3, v2  }
0x198: {  	v3 =	vld [tilespmem:s5+$0x200]  }
0x199: {  	v2 =	vadd.f32 v4, v2  }
0x19a: {  	v4 =	vld [tilespmem:s5+$0x280]  }
0x19b: {  	v2 =	vadd.f32 v5, v2  }
0x19c: {  	v5 =	vld [tilespmem:s5+$0x300]  }
0x19d: {  	v2 =	vadd.f32 v3, v2  }
0x19e: {  	s4 =	sor.u32 $0x10100, s10;
	v3 =	vld [tilespmem:s5+$0x380]  }
0x19f: {  	s6 =	sor.u32 s3, s4;
	v2 =	vadd.f32 v4, v2  }
0x1a0: {  	s5 =	sor.u32 $0x10180, s10;
	v4 =	vld [tilespmem:s6+$0x0]  }
0x1a1: {  	s7 =	sor.u32 s3, s5;
	v2 =	vadd.f32 v5, v2  }
0x1a2: {  	s6 =	sor.u32 $0x10200, s10;
	v5 =	vld [tilespmem:s7+$0x0]  }
0x1a3: {  	s8 =	sor.u32 s3, s6;
	v2 =	vadd.f32 v3, v2  }
0x1a4: {  	s7 =	sor.u32 $0x10280, s10;
	v3 =	vld [tilespmem:s8+$0x0]  }
0x1a5: {  	s9 =	sor.u32 s3, s7;
	v2 =	vadd.f32 v4, v2  }
0x1a6: {  	s8 =	sor.u32 $0x10300, s10;
	v4 =	vld [tilespmem:s9+$0x0]  }
0x1a7: {  	s11 =	sor.u32 s3, s8;
	v2 =	vadd.f32 v5, v2  }
0x1a8: {  	s9 =	sor.u32 $0x10380, s10;
	v5 =	vld [tilespmem:s11+$0x0]  }
0x1a9: {  	s1 =	sor.u32 s3, s9;
	v2 =	vadd.f32 v3, v2  }
0x1aa: {  	s13 =	sadd.s32 $0x10400, s10;
	v3 =	vld [tilespmem:s1+$0x0]  }
0x1ab: {  	s12 =	sor.u32 s3, s13;
	v2 =	vadd.f32 v4, v2  }
0x1ac: {  	s14 =	sadd.s32 $0x10480, s10;
	v4 =	vld [tilespmem:s12+$0x0]  }
0x1ad: {  	s10 =	sor.u32 s3, s14;
	v2 =	vadd.f32 v5, v2  }
0x1ae: {  	v5 =	vld [tilespmem:s10+$0x0]  }
0x1af: {  	s15 =	simm.s32 $0x11C80;
	v2 =	vadd.f32 v3, v2  }
0x1b0: {  	v3 =	vld [tilespmem:s15+$0x0]  }
0x1b1: {  	s16 =	simm.s32 $0x11A00;
	v2 =	vadd.f32 v4, v2  }
0x1b2: {  	v4 =	vld [tilespmem:s16+$0x0]  }
0x1b3: {  	s17 =	simm.s32 $0x11780;
	v2 =	vadd.f32 v5, v2  }
0x1b4: {  	v5 =	vld [tilespmem:s17+$0x0]  }
0x1b5: {  	v2 =	vadd.f32 v3, v2;
	_ =	sdelay $0x1  }
0x1b6: {  	v2 =	vmul.f32 v2, v4;
	_ =	sdelay $0x1  }
0x1b7: {  	v3 =	vmul.f32 $1.000000010e-01, v5;
	v2 =	vmul.f32 $8.999999760e-01, v2;
	_ =	sdelay $0x1  }
0x1b8: {  	v2 =	vadd.f32 v3, v2  }
0x1b9: {  	s18 =	simm.s32 $0x11500  }
0x1ba: {  	[tilespmem:s18+$0x0] =	vst v2  }
0x1bb: {  	v3 =	vld [tilespmem:s16+$0x0];
	_ =	sdelay $0x4  }
0x1bc: {  	v2 =	vmul.f32 v2, v3  }
0x1bd: {  	s19 =	sor.u32 $0x10, s3  }
0x1be: {  	s20 =	sor.u32 s19, s2;
	[tilespmem:s15+$0x0] =	vst v2  }
0x1bf: {  	v2 =	vld [tilespmem:s20+$0x0]  }
0x1c0: {  	v3 =	vld [tilespmem:s20+$0x80];
	_ =	sdelay $0x1  }
0x1c1: {  	v4 =	vld [tilespmem:s20+$0x100];
	_ =	sdelay $0x1  }
0x1c2: {  	v5 =	vld [tilespmem:s20+$0x180]  }
0x1c3: {  	v2 =	vadd.f32 v3, v2  }
0x1c4: {  	v3 =	vld [tilespmem:s20+$0x200]  }
0x1c5: {  	v2 =	vadd.f32 v4, v2  }
0x1c6: {  	v4 =	vld [tilespmem:s20+$0x280]  }
0x1c7: {  	v2 =	vadd.f32 v5, v2  }
0x1c8: {  	v5 =	vld [tilespmem:s20+$0x300]  }
0x1c9: {  	v2 =	vadd.f32 v3, v2  }
0x1ca: {  	v3 =	vld [tilespmem:s20+$0x380]  }
0x1cb: {  	s21 =	sor.u32 s19, s4;
	v2 =	vadd.f32 v4, v2  }
0x1cc: {  	v4 =	vld [tilespmem:s21+$0x0]  }
0x1cd: {  	s22 =	sor.u32 s19, s5;
	v2 =	vadd.f32 v5, v2  }
0x1ce: {  	v5 =	vld [tilespmem:s22+$0x0]  }
0x1cf: {  	s23 =	sor.u32 s19, s6;
	v2 =	vadd.f32 v3, v2  }
0x1d0: {  	v3 =	vld [tilespmem:s23+$0x0]  }
0x1d1: {  	s24 =	sor.u32 s19, s7;
	v2 =	vadd.f32 v4, v2  }
0x1d2: {  	v4 =	vld [tilespmem:s24+$0x0]  }
0x1d3: {  	s25 =	sor.u32 s19, s8;
	v2 =	vadd.f32 v5, v2  }
0x1d4: {  	v5 =	vld [tilespmem:s25+$0x0]  }
0x1d5: {  	s26 =	sor.u32 s19, s9;
	v2 =	vadd.f32 v3, v2  }
0x1d6: {  	v3 =	vld [tilespmem:s26+$0x0]  }
0x1d7: {  	s28 =	sor.u32 s19, s13;
	v2 =	vadd.f32 v4, v2  }
0x1d8: {  	v4 =	vld [tilespmem:s28+$0x0]  }
0x1d9: {  	s29 =	sor.u32 s19, s14;
	v2 =	vadd.f32 v5, v2  }
0x1da: {  	s10 =	sand.u32 $0x380, s0;
	v5 =	vld [tilespmem:s29+$0x0]  }
0x1db: {  	s11 =	sor.u32 s10, s19;
	v2 =	vadd.f32 v3, v2  }
0x1dc: {  	v3 =	vld [tilespmem:s11+$0x11C80]  }
0x1dd: {  	v2 =	vadd.f32 v4, v2  }
0x1de: {  	v4 =	vld [tilespmem:s11+$0x11A00]  }
0x1df: {  	v2 =	vadd.f32 v5, v2  }
0x1e0: {  	v5 =	vld [tilespmem:s11+$0x11780]  }
0x1e1: {  	v2 =	vadd.f32 v3, v2;
	_ =	sdelay $0x1  }
0x1e2: {  	v2 =	vmul.f32 v2, v4  }
0x1e3: {  	v3 =	vld [tilespmem:s11+$0x11A00]  }
0x1e4: {  	v4 =	vmul.f32 $1.000000010e-01, v5;
	v2 =	vmul.f32 $8.999999760e-01, v2;
	_ =	sdelay $0x1  }
0x1e5: {  	v2 =	vadd.f32 v4, v2;
	_ =	sdelay $0x1  }
0x1e6: {  	v3 =	vmul.f32 v2, v3  }
0x1e7: {  	s30 =	sor.u32 $0x20, s3;
	[tilespmem:s11+$0x11500] =	vst v2  }
0x1e8: {  	s31 =	sor.u32 s30, s2;
	[tilespmem:s11+$0x11C80] =	vst v3  }
0x1e9: {  	v2 =	vld [tilespmem:s31+$0x0]  }
0x1ea: {  	v3 =	vld [tilespmem:s31+$0x80];
	_ =	sdelay $0x1  }
0x1eb: {  	v4 =	vld [tilespmem:s31+$0x100];
	_ =	sdelay $0x1  }
0x1ec: {  	v5 =	vld [tilespmem:s31+$0x180]  }
0x1ed: {  	v2 =	vadd.f32 v3, v2  }
0x1ee: {  	v3 =	vld [tilespmem:s31+$0x200]  }
0x1ef: {  	v2 =	vadd.f32 v4, v2  }
0x1f0: {  	v4 =	vld [tilespmem:s31+$0x280]  }
0x1f1: {  	v2 =	vadd.f32 v5, v2  }
0x1f2: {  	v5 =	vld [tilespmem:s31+$0x300]  }
0x1f3: {  	v2 =	vadd.f32 v3, v2  }
0x1f4: {  	v3 =	vld [tilespmem:s31+$0x380]  }
0x1f5: {  	s1 =	sor.u32 s30, s4;
	v2 =	vadd.f32 v4, v2  }
0x1f6: {  	v4 =	vld [tilespmem:s1+$0x0]  }
0x1f7: {  	s15 =	sor.u32 s30, s5;
	v2 =	vadd.f32 v5, v2  }
0x1f8: {  	v5 =	vld [tilespmem:s15+$0x0]  }
0x1f9: {  	s16 =	sor.u32 s30, s6;
	v2 =	vadd.f32 v3, v2  }
0x1fa: {  	v3 =	vld [tilespmem:s16+$0x0]  }
0x1fb: {  	s17 =	sor.u32 s30, s7;
	v2 =	vadd.f32 v4, v2  }
0x1fc: {  	v4 =	vld [tilespmem:s17+$0x0]  }
0x1fd: {  	s18 =	sor.u32 s30, s8;
	v2 =	vadd.f32 v5, v2  }
0x1fe: {  	v5 =	vld [tilespmem:s18+$0x0]  }
0x1ff: {  	s19 =	sor.u32 s30, s9;
	v2 =	vadd.f32 v3, v2  }
0x200: {  	v3 =	vld [tilespmem:s19+$0x0]  }
0x201: {  	s20 =	sor.u32 s30, s13;
	v2 =	vadd.f32 v4, v2  }
0x202: {  	v4 =	vld [tilespmem:s20+$0x0]  }
0x203: {  	s21 =	sor.u32 s30, s14;
	v2 =	vadd.f32 v5, v2  }
0x204: {  	v5 =	vld [tilespmem:s21+$0x0]  }
0x205: {  	s22 =	sor.u32 s10, s30;
	v2 =	vadd.f32 v3, v2  }
0x206: {  	v3 =	vld [tilespmem:s22+$0x11C80]  }
0x207: {  	v2 =	vadd.f32 v4, v2  }
0x208: {  	v4 =	vld [tilespmem:s22+$0x11A00]  }
0x209: {  	v2 =	vadd.f32 v5, v2  }
0x20a: {  	v5 =	vld [tilespmem:s22+$0x11780]  }
0x20b: {  	v2 =	vadd.f32 v3, v2;
	_ =	sdelay $0x1  }
0x20c: {  	v2 =	vmul.f32 v2, v4  }
0x20d: {  	v3 =	vld [tilespmem:s22+$0x11A00]  }
0x20e: {  	v4 =	vmul.f32 $1.000000010e-01, v5;
	v2 =	vmul.f32 $8.999999760e-01, v2;
	_ =	sdelay $0x1  }
0x20f: {  	v2 =	vadd.f32 v4, v2;
	_ =	sdelay $0x1  }
0x210: {  	v3 =	vmul.f32 v2, v3  }
0x211: {  	s3 =	sor.u32 $0x30, s3;
	[tilespmem:s22+$0x11500] =	vst v2  }
0x212: {  	s2 =	sor.u32 s3, s2;
	[tilespmem:s22+$0x11C80] =	vst v3  }
0x213: {  	v2 =	vld [tilespmem:s2+$0x0]  }
0x214: {  	v3 =	vld [tilespmem:s2+$0x80];
	_ =	sdelay $0x1  }
0x215: {  	v4 =	vld [tilespmem:s2+$0x100];
	_ =	sdelay $0x1  }
0x216: {  	v5 =	vld [tilespmem:s2+$0x180]  }
0x217: {  	v2 =	vadd.f32 v3, v2  }
0x218: {  	v3 =	vld [tilespmem:s2+$0x200]  }
0x219: {  	v2 =	vadd.f32 v4, v2  }
0x21a: {  	v4 =	vld [tilespmem:s2+$0x280]  }
0x21b: {  	v2 =	vadd.f32 v5, v2  }
0x21c: {  	v5 =	vld [tilespmem:s2+$0x300]  }
0x21d: {  	v2 =	vadd.f32 v3, v2  }
0x21e: {  	v3 =	vld [tilespmem:s2+$0x380]  }
0x21f: {  	s23 =	sor.u32 s3, s4;
	v2 =	vadd.f32 v4, v2  }
0x220: {  	v4 =	vld [tilespmem:s23+$0x0]  }
0x221: {  	s24 =	sor.u32 s3, s5;
	v2 =	vadd.f32 v5, v2  }
0x222: {  	v5 =	vld [tilespmem:s24+$0x0]  }
0x223: {  	s25 =	sor.u32 s3, s6;
	v2 =	vadd.f32 v3, v2  }
0x224: {  	v3 =	vld [tilespmem:s25+$0x0]  }
0x225: {  	s26 =	sor.u32 s3, s7;
	v2 =	vadd.f32 v4, v2  }
0x226: {  	v4 =	vld [tilespmem:s26+$0x0]  }
0x227: {  	s28 =	sor.u32 s3, s8;
	v2 =	vadd.f32 v5, v2  }
0x228: {  	v5 =	vld [tilespmem:s28+$0x0]  }
0x229: {  	s29 =	sor.u32 s3, s9;
	v2 =	vadd.f32 v3, v2  }
0x22a: {  	v3 =	vld [tilespmem:s29+$0x0]  }
0x22b: {  	s30 =	sor.u32 s3, s13;
	v2 =	vadd.f32 v4, v2  }
0x22c: {  	v4 =	vld [tilespmem:s30+$0x0]  }
0x22d: {  	s31 =	sor.u32 s3, s14;
	v2 =	vadd.f32 v5, v2  }
0x22e: {  	v5 =	vld [tilespmem:s31+$0x0]  }
0x22f: {  	s2 =	sor.u32 s10, s3;
	v2 =	vadd.f32 v3, v2  }
0x230: {  	v3 =	vld [tilespmem:s2+$0x11C80]  }
0x231: {  	v2 =	vadd.f32 v4, v2  }
0x232: {  	v4 =	vld [tilespmem:s2+$0x11A00]  }
0x233: {  	v2 =	vadd.f32 v5, v2  }
0x234: {  	v5 =	vld [tilespmem:s2+$0x11780]  }
0x235: {  	v2 =	vadd.f32 v3, v2;
	_ =	sdelay $0x1  }
0x236: {  	v4 =	vmul.f32 v2, v4  }
0x237: {  	s5 =	simm.s32 $0x11A40;
	s6 =	simm.s32 $0x117C0;
	s18 =	simm.s32 $0x11540  }
0x238: {  	s7 =	simm.s32 $0x0;
	s15 =	simm.s32 $0x0;
	s19 =	simm.s32 $0x11CC0;
	v2 =	vld [tilespmem:s2+$0x11A00];
	v3 =	vmul.f32 $1.000000010e-01, v5;
	v4 =	vmul.f32 $8.999999760e-01, v4  }
.LBB2_13:
0x239: {  	_ =	sdelay $0x1  }
0x23a: {  	v3 =	vadd.f32 v3, v4  }
0x23b: {  	s0 =	sadd.s32 $0x200, s0  }
0x23c: {  	s7 =	sadd.s32 $0x40, s7;
	s10 =	sand.u32 $0x1C00, s0;
	v2 =	vmul.f32 v3, v2  }
0x23d: {  	s13 =	sand.u32 $0x40, s7;
	s17 =	sadd.s32 $0xED00, s10;
	[tilespmem:s2+$0x11500] =	vst v3  }
0x23e: {  	[dreg:$0x8] =	wrdreg s0;
	s0 =	sor.u32 s13, s17;
	[tilespmem:s2+$0x11C80] =	vst v2  }
0x23f: {  	v2 =	vld [tilespmem:s0+$0x0]  }
0x240: {  	v3 =	vld [tilespmem:s0+$0x80];
	_ =	sdelay $0x1  }
0x241: {  	v4 =	vld [tilespmem:s0+$0x100];
	_ =	sdelay $0x1  }
0x242: {  	v5 =	vld [tilespmem:s0+$0x180]  }
0x243: {  	v2 =	vadd.f32 v3, v2  }
0x244: {  	v3 =	vld [tilespmem:s0+$0x200]  }
0x245: {  	v2 =	vadd.f32 v4, v2  }
0x246: {  	v4 =	vld [tilespmem:s0+$0x280]  }
0x247: {  	v2 =	vadd.f32 v5, v2  }
0x248: {  	v5 =	vld [tilespmem:s0+$0x300]  }
0x249: {  	v2 =	vadd.f32 v3, v2  }
0x24a: {  	s12 =	sor.u32 $0x10100, s10;
	v3 =	vld [tilespmem:s0+$0x380]  }
0x24b: {  	s30 =	sor.u32 s13, s12;
	v2 =	vadd.f32 v4, v2  }
0x24c: {  	s14 =	sor.u32 $0x10180, s10;
	v4 =	vld [tilespmem:s30+$0x0]  }
0x24d: {  	s31 =	sor.u32 s13, s14;
	v2 =	vadd.f32 v5, v2  }
0x24e: {  	s16 =	sor.u32 $0x10200, s10;
	v5 =	vld [tilespmem:s31+$0x0]  }
0x24f: {  	s28 =	sor.u32 s13, s16;
	v2 =	vadd.f32 v3, v2  }
0x250: {  	s11 =	sor.u32 $0x10280, s10;
	v3 =	vld [tilespmem:s28+$0x0]  }
0x251: {  	s20 =	sor.u32 s13, s11;
	v2 =	vadd.f32 v4, v2  }
0x252: {  	s9 =	sor.u32 $0x10300, s10;
	v4 =	vld [tilespmem:s20+$0x0]  }
0x253: {  	s1 =	sor.u32 s13, s9;
	v2 =	vadd.f32 v5, v2  }
0x254: {  	s8 =	sor.u32 $0x10380, s10;
	v5 =	vld [tilespmem:s1+$0x0]  }
0x255: {  	s2 =	sor.u32 s13, s8;
	v2 =	vadd.f32 v3, v2  }
0x256: {  	s21 =	sadd.s32 $0x10400, s10;
	v3 =	vld [tilespmem:s2+$0x0]  }
0x257: {  	s3 =	sor.u32 s13, s21;
	v2 =	vadd.f32 v4, v2  }
0x258: {  	s22 =	sadd.s32 $0x10480, s10;
	v4 =	vld [tilespmem:s3+$0x0]  }
0x259: {  	s4 =	sor.u32 s13, s22;
	v2 =	vadd.f32 v5, v2  }
0x25a: {  	v5 =	vld [tilespmem:s4+$0x0]  }
0x25b: {  	v2 =	vadd.f32 v3, v2  }
0x25c: {  	v3 =	vld [tilespmem:s19+$0x0]  }
0x25d: {  	v2 =	vadd.f32 v4, v2  }
0x25e: {  	v4 =	vld [tilespmem:s5+$0x0]  }
0x25f: {  	v2 =	vadd.f32 v5, v2  }
0x260: {  	v5 =	vld [tilespmem:s6+$0x0]  }
0x261: {  	v2 =	vadd.f32 v3, v2;
	_ =	sdelay $0x1  }
0x262: {  	v2 =	vmul.f32 v2, v4;
	_ =	sdelay $0x1  }
0x263: {  	v3 =	vmul.f32 $1.000000010e-01, v5;
	v2 =	vmul.f32 $8.999999760e-01, v2;
	_ =	sdelay $0x1  }
0x264: {  	v2 =	vadd.f32 v3, v2;
	_ =	sdelay $0x1  }
0x265: {  	[tilespmem:s18+$0x0] =	vst v2  }
0x266: {  	v3 =	vld [tilespmem:s5+$0x0];
	_ =	sdelay $0x4  }
0x267: {  	v2 =	vmul.f32 v2, v3  }
0x268: {  	s24 =	sor.u32 $0x10, s13  }
0x269: {  	s28 =	sor.u32 s24, s17;
	[tilespmem:s19+$0x0] =	vst v2  }
0x26a: {  	v2 =	vld [tilespmem:s28+$0x0]  }
0x26b: {  	v3 =	vld [tilespmem:s28+$0x80];
	_ =	sdelay $0x1  }
0x26c: {  	v4 =	vld [tilespmem:s28+$0x100];
	_ =	sdelay $0x1  }
0x26d: {  	v5 =	vld [tilespmem:s28+$0x180]  }
0x26e: {  	v2 =	vadd.f32 v3, v2  }
0x26f: {  	v3 =	vld [tilespmem:s28+$0x200]  }
0x270: {  	v2 =	vadd.f32 v4, v2  }
0x271: {  	v4 =	vld [tilespmem:s28+$0x280]  }
0x272: {  	v2 =	vadd.f32 v5, v2  }
0x273: {  	v5 =	vld [tilespmem:s28+$0x300]  }
0x274: {  	v2 =	vadd.f32 v3, v2  }
0x275: {  	v3 =	vld [tilespmem:s28+$0x380]  }
0x276: {  	s10 =	sor.u32 s24, s12;
	v2 =	vadd.f32 v4, v2  }
0x277: {  	v4 =	vld [tilespmem:s10+$0x0]  }
0x278: {  	s29 =	sor.u32 s24, s14;
	v2 =	vadd.f32 v5, v2  }
0x279: {  	v5 =	vld [tilespmem:s29+$0x0]  }
0x27a: {  	s23 =	sor.u32 s24, s16;
	v2 =	vadd.f32 v3, v2  }
0x27b: {  	v3 =	vld [tilespmem:s23+$0x0]  }
0x27c: {  	s25 =	sor.u32 s24, s11;
	s26 =	sor.u32 s24, s9;
	v2 =	vadd.f32 v4, v2  }
0x27d: {  	[dreg:$0xc] =	wrdreg s26;
	v4 =	vld [tilespmem:s25+$0x0]  }
0x27e: {  	s26 =	sor.u32 s24, s8;
	s30 =	rddreg [dreg:$0xc];
	v2 =	vadd.f32 v5, v2  }
0x27f: {  	[dreg:$0xb] =	wrdreg s26;
	v5 =	vld [tilespmem:s30+$0x0]  }
0x280: {  	s26 =	sor.u32 s24, s21;
	s31 =	rddreg [dreg:$0xb];
	v2 =	vadd.f32 v3, v2  }
0x281: {  	[dreg:$0xa] =	wrdreg s26;
	v3 =	vld [tilespmem:s31+$0x0]  }
0x282: {  	s26 =	sor.u32 s24, s22;
	s1 =	rddreg [dreg:$0xa];
	v2 =	vadd.f32 v4, v2  }
0x283: {  	[dreg:$0x9] =	wrdreg s26;
	v4 =	vld [tilespmem:s1+$0x0]  }
0x284: {  	s2 =	rddreg [dreg:$0x9];
	v2 =	vadd.f32 v5, v2  }
0x285: {  	s23 =	sand.u32 $0x380, s7;
	v5 =	vld [tilespmem:s2+$0x0]  }
0x286: {  	s3 =	sor.u32 s23, s24;
	v2 =	vadd.f32 v3, v2  }
0x287: {  	v3 =	vld [tilespmem:s3+$0x11C80]  }
0x288: {  	v2 =	vadd.f32 v4, v2  }
0x289: {  	v4 =	vld [tilespmem:s3+$0x11A00]  }
0x28a: {  	v2 =	vadd.f32 v5, v2  }
0x28b: {  	v5 =	vld [tilespmem:s3+$0x11780]  }
0x28c: {  	v2 =	vadd.f32 v3, v2;
	_ =	sdelay $0x1  }
0x28d: {  	v2 =	vmul.f32 v2, v4  }
0x28e: {  	v3 =	vld [tilespmem:s3+$0x11A00]  }
0x28f: {  	v4 =	vmul.f32 $1.000000010e-01, v5;
	v2 =	vmul.f32 $8.999999760e-01, v2;
	_ =	sdelay $0x1  }
0x290: {  	v2 =	vadd.f32 v4, v2;
	_ =	sdelay $0x1  }
0x291: {  	[tilespmem:s3+$0x11500] =	vst v2;
	v2 =	vmul.f32 v2, v3  }
0x292: {  	s4 =	sor.u32 $0x20, s13  }
0x293: {  	s10 =	sor.u32 s4, s17;
	[tilespmem:s3+$0x11C80] =	vst v2  }
0x294: {  	v2 =	vld [tilespmem:s10+$0x0]  }
0x295: {  	v3 =	vld [tilespmem:s10+$0x80];
	_ =	sdelay $0x1  }
0x296: {  	v5 =	vld [tilespmem:s10+$0x100];
	_ =	sdelay $0x1  }
0x297: {  	v7 =	vld [tilespmem:s10+$0x180]  }
0x298: {  	v2 =	vadd.f32 v3, v2  }
0x299: {  	v8 =	vld [tilespmem:s10+$0x200]  }
0x29a: {  	v2 =	vadd.f32 v5, v2  }
0x29b: {  	v5 =	vld [tilespmem:s10+$0x280]  }
0x29c: {  	v2 =	vadd.f32 v7, v2  }
0x29d: {  	v7 =	vld [tilespmem:s10+$0x300]  }
0x29e: {  	v2 =	vadd.f32 v8, v2  }
0x29f: {  	v59 =	vld [tilespmem:s10+$0x380]  }
0x2a0: {  	s20 =	sor.u32 s4, s12;
	v2 =	vadd.f32 v5, v2  }
0x2a1: {  	v5 =	vld [tilespmem:s20+$0x0]  }
0x2a2: {  	s24 =	sor.u32 s4, s14;
	v2 =	vadd.f32 v7, v2  }
0x2a3: {  	v7 =	vld [tilespmem:s24+$0x0]  }
0x2a4: {  	s25 =	sor.u32 s4, s16;
	v2 =	vadd.f32 v59, v2  }
0x2a5: {  	v60 =	vld [tilespmem:s25+$0x0]  }
0x2a6: {  	s26 =	sor.u32 s4, s11;
	v2 =	vadd.f32 v5, v2  }
0x2a7: {  	v5 =	vld [tilespmem:s26+$0x0]  }
0x2a8: {  	s28 =	sor.u32 s4, s9;
	v2 =	vadd.f32 v7, v2  }
0x2a9: {  	v7 =	vld [tilespmem:s28+$0x0]  }
0x2aa: {  	s29 =	sor.u32 s4, s8;
	v2 =	vadd.f32 v60, v2  }
0x2ab: {  	v61 =	vld [tilespmem:s29+$0x0]  }
0x2ac: {  	s30 =	sor.u32 s4, s21;
	v2 =	vadd.f32 v5, v2  }
0x2ad: {  	v5 =	vld [tilespmem:s30+$0x0]  }
0x2ae: {  	s1 =	sor.u32 s4, s22;
	v2 =	vadd.f32 v7, v2  }
0x2af: {  	v7 =	vld [tilespmem:s1+$0x0]  }
0x2b0: {  	s31 =	sor.u32 s23, s4;
	v2 =	vadd.f32 v61, v2  }
0x2b1: {  	v62 =	vld [tilespmem:s31+$0x11C80]  }
0x2b2: {  	v2 =	vadd.f32 v5, v2  }
0x2b3: {  	v4 =	vld [tilespmem:s31+$0x11A00]  }
0x2b4: {  	v2 =	vadd.f32 v7, v2  }
0x2b5: {  	v6 =	vld [tilespmem:s31+$0x11780]  }
0x2b6: {  	v2 =	vadd.f32 v62, v2;
	_ =	sdelay $0x1  }
0x2b7: {  	v2 =	vmul.f32 v2, v4  }
0x2b8: {  	v3 =	vld [tilespmem:s31+$0x11A00]  }
0x2b9: {  	v4 =	vmul.f32 $1.000000010e-01, v6;
	v2 =	vmul.f32 $8.999999760e-01, v2;
	_ =	sdelay $0x1  }
0x2ba: {  	v2 =	vadd.f32 v4, v2;
	_ =	sdelay $0x1  }
0x2bb: {  	[tilespmem:s31+$0x11500] =	vst v2;
	v2 =	vmul.f32 v2, v3  }
0x2bc: {  	s20 =	sor.u32 $0x30, s13  }
0x2bd: {  	s24 =	sor.u32 s20, s17;
	[tilespmem:s31+$0x11C80] =	vst v2  }
0x2be: {  	v2 =	vld [tilespmem:s24+$0x0]  }
0x2bf: {  	v3 =	vld [tilespmem:s24+$0x80];
	_ =	sdelay $0x1  }
0x2c0: {  	v4 =	vld [tilespmem:s24+$0x100];
	_ =	sdelay $0x1  }
0x2c1: {  	v5 =	vld [tilespmem:s24+$0x180]  }
0x2c2: {  	v2 =	vadd.f32 v3, v2  }
0x2c3: {  	v6 =	vld [tilespmem:s24+$0x200]  }
0x2c4: {  	v2 =	vadd.f32 v4, v2  }
0x2c5: {  	v7 =	vld [tilespmem:s24+$0x280]  }
0x2c6: {  	v2 =	vadd.f32 v5, v2  }
0x2c7: {  	v3 =	vld [tilespmem:s24+$0x300]  }
0x2c8: {  	v2 =	vadd.f32 v6, v2  }
0x2c9: {  	v63 =	vld [tilespmem:s24+$0x380]  }
0x2ca: {  	s25 =	sor.u32 s20, s12;
	v2 =	vadd.f32 v7, v2  }
0x2cb: {  	v4 =	vld [tilespmem:s25+$0x0]  }
0x2cc: {  	s26 =	sor.u32 s20, s14;
	v2 =	vadd.f32 v3, v2  }
0x2cd: {  	v9 =	vld [tilespmem:s26+$0x0]  }
0x2ce: {  	s28 =	sor.u32 s20, s16;
	v8 =	vadd.f32 v63, v2  }
0x2cf: {  	v5 =	vld [tilespmem:s28+$0x0]  }
0x2d0: {  	s29 =	sor.u32 s20, s11;
	v4 =	vadd.f32 v4, v8  }
0x2d1: {  	v10 =	vld [tilespmem:s29+$0x0]  }
0x2d2: {  	s9 =	sor.u32 s20, s9;
	v4 =	vadd.f32 v9, v4  }
0x2d3: {  	v6 =	vld [tilespmem:s9+$0x0]  }
0x2d4: {  	s8 =	sor.u32 s20, s8;
	v4 =	vadd.f32 v5, v4  }
0x2d5: {  	v11 =	vld [tilespmem:s8+$0x0]  }
0x2d6: {  	s30 =	sor.u32 s20, s21;
	v4 =	vadd.f32 v10, v4  }
0x2d7: {  	v7 =	vld [tilespmem:s30+$0x0]  }
0x2d8: {  	s31 =	sor.u32 s20, s22;
	v4 =	vadd.f32 v6, v4  }
0x2d9: {  	v12 =	vld [tilespmem:s31+$0x0]  }
0x2da: {  	s2 =	sor.u32 s23, s20;
	v4 =	vadd.f32 v11, v4  }
0x2db: {  	v3 =	vld [tilespmem:s2+$0x11C80]  }
0x2dc: {  	v4 =	vadd.f32 v7, v4  }
0x2dd: {  	v13 =	vld [tilespmem:s2+$0x11A00]  }
0x2de: {  	s15 =	sadd.s32 $0x4, s15;
	v4 =	vadd.f32 v12, v4  }
0x2df: {  	p2 =	slt.u32 s15, $0x24;
	v14 =	vld [tilespmem:s2+$0x11780]  }
.Ltmp7:
0x2e0: {  	v3 =	vadd.f32 v3, v4;
	(pc) =	sbr.rel @p2 .LBB2_13-.Ltmp7, $4  }
0x2e1: {  	_ = 	snop  }
0x2e2: {  	v4 =	vmul.f32 v3, v13  }
0x2e3: {  	s0 =	rddreg [dreg:$0x8];
	s6 =	sadd.s32 $0x40, s6  }
0x2e4: {  	s18 =	sadd.s32 $0x40, s18;
	s5 =	sadd.s32 $0x40, s5;
	s19 =	sadd.s32 $0x40, s19;
	v2 =	vld [tilespmem:s2+$0x11A00];
	v3 =	vmul.f32 $1.000000010e-01, v14;
	v4 =	vmul.f32 $8.999999760e-01, v4  }
0x2e5: {  	_ =	sdelay $0x1  }
0x2e6: {  	v3 =	vadd.f32 v3, v4;
	_ =	sdelay $0x1  }
0x2e7: {  	v2 =	vmul.f32 v3, v2  }
0x2e8: {  	[tilespmem:s2+$0x11500] =	vst v3  }
0x2e9: {  	s0 =	rddreg [dreg:$0x14];
	s1 =	simm.s32 $0x11C80;
	s12 =	simm.s32 $0x2;
	[tilespmem:s2+$0x11C80] =	vst v2  }
0x2ea: {  	[spmem:s0] =	stream.linear.scatter [tilespmem:s1], [sflag:$0x2], $0x280, $0x38;
	[tilespmem:$0x15E80] =	vst v63  }
0x2eb: {  	_ =	swait.ge [sflag:s12], $0x280  }
0x2ec: {  	s31 =	rddreg [dreg:$0x1a]  }
0x2ed: {  	s0 =	sadd.s32 $0x1, s31  }
0x2ee: {  	p2 =	sne.s32 s0, $0xA  }
.Ltmp8:
0x2ef: {  	_ = 	snop;
	(pc) =	sbr.rel @p2 .LBB2_8-.Ltmp8, $4  }
0x2f0: {  	[sflag:s12] =	ssyncset.done $0x0  }
0x2f1: {  	[sflag:s12] =	ssyncadd.s32 $0xFFFFFD80  }
0x2f2: {  	[bflag:$0x0] =	sbarrier.arrive $0xFFFF  }
0x2f3: {  	s13 =	simm.s32 $0xC500;
	s14 =	simm.s32 $0x9D00  }
0x2f4: {  	[tilespmem:$0x12180] =	vst v0  }
0x2f5: {  	[tilespmem:$0x12200] =	vst v0  }
0x2f6: {  	[tilespmem:$0x12190] =	vst v0  }
0x2f7: {  	[tilespmem:$0x12210] =	vst v0  }
0x2f8: {  	[tilespmem:$0x121A0] =	vst v0  }
0x2f9: {  	[tilespmem:$0x12220] =	vst v0  }
0x2fa: {  	[tilespmem:$0x121B0] =	vst v0  }
0x2fb: {  	[tilespmem:$0x12230] =	vst v0  }
0x2fc: {  	[tilespmem:$0x121C0] =	vst v0  }
0x2fd: {  	[tilespmem:$0x12240] =	vst v0  }
0x2fe: {  	[tilespmem:$0x121D0] =	vst v0  }
0x2ff: {  	[tilespmem:$0x12250] =	vst v0  }
0x300: {  	[tilespmem:$0x121E0] =	vst v0  }
0x301: {  	[tilespmem:$0x12260] =	vst v0  }
0x302: {  	[tilespmem:$0x121F0] =	vst v0  }
0x303: {  	[tilespmem:$0x12270] =	vst v0;
	s1 =	simm.s32 $0x0  }
0x304: {  	s0 =	simm.s32 $0x40;
	s2 =	simm.s32 $0x12180;
	s3 =	simm.s32 $0x12200;
	v2 =	vld [tilespmem:s1+$0x11F00]  }
.LBB2_16:
0x305: {  	p2 =	sne.s32 s0, $0x9C0;
	_ =	sdelay $0x1  }
0x306: {  	v3 =	vld [tilespmem:s1+$0x11500];
	_ =	sdelay $0x2  }
.Ltmp9:
0x307: {  	(pc) =	sbr.rel @p2 .LBB2_16-.Ltmp9, $4  }
0x308: {  	_ = 	snop  }
0x309: {  	[tilespmem:v2+s2+$0x0] =	vst.idx.add.f32.msk $0xffff, v3  }
0x30a: {  	s1 =	sshra.s32 s0, $0x2;
	[tilespmem:v2+s3+$0x0] =	vst.idx.add.f32.msk $0xffff, v1  }
0x30b: {  	s0 =	sadd.s32 $0x40, s0;
	v2 =	vld [tilespmem:s1+$0x11F00]  }
0x30c: {  	_ =	sdelay $0x2  }
0x30d: {  	v3 =	vld [tilespmem:s1+$0x11500];
	_ =	sdelay $0x4  }
0x30e: {  	[tilespmem:v2+s2+$0x0] =	vst.idx.add.f32.msk $0xffff, v3  }
0x30f: {  	s0 =	rddreg [dreg:$0x15];
	[tilespmem:v2+s3+$0x0] =	vst.idx.add.f32.msk $0xffff, v1  }
0x310: {  	[spmem:s0] =	stream.linear.scatter [tilespmem:s2], [sflag:$0x2], $0x80, $0x38;
	[tilespmem:$0x15E80] =	vst v63  }
0x311: {  	_ =	swait.ge [sflag:s12], $0x80  }
0x312: {  	[sflag:s12] =	ssyncset.done $0x0  }
0x313: {  	s31 =	rddreg [dreg:$0x16];
	[sflag:s12] =	ssyncadd.s32 $0xFFFFFF80  }
0x314: {  	[spmem:s31] =	stream.linear.scatter [tilespmem:s3], [sflag:$0x2], $0x80, $0x38;
	[tilespmem:$0x15E80] =	vst v63  }
.Ltmp10:
0x315: {  	_ =	swait.ge [sflag:s12], $0x80;
	(pc) =	sbr.rel @p1 .LBB2_21-.Ltmp10, $4  }
0x316: {  	[sflag:s12] =	ssyncset.done $0x0  }
0x317: {  	[sflag:s12] =	ssyncadd.s32 $0xFFFFFF80  }
0x318: {  	[bflag:$0x0] =	sbarrier.arrive $0xFFFF  }
0x319: {  	s1 =	rddreg [dreg:$0x19]  }
0x31a: {  	s0 =	rddreg [dreg:$0x3];
	s1 =	simm.s32 $0x12280  }
0x31b: {  	[tilespmem:s1], [sflag:$0x2] =	stream.linear.gather [spmem:s0], $0x800, $0x38;
	[tilespmem:$0x15E80] =	vst v63  }
0x31c: {  	_ =	swait.ge [sflag:s12], $0x800  }
0x31d: {  	[sflag:s12] =	ssyncset.done $0x0  }
0x31e: {  	[sflag:s12] =	ssyncadd.s32 $0xFFFFF800  }
0x31f: {  	s31 =	simm.s32 $0x12A80;
	s30 =	rddreg [dreg:$0x4]  }
0x320: {  	[tilespmem:s31], [sflag:$0x2] =	stream.linear.gather [spmem:s30], $0x800, $0x38;
	[tilespmem:$0x15E80] =	vst v63  }
0x321: {  	_ =	swait.ge [sflag:s12], $0x800  }
0x322: {  	[sflag:s12] =	ssyncset.done $0x0  }
0x323: {  	s0 =	simm.s32 $0x0;
	[sflag:s12] =	ssyncadd.s32 $0xFFFFF800  }
0x324: {  	v2 =	vld [tilespmem:s0+$0x12A80]  }
0x325: {  	v3 =	vld [tilespmem:s0+$0x12B00];
	_ =	sdelay $0x1  }
0x326: {  	v4 =	vld [tilespmem:s0+$0x12B80];
	_ =	sdelay $0x1  }
0x327: {  	v5 =	vld [tilespmem:s0+$0x12C00]  }
0x328: {  	v2 =	vadd.f32 v3, v2  }
0x329: {  	v3 =	vld [tilespmem:s0+$0x12C80]  }
0x32a: {  	v2 =	vadd.f32 v4, v2  }
0x32b: {  	v4 =	vld [tilespmem:s0+$0x12D00]  }
0x32c: {  	v6 =	vld [tilespmem:s0+$0x12280];
	v2 =	vadd.f32 v5, v2  }
0x32d: {  	v5 =	vld [tilespmem:s0+$0x12D80]  }
0x32e: {  	v7 =	vld [tilespmem:s0+$0x12300];
	v2 =	vadd.f32 v3, v2  }
0x32f: {  	v3 =	vld [tilespmem:s0+$0x12E00]  }
0x330: {  	v8 =	vld [tilespmem:s0+$0x12380];
	v2 =	vadd.f32 v4, v2  }
0x331: {  	v4 =	vld [tilespmem:s0+$0x12E80]  }
0x332: {  	v9 =	vld [tilespmem:s0+$0x12400];
	v2 =	vadd.f32 v5, v2  }
0x333: {  	v6 =	vadd.f32 v7, v6;
	v5 =	vld [tilespmem:s0+$0x12F00]  }
0x334: {  	v7 =	vld [tilespmem:s0+$0x12480];
	v2 =	vadd.f32 v3, v2  }
0x335: {  	v6 =	vadd.f32 v8, v6;
	v3 =	vld [tilespmem:s0+$0x12F80]  }
0x336: {  	v8 =	vld [tilespmem:s0+$0x12500];
	v2 =	vadd.f32 v4, v2  }
0x337: {  	v6 =	vadd.f32 v9, v6;
	v4 =	vld [tilespmem:s0+$0x13000]  }
0x338: {  	v9 =	vld [tilespmem:s0+$0x12580];
	v2 =	vadd.f32 v5, v2  }
0x339: {  	v6 =	vadd.f32 v7, v6;
	v5 =	vld [tilespmem:s0+$0x13080]  }
0x33a: {  	v7 =	vld [tilespmem:s0+$0x12600];
	v2 =	vadd.f32 v3, v2  }
0x33b: {  	v6 =	vadd.f32 v8, v6;
	v3 =	vld [tilespmem:s0+$0x13100]  }
0x33c: {  	v8 =	vld [tilespmem:s0+$0x12680];
	v2 =	vadd.f32 v4, v2  }
0x33d: {  	v10 =	vld [tilespmem:s0+$0x13180];
	v9 =	vadd.f32 v9, v6  }
0x33e: {  	v4 =	vld [tilespmem:s0+$0x12700];
	v2 =	vadd.f32 v5, v2  }
0x33f: {  	v6 =	vld [tilespmem:s0+$0x13200];
	v7 =	vadd.f32 v7, v9  }
0x340: {  	v5 =	vld [tilespmem:s0+$0x12780];
	v9 =	vadd.f32 v3, v2  }
0x341: {  	s1 =	simm.s32 $0x10;
	v7 =	vadd.f32 v8, v7;
	v3 =	vld [tilespmem:s0+$0x12800]  }
0x342: {  	s2 =	simm.s32 $0x80;
	v2 =	vld [tilespmem:s1+$0x12A80];
	v8 =	vadd.f32 v10, v9  }
.LBB2_19:
0x343: {  	p2 =	sne.s32 s2, $0x1C0;
	v9 =	vld [tilespmem:s1+$0x12B00];
	v4 =	vadd.f32 v4, v7  }
0x344: {  	v7 =	vld [tilespmem:s0+$0x12880];
	v6 =	vadd.f32 v6, v8  }
0x345: {  	v8 =	vld [tilespmem:s1+$0x12B80];
	v4 =	vadd.f32 v5, v4  }
0x346: {  	v5 =	vld [tilespmem:s0+$0x12900];
	v6 =	vmax.f32 v6, $1.000000000e+00  }
0x347: {  	v10 =	vld [tilespmem:s1+$0x12C00];
	v3 =	vadd.f32 v3, v4;
	(erf) = vrcp.f32 v6  }
0x348: {  	v2 =	vadd.f32 v9, v2;
	v4 =	vld [tilespmem:s0+$0x12980]  }
0x349: {  	v6 =	vld [tilespmem:s1+$0x12C80];
	v3 =	vadd.f32 v7, v3  }
0x34a: {  	v2 =	vadd.f32 v8, v2;
	v7 =	vld [tilespmem:s0+$0x12A00]  }
0x34b: {  	v8 =	vld [tilespmem:s1+$0x12D00];
	v3 =	vadd.f32 v5, v3  }
0x34c: {  	v5 =	vld [tilespmem:s1+$0x12280];
	v2 =	vadd.f32 v10, v2  }
0x34d: {  	v9 =	vld [tilespmem:s1+$0x12D80];
	v3 =	vadd.f32 v4, v3  }
0x34e: {  	v4 =	vld [tilespmem:s1+$0x12300];
	v2 =	vadd.f32 v6, v2  }
0x34f: {  	v6 =	vld [tilespmem:s1+$0x12E00];
	v3 =	vadd.f32 v7, v3  }
0x350: {  	v7 =	vld [tilespmem:s1+$0x12380];
	v2 =	vadd.f32 v8, v2;
	v8 =	vpop (erf)  }
0x351: {  	v10 =	vld [tilespmem:s1+$0x12E80];
	v3 =	vmul.f32 v8, v3  }
0x352: {  	v8 =	vld [tilespmem:s1+$0x12400];
	v2 =	vadd.f32 v9, v2  }
0x353: {  	v4 =	vadd.f32 v4, v5;
	v5 =	vld [tilespmem:s1+$0x12F00];
	[tilespmem:s0+$0x13280] =	vst v3;
	s0 =	smov.u32 s1  }
0x354: {  	v3 =	vld [tilespmem:s0+$0x12480];
	v2 =	vadd.f32 v6, v2  }
0x355: {  	v4 =	vadd.f32 v7, v4;
	v6 =	vld [tilespmem:s0+$0x12F80]  }
0x356: {  	v7 =	vld [tilespmem:s0+$0x12500];
	v2 =	vadd.f32 v10, v2  }
0x357: {  	v4 =	vadd.f32 v8, v4;
	v8 =	vld [tilespmem:s0+$0x13000]  }
0x358: {  	v9 =	vld [tilespmem:s0+$0x12580];
	v2 =	vadd.f32 v5, v2  }
0x359: {  	v3 =	vadd.f32 v3, v4;
	v5 =	vld [tilespmem:s0+$0x13080]  }
0x35a: {  	v10 =	vld [tilespmem:s0+$0x12600];
	v2 =	vadd.f32 v6, v2  }
0x35b: {  	v3 =	vadd.f32 v7, v3;
	v7 =	vld [tilespmem:s0+$0x13100]  }
0x35c: {  	v11 =	vld [tilespmem:s0+$0x12680];
	v2 =	vadd.f32 v8, v2  }
0x35d: {  	v3 =	vadd.f32 v9, v3;
	v8 =	vld [tilespmem:s0+$0x13180]  }
.Ltmp11:
0x35e: {  	v4 =	vld [tilespmem:s0+$0x12700];
	v2 =	vadd.f32 v5, v2;
	(pc) =	sbr.rel @p2 .LBB2_19-.Ltmp11, $4  }
0x35f: {  	v3 =	vadd.f32 v10, v3;
	v6 =	vld [tilespmem:s0+$0x13200]  }
0x360: {  	v5 =	vld [tilespmem:s0+$0x12780];
	v9 =	vadd.f32 v7, v2  }
0x361: {  	s1 =	sshra.s32 s2, $0x2;
	v7 =	vadd.f32 v11, v3;
	v3 =	vld [tilespmem:s0+$0x12800]  }
0x362: {  	s2 =	sadd.s32 $0x40, s2;
	v2 =	vld [tilespmem:s1+$0x12A80];
	v8 =	vadd.f32 v8, v9  }
0x363: {  	v9 =	vld [tilespmem:s1+$0x12B00];
	v4 =	vadd.f32 v4, v7  }
0x364: {  	v32 =	vld [tilespmem:s0+$0x12880];
	v6 =	vadd.f32 v6, v8  }
0x365: {  	v33 =	vld [tilespmem:s1+$0x12B80];
	v4 =	vadd.f32 v5, v4  }
0x366: {  	v34 =	vld [tilespmem:s0+$0x12900];
	v6 =	vmax.f32 v6, $1.000000000e+00  }
0x367: {  	v10 =	vld [tilespmem:s1+$0x12C00];
	v3 =	vadd.f32 v3, v4;
	(erf) = vrcp.f32 v6  }
0x368: {  	v35 =	vld [tilespmem:s0+$0x12980];
	v2 =	vadd.f32 v9, v2  }
0x369: {  	v36 =	vld [tilespmem:s1+$0x12C80];
	v3 =	vadd.f32 v32, v3  }
0x36a: {  	v37 =	vld [tilespmem:s0+$0x12A00];
	v2 =	vadd.f32 v33, v2  }
0x36b: {  	v38 =	vld [tilespmem:s1+$0x12D00];
	v3 =	vadd.f32 v34, v3  }
0x36c: {  	v39 =	vld [tilespmem:s1+$0x12280];
	v2 =	vadd.f32 v10, v2  }
0x36d: {  	v40 =	vld [tilespmem:s1+$0x12D80];
	v3 =	vadd.f32 v35, v3  }
0x36e: {  	v41 =	vld [tilespmem:s1+$0x12300];
	v2 =	vadd.f32 v36, v2  }
0x36f: {  	v42 =	vld [tilespmem:s1+$0x12E00];
	v3 =	vadd.f32 v37, v3  }
0x370: {  	v43 =	vld [tilespmem:s1+$0x12380];
	v2 =	vadd.f32 v38, v2;
	v44 =	vpop (erf)  }
0x371: {  	v45 =	vld [tilespmem:s1+$0x12E80];
	v3 =	vmul.f32 v44, v3  }
0x372: {  	v46 =	vld [tilespmem:s1+$0x12400];
	v2 =	vadd.f32 v40, v2  }
0x373: {  	v47 =	vld [tilespmem:s1+$0x12F00];
	v4 =	vadd.f32 v41, v39;
	[tilespmem:s0+$0x13280] =	vst v3  }
0x374: {  	v3 =	vld [tilespmem:s1+$0x12480];
	v2 =	vadd.f32 v42, v2  }
0x375: {  	v4 =	vadd.f32 v43, v4;
	v48 =	vld [tilespmem:s1+$0x12F80]  }
0x376: {  	v49 =	vld [tilespmem:s1+$0x12500];
	v2 =	vadd.f32 v45, v2  }
0x377: {  	v4 =	vadd.f32 v46, v4;
	v50 =	vld [tilespmem:s1+$0x13000]  }
0x378: {  	v51 =	vld [tilespmem:s1+$0x12580];
	v2 =	vadd.f32 v47, v2  }
0x379: {  	v52 =	vld [tilespmem:s1+$0x13080];
	v3 =	vadd.f32 v3, v4  }
0x37a: {  	v53 =	vld [tilespmem:s1+$0x12600];
	v2 =	vadd.f32 v48, v2  }
0x37b: {  	v54 =	vld [tilespmem:s1+$0x13100];
	v3 =	vadd.f32 v49, v3  }
0x37c: {  	v55 =	vld [tilespmem:s1+$0x12680];
	v2 =	vadd.f32 v50, v2  }
0x37d: {  	v56 =	vld [tilespmem:s1+$0x13180];
	v3 =	vadd.f32 v51, v3  }
0x37e: {  	v57 =	vld [tilespmem:s1+$0x12700];
	v2 =	vadd.f32 v52, v2  }
0x37f: {  	v58 =	vld [tilespmem:s1+$0x13200];
	v3 =	vadd.f32 v53, v3  }
0x380: {  	v59 =	vld [tilespmem:s1+$0x12780];
	v2 =	vadd.f32 v54, v2  }
0x381: {  	v3 =	vadd.f32 v55, v3  }
0x382: {  	v60 =	vld [tilespmem:s1+$0x12800];
	v2 =	vadd.f32 v56, v2  }
0x383: {  	v3 =	vadd.f32 v57, v3  }
0x384: {  	v61 =	vld [tilespmem:s1+$0x12880];
	v2 =	vadd.f32 v58, v2  }
0x385: {  	v3 =	vadd.f32 v59, v3  }
0x386: {  	v62 =	vld [tilespmem:s1+$0x12900];
	v2 =	vmax.f32 v2, $1.000000000e+00  }
0x387: {  	v3 =	vadd.f32 v60, v3;
	(erf) = vrcp.f32 v2  }
0x388: {  	v2 =	vld [tilespmem:s1+$0x12980]  }
0x389: {  	v3 =	vadd.f32 v61, v3  }
0x38a: {  	v63 =	vld [tilespmem:s1+$0x12A00]  }
0x38b: {  	v3 =	vadd.f32 v62, v3;
	_ =	sdelay $0x1  }
0x38c: {  	v2 =	vadd.f32 v2, v3;
	_ =	sdelay $0x1  }
0x38d: {  	v2 =	vadd.f32 v63, v2  }
0x38e: {  	v3 =	vpop (erf)  }
0x38f: {  	v2 =	vmul.f32 v3, v2  }
0x390: {  	s30 =	simm.s32 $0x0  }
.Ltmp12:
0x391: {  	s31 =	rddreg [dreg:$0x17];
	s2 =	simm.s32 $0x13280;
	[tilespmem:s1+$0x13280] =	vst v2;
	(pc) =	sbr.rel .LBB2_21-.Ltmp12, $4  }
0x392: {  	[hbm4b:s31+s30] =	stream.linear.scatter [tilespmem:s2], [sflag:$0x2], $0x40, $0x38;
	[tilespmem:$0x15E80] =	vst v63  }
0x393: {  	_ =	swait.ge [sflag:s12], $0x40  }
0x394: {  	[sflag:s12] =	ssyncset.done $0x0  }
0x395: {  	s1 =	rddreg [dreg:$0x19];
	[sflag:s12] =	ssyncadd.s32 $0xFFFFFFC0  }
.LBB2_22:
0x396: {  	_ =	sfence.sel $0x180000  }
0x397: {  	[bflag:$0x0] =	sbarrier.arrive $0xFFFF  }
0x398: {  	_ =	strace $0x90000047  }
0x399: {  	[bflag:$0x2] =	sbarrier.arrive $0xFFFF  }
0x39a: {  	s0 =	rddreg [dreg:$0x7]  }
0x39b: {  	s0 =	sadd.s32 @!p1 $0x100000, s0  }
0x39c: {  	[sflag:s0] =	ssyncadd.tile.s32 @!p1 $0x1;
	_ =	shalt  }
.Lfunc_end2:
_tile_overlayer_lowered:
.L_overlay_start_2:
0x39d: {  	(tag) =	ssettag $0x2  }
0x39e: {  	s0 =	rddreg [dreg:$0x0];
	s2 =	stileid.u32  }
0x39f: {  	s1 =	rddreg [dreg:$0x1];
	p0 =	sne.s32 s2, $0x0  }
0x3a0: {  	s3 =	rddreg [dreg:$0x2];
	[bflag:$0x3] =	sbarrier.arrive $0xFFFF;
	s2 =	simm.s32 @!p0 $0x1C02  }
0x3a1: {  	[timem:s3], [sflag:s2] =	dma.local @!p0 [hbm:s0], s1  }
0x3a2: {  	s0 =	simm.s32 @!p0 $0x2  }
0x3a3: {  	_ =	swait.ge @!p0 [sflag:s0], s1  }
0x3a4: {  	s1 =	ssub.s32 @!p0 $0x0, s1;
	[sflag:s0] =	ssyncset.done @!p0 $0x0  }
0x3a5: {  	[sflag:s0] =	ssyncadd.s32 @!p0 s1  }
0x3a6: {  	[bflag:$0x3] =	sbarrier.arrive $0xFFFF  }
0x3a7: {  	_ =	shalt  }

</sc_bundles>
